<compile_context>
chip_gen: v7x
topology: tpu7x:2x2x1
jax: 0.10.2.dev20260603
libtpu: 0.0.44.dev20260713+nightly
codegen_flags: <defaults>
</compile_context>

<pallas_src>
import functools

import jax
import jax.numpy as jnp
from jax import lax
from jax.experimental import pallas as pl
from jax.experimental.pallas import tpu as pltpu
from jax.experimental.pallas import tpu_sc as plsc

BATCH = 4
SEQ = 8192
DIM = 768

NUM_CORES = 2
NUM_SUBCORES = 16
NW = NUM_CORES * NUM_SUBCORES
SPW = SEQ // NW
CH = 32
CHW = CH * DIM
NSC = SPW // CH
NCHUNK = NSC * BATCH
LANES = 16
UNROLL = 8


@functools.partial(
    pl.kernel,
    mesh=plsc.VectorSubcoreMesh(core_axis_name="c", subcore_axis_name="s"),
    out_type=jax.ShapeDtypeStruct((BATCH * SEQ * DIM,), jnp.float32),
    scratch_types=[
        pltpu.VMEM((CHW,), jnp.float32),
        pltpu.VMEM((CHW,), jnp.float32),
        pltpu.VMEM((CHW,), jnp.float32),
        pltpu.SemaphoreType.DMA,
        pltpu.SemaphoreType.DMA,
        pltpu.SemaphoreType.DMA,
        pltpu.SemaphoreType.DMA,
    ],
)
def _posadd(x_hbm, w_hbm, out_hbm, wbuf, xbuf0, xbuf1, is0, is1, os0, os1):
    wid = lax.axis_index("s") * NUM_CORES + lax.axis_index("c")
    wrow0 = wid * SPW

    xbufs = (xbuf0, xbuf1)
    in_sems = (is0, is1)
    out_sems = (os0, os1)

    def x_off(k):
        sc, b = divmod(k, BATCH)
        return (b * SEQ + wrow0 + sc * CH) * DIM

    def start_in(k):
        return pltpu.async_copy(
            x_hbm.at[pl.ds(x_off(k), CHW)], xbufs[k % 2], in_sems[k % 2]
        )

    in_descs = [None] * NCHUNK
    out_descs = [None] * NCHUNK
    in_descs[0] = start_in(0)

    for k in range(NCHUNK):
        buf = xbufs[k % 2]
        sc, b = divmod(k, BATCH)
        if b == 0:
            pltpu.sync_copy(w_hbm.at[pl.ds((wrow0 + sc * CH) * DIM, CHW)], wbuf)
        in_descs[k].wait()
        if k >= 2:
            out_descs[k - 2].wait()
        if k + 1 < NCHUNK:
            in_descs[k + 1] = start_in(k + 1)

        @plsc.parallel_loop(0, CHW, LANES, unroll=UNROLL)
        def _(i):
            plsc.addupdate(buf.at[pl.ds(i, LANES)], wbuf[pl.ds(i, LANES)])

        out_descs[k] = pltpu.async_copy(
            buf, out_hbm.at[pl.ds(x_off(k), CHW)], out_sems[k % 2]
        )

    out_descs[NCHUNK - 2].wait()
    out_descs[NCHUNK - 1].wait()


def kernel(x, pos_embed_weight):
    out = _posadd(x.reshape(-1), pos_embed_weight.reshape(-1))
    return out.reshape(x.shape)

# --- scband reference (transcript-rebuilt; emitter-appended) ---
"""Pipeline reference for scband-positional-embedding-31473520345098 (READ-ONLY COPY).

The authoritative reference and input builder live on the scoring server;
editing this copy changes nothing except your own understanding.
"""

import jax, jax.numpy as jnp
import numpy as np

DIM = 768
MAX_SEQ_LENGTH = 8192
BATCH = 4
SEQ_LEN = 8192

def setup_inputs(seed: int = 0) -> dict:
    key = jax.random.key(seed)
    k1, k2 = jax.random.split(key)
    x = jax.random.normal(k1, (BATCH, SEQ_LEN, DIM), dtype=jnp.float32)
    pos_embed_weight = jax.random.normal(k2, (MAX_SEQ_LENGTH, DIM), dtype=jnp.float32)
    return {"x": x, "pos_embed_weight": pos_embed_weight}

def reference(x, pos_embed_weight):
    seq_len = x.shape[1]
    positions = jnp.arange(seq_len)[None, :]  # [1, S]
    pos_embedding = jnp.take(pos_embed_weight, positions, axis=0)  # [1, S, dim]
    return x + pos_embedding

if __name__ == "__main__":
    import jax
    _d = setup_inputs()
    print(jax.jit(kernel)(*tuple(_d.values())))

</pallas_src>

<mosaic_0001>
#map = affine_map<(d0, d1) -> (0)>
module attributes {stable_mosaic.version = 14 : i64} {
  func.func @_posadd(%arg0: i32, %arg1: i32, %arg2: memref<25165824xf32, #tpu.memory_space<hbm>>, %arg3: memref<6291456xf32, #tpu.memory_space<hbm>>, %arg4: memref<25165824xf32, #tpu.memory_space<hbm>>, %arg5: memref<24576xf32, #tpu.memory_space<vmem>>, %arg6: memref<24576xf32, #tpu.memory_space<vmem>>, %arg7: memref<24576xf32, #tpu.memory_space<vmem>>, %arg8: memref<!tpu.dma_semaphore, #tpu.memory_space<semaphore_mem>>, %arg9: memref<!tpu.dma_semaphore, #tpu.memory_space<semaphore_mem>>, %arg10: memref<!tpu.dma_semaphore, #tpu.memory_space<semaphore_mem>>, %arg11: memref<!tpu.dma_semaphore, #tpu.memory_space<semaphore_mem>>) attributes {dimension_semantics = [#tpu.dimension_semantics<core_parallel>, #tpu.dimension_semantics<subcore_parallel>], iteration_bounds = array<i64: 2, 16>, scalar_prefetch = 0 : i64, scratch_operands = 7 : i64, tpu.core_type = #tpu.core_type<sc_vector_subcore>, window_params = [{transform_indices = #map}, {transform_indices = #map}, {transform_indices = #map}]} {
    %mul3A = arith.constant 2 : i32
    %mul3A_0 = arith.muli %arg1, %mul3A : i32
    %add3A = arith.addi %mul3A_0, %arg0 : i32
    %mul3A_1 = arith.constant 256 : i32
    %mul3A_2 = arith.muli %add3A, %mul3A_1 : i32
    %add3A_3 = arith.constant 0 : i32
    %add3A_4 = arith.addi %add3A_3, %mul3A_2 : i32
    %add3A_5 = arith.constant 0 : i32
    %add3A_6 = arith.addi %add3A_4, %add3A_5 : i32
    %mul3A_7 = arith.constant 768 : i32
    %mul3A_8 = arith.muli %add3A_6, %mul3A_7 : i32
    %dma_start3A = tpu.memref_slice %arg2[%mul3A_8] : memref<25165824xf32, #tpu.memory_space<hbm>> -> memref<24576xf32, #tpu.memory_space<hbm>>
    %dma_start3A_9 = tpu.memref_slice %arg2[%mul3A_8] : memref<25165824xf32, #tpu.memory_space<hbm>> -> memref<24576xf32, #tpu.memory_space<hbm>>
    tpu.enqueue_dma source(%dma_start3A_9 : memref<24576xf32, #tpu.memory_space<hbm>>) target(%arg6 : memref<24576xf32, #tpu.memory_space<vmem>>) target_semaphore(%arg8 : memref<!tpu.dma_semaphore, #tpu.memory_space<semaphore_mem>>)
    %add3A_10 = arith.constant 0 : i32
    %add3A_11 = arith.addi %mul3A_2, %add3A_10 : i32
    %mul3A_12 = arith.constant 768 : i32
    %mul3A_13 = arith.muli %add3A_11, %mul3A_12 : i32
    "tpu.region"() ({
      %run_scoped3A = tpu.sem_alloc : memref<!tpu.dma_semaphore, #tpu.memory_space<semaphore_mem>>
      %dma_start3A_768 = tpu.memref_slice %arg3[%mul3A_13] : memref<6291456xf32, #tpu.memory_space<hbm>> -> memref<24576xf32, #tpu.memory_space<hbm>>
      %dma_start3A_769 = tpu.memref_slice %arg3[%mul3A_13] : memref<6291456xf32, #tpu.memory_space<hbm>> -> memref<24576xf32, #tpu.memory_space<hbm>>
      tpu.enqueue_dma source(%dma_start3A_769 : memref<24576xf32, #tpu.memory_space<hbm>>) target(%arg5 : memref<24576xf32, #tpu.memory_space<vmem>>) target_semaphore(%run_scoped3A : memref<!tpu.dma_semaphore, #tpu.memory_space<semaphore_mem>>)
      %dma_wait3A_770 = tpu.memref_slice %arg3[%mul3A_13] : memref<6291456xf32, #tpu.memory_space<hbm>> -> memref<24576xf32, #tpu.memory_space<hbm>>
      %dma_wait3A_771 = tpu.memref_slice %arg3[%mul3A_13] : memref<6291456xf32, #tpu.memory_space<hbm>> -> memref<24576xf32, #tpu.memory_space<hbm>>
      tpu.wait_dma2 semaphore(%run_scoped3A : memref<!tpu.dma_semaphore, #tpu.memory_space<semaphore_mem>>) src(%dma_wait3A_771 : memref<24576xf32, #tpu.memory_space<hbm>>) dst(%arg5 : memref<24576xf32, #tpu.memory_space<vmem>>)
      tpu.yield
    }) : () -> ()
    %dma_wait3A = tpu.memref_slice %arg2[%mul3A_8] : memref<25165824xf32, #tpu.memory_space<hbm>> -> memref<24576xf32, #tpu.memory_space<hbm>>
    %dma_wait3A_14 = tpu.memref_slice %arg2[%mul3A_8] : memref<25165824xf32, #tpu.memory_space<hbm>> -> memref<24576xf32, #tpu.memory_space<hbm>>
    tpu.wait_dma2 semaphore(%arg8 : memref<!tpu.dma_semaphore, #tpu.memory_space<semaphore_mem>>) src(%dma_wait3A_14 : memref<24576xf32, #tpu.memory_space<hbm>>) dst(%arg6 : memref<24576xf32, #tpu.memory_space<vmem>>)
    %add3A_15 = arith.constant 8192 : i32
    %add3A_16 = arith.addi %add3A_15, %mul3A_2 : i32
    %add3A_17 = arith.constant 0 : i32
    %add3A_18 = arith.addi %add3A_16, %add3A_17 : i32
    %mul3A_19 = arith.constant 768 : i32
    %mul3A_20 = arith.muli %add3A_18, %mul3A_19 : i32
    %dma_start3A_21 = tpu.memref_slice %arg2[%mul3A_20] : memref<25165824xf32, #tpu.memory_space<hbm>> -> memref<24576xf32, #tpu.memory_space<hbm>>
    %dma_start3A_22 = tpu.memref_slice %arg2[%mul3A_20] : memref<25165824xf32, #tpu.memory_space<hbm>> -> memref<24576xf32, #tpu.memory_space<hbm>>
    tpu.enqueue_dma source(%dma_start3A_22 : memref<24576xf32, #tpu.memory_space<hbm>>) target(%arg7 : memref<24576xf32, #tpu.memory_space<vmem>>) target_semaphore(%arg9 : memref<!tpu.dma_semaphore, #tpu.memory_space<semaphore_mem>>)
    %parallel_loop3A = arith.constant 0 : i32
    %parallel_loop3A_23 = arith.constant 24576 : i32
    %parallel_loop3A_24 = arith.constant 16 : i32
    scf.for %parallel_loop3A_768 = %parallel_loop3A to %parallel_loop3A_23 step %parallel_loop3A_24  : i32 {
      %parallel_loop3A_769 = arith.index_cast %parallel_loop3A_768 : i32 to index
      %parallel_loop3A_770 = tpu.vector_load %arg5[%parallel_loop3A_769] {strides = array<i32>} : memref<24576xf32, #tpu.memory_space<vmem>>, vector<16xf32>,
      %parallel_loop3A_771 = vector.shape_cast %parallel_loop3A_770 : vector<16xf32> to vector<16xf32>
      %parallel_loop3A_772 = arith.index_cast %parallel_loop3A_768 : i32 to index
      %parallel_loop3A_773 = tpu.vector_load %arg6[%parallel_loop3A_772] {strides = array<i32>} : memref<24576xf32, #tpu.memory_space<vmem>>, vector<16xf32>,
      %parallel_loop3A_774 = vector.shape_cast %parallel_loop3A_773 : vector<16xf32> to vector<16xf32>
      %parallel_loop3A_775 = vector.shape_cast %parallel_loop3A_771 : vector<16xf32> to vector<16xf32>
      tpu.vector_store %arg6[%parallel_loop3A_772], %parallel_loop3A_775 {add = true, strides = array<i32>} : memref<24576xf32, #tpu.memory_space<vmem>>, vector<16xf32>,
    } {sc.loop_unroll_factor = 8 : i64, sc.parallel_access}
    %add3A_25 = arith.constant 0 : i32
    %add3A_26 = arith.addi %add3A_25, %mul3A_2 : i32
    %add3A_27 = arith.constant 0 : i32
    %add3A_28 = arith.addi %add3A_26, %add3A_27 : i32
    %mul3A_29 = arith.constant 768 : i32
    %mul3A_30 = arith.muli %add3A_28, %mul3A_29 : i32
    %dma_start3A_31 = tpu.memref_slice %arg4[%mul3A_30] : memref<25165824xf32, #tpu.memory_space<hbm>> -> memref<24576xf32, #tpu.memory_space<hbm>>
    %dma_start3A_32 = tpu.memref_slice %arg4[%mul3A_30] : memref<25165824xf32, #tpu.memory_space<hbm>> -> memref<24576xf32, #tpu.memory_space<hbm>>
    tpu.enqueue_dma source(%arg6 : memref<24576xf32, #tpu.memory_space<vmem>>) target(%dma_start3A_32 : memref<24576xf32, #tpu.memory_space<hbm>>) target_semaphore(%arg10 : memref<!tpu.dma_semaphore, #tpu.memory_space<semaphore_mem>>)
    %dma_wait3A_33 = tpu.memref_slice %arg2[%mul3A_20] : memref<25165824xf32, #tpu.memory_space<hbm>> -> memref<24576xf32, #tpu.memory_space<hbm>>
    %dma_wait3A_34 = tpu.memref_slice %arg2[%mul3A_20] : memref<25165824xf32, #tpu.memory_space<hbm>> -> memref<24576xf32, #tpu.memory_space<hbm>>
    tpu.wait_dma2 semaphore(%arg9 : memref<!tpu.dma_semaphore, #tpu.memory_space<semaphore_mem>>) src(%dma_wait3A_34 : memref<24576xf32, #tpu.memory_space<hbm>>) dst(%arg7 : memref<24576xf32, #tpu.memory_space<vmem>>)
    %add3A_35 = arith.constant 16384 : i32
    %add3A_36 = arith.addi %add3A_35, %mul3A_2 : i32
    %add3A_37 = arith.constant 0 : i32
    %add3A_38 = arith.addi %add3A_36, %add3A_37 : i32
    %mul3A_39 = arith.constant 768 : i32
    %mul3A_40 = arith.muli %add3A_38, %mul3A_39 : i32
    %dma_start3A_41 = tpu.memref_slice %arg2[%mul3A_40] : memref<25165824xf32, #tpu.memory_space<hbm>> -> memref<24576xf32, #tpu.memory_space<hbm>>
    %dma_start3A_42 = tpu.memref_slice %arg2[%mul3A_40] : memref<25165824xf32, #tpu.memory_space<hbm>> -> memref<24576xf32, #tpu.memory_space<hbm>>
    tpu.enqueue_dma source(%dma_start3A_42 : memref<24576xf32, #tpu.memory_space<hbm>>) target(%arg6 : memref<24576xf32, #tpu.memory_space<vmem>>) target_semaphore(%arg8 : memref<!tpu.dma_semaphore, #tpu.memory_space<semaphore_mem>>)
    %parallel_loop3A_43 = arith.constant 0 : i32
    %parallel_loop3A_44 = arith.constant 24576 : i32
    %parallel_loop3A_45 = arith.constant 16 : i32
    scf.for %parallel_loop3A_768 = %parallel_loop3A_43 to %parallel_loop3A_44 step %parallel_loop3A_45  : i32 {
      %parallel_loop3A_769 = arith.index_cast %parallel_loop3A_768 : i32 to index
      %parallel_loop3A_770 = tpu.vector_load %arg5[%parallel_loop3A_769] {strides = array<i32>} : memref<24576xf32, #tpu.memory_space<vmem>>, vector<16xf32>,
      %parallel_loop3A_771 = vector.shape_cast %parallel_loop3A_770 : vector<16xf32> to vector<16xf32>
      %parallel_loop3A_772 = arith.index_cast %parallel_loop3A_768 : i32 to index
      %parallel_loop3A_773 = tpu.vector_load %arg7[%parallel_loop3A_772] {strides = array<i32>} : memref<24576xf32, #tpu.memory_space<vmem>>, vector<16xf32>,
      %parallel_loop3A_774 = vector.shape_cast %parallel_loop3A_773 : vector<16xf32> to vector<16xf32>
      %parallel_loop3A_775 = vector.shape_cast %parallel_loop3A_771 : vector<16xf32> to vector<16xf32>
      tpu.vector_store %arg7[%parallel_loop3A_772], %parallel_loop3A_775 {add = true, strides = array<i32>} : memref<24576xf32, #tpu.memory_space<vmem>>, vector<16xf32>,
    } {sc.loop_unroll_factor = 8 : i64, sc.parallel_access}
    %add3A_46 = arith.constant 8192 : i32
    %add3A_47 = arith.addi %add3A_46, %mul3A_2 : i32
    %add3A_48 = arith.constant 0 : i32
    %add3A_49 = arith.addi %add3A_47, %add3A_48 : i32
    %mul3A_50 = arith.constant 768 : i32
    %mul3A_51 = arith.muli %add3A_49, %mul3A_50 : i32
    %dma_start3A_52 = tpu.memref_slice %arg4[%mul3A_51] : memref<25165824xf32, #tpu.memory_space<hbm>> -> memref<24576xf32, #tpu.memory_space<hbm>>
    %dma_start3A_53 = tpu.memref_slice %arg4[%mul3A_51] : memref<25165824xf32, #tpu.memory_space<hbm>> -> memref<24576xf32, #tpu.memory_space<hbm>>
    tpu.enqueue_dma source(%arg7 : memref<24576xf32, #tpu.memory_space<vmem>>) target(%dma_start3A_53 : memref<24576xf32, #tpu.memory_space<hbm>>) target_semaphore(%arg11 : memref<!tpu.dma_semaphore, #tpu.memory_space<semaphore_mem>>)
    %dma_wait3A_54 = tpu.memref_slice %arg2[%mul3A_40] : memref<25165824xf32, #tpu.memory_space<hbm>> -> memref<24576xf32, #tpu.memory_space<hbm>>
    %dma_wait3A_55 = tpu.memref_slice %arg2[%mul3A_40] : memref<25165824xf32, #tpu.memory_space<hbm>> -> memref<24576xf32, #tpu.memory_space<hbm>>
    tpu.wait_dma2 semaphore(%arg8 : memref<!tpu.dma_semaphore, #tpu.memory_space<semaphore_mem>>) src(%dma_wait3A_55 : memref<24576xf32, #tpu.memory_space<hbm>>) dst(%arg6 : memref<24576xf32, #tpu.memory_space<vmem>>)
    %dma_wait3A_56 = tpu.memref_slice %arg4[%mul3A_30] : memref<25165824xf32, #tpu.memory_space<hbm>> -> memref<24576xf32, #tpu.memory_space<hbm>>
    %dma_wait3A_57 = tpu.memref_slice %arg4[%mul3A_30] : memref<25165824xf32, #tpu.memory_space<hbm>> -> memref<24576xf32, #tpu.memory_space<hbm>>
    tpu.wait_dma2 semaphore(%arg10 : memref<!tpu.dma_semaphore, #tpu.memory_space<semaphore_mem>>) src(%arg6 : memref<24576xf32, #tpu.memory_space<vmem>>) dst(%dma_wait3A_57 : memref<24576xf32, #tpu.memory_space<hbm>>)
    %add3A_58 = arith.constant 24576 : i32
    %add3A_59 = arith.addi %add3A_58, %mul3A_2 : i32
    %add3A_60 = arith.constant 0 : i32
    %add3A_61 = arith.addi %add3A_59, %add3A_60 : i32
    %mul3A_62 = arith.constant 768 : i32
    %mul3A_63 = arith.muli %add3A_61, %mul3A_62 : i32
    %dma_start3A_64 = tpu.memref_slice %arg2[%mul3A_63] : memref<25165824xf32, #tpu.memory_space<hbm>> -> memref<24576xf32, #tpu.memory_space<hbm>>
    %dma_start3A_65 = tpu.memref_slice %arg2[%mul3A_63] : memref<25165824xf32, #tpu.memory_space<hbm>> -> memref<24576xf32, #tpu.memory_space<hbm>>
    tpu.enqueue_dma source(%dma_start3A_65 : memref<24576xf32, #tpu.memory_space<hbm>>) target(%arg7 : memref<24576xf32, #tpu.memory_space<vmem>>) target_semaphore(%arg9 : memref<!tpu.dma_semaphore, #tpu.memory_space<semaphore_mem>>)
    %parallel_loop3A_66 = arith.constant 0 : i32
    %parallel_loop3A_67 = arith.constant 24576 : i32
    %parallel_loop3A_68 = arith.constant 16 : i32
    scf.for %parallel_loop3A_768 = %parallel_loop3A_66 to %parallel_loop3A_67 step %parallel_loop3A_68  : i32 {
      %parallel_loop3A_769 = arith.index_cast %parallel_loop3A_768 : i32 to index
      %parallel_loop3A_770 = tpu.vector_load %arg5[%parallel_loop3A_769] {strides = array<i32>} : memref<24576xf32, #tpu.memory_space<vmem>>, vector<16xf32>,
      %parallel_loop3A_771 = vector.shape_cast %parallel_loop3A_770 : vector<16xf32> to vector<16xf32>
      %parallel_loop3A_772 = arith.index_cast %parallel_loop3A_768 : i32 to index
      %parallel_loop3A_773 = tpu.vector_load %arg6[%parallel_loop3A_772] {strides = array<i32>} : memref<24576xf32, #tpu.memory_space<vmem>>, vector<16xf32>,
      %parallel_loop3A_774 = vector.shape_cast %parallel_loop3A_773 : vector<16xf32> to vector<16xf32>
      %parallel_loop3A_775 = vector.shape_cast %parallel_loop3A_771 : vector<16xf32> to vector<16xf32>
      tpu.vector_store %arg6[%parallel_loop3A_772], %parallel_loop3A_775 {add = true, strides = array<i32>} : memref<24576xf32, #tpu.memory_space<vmem>>, vector<16xf32>,
    } {sc.loop_unroll_factor = 8 : i64, sc.parallel_access}
    %add3A_69 = arith.constant 16384 : i32
    %add3A_70 = arith.addi %add3A_69, %mul3A_2 : i32
    %add3A_71 = arith.constant 0 : i32
    %add3A_72 = arith.addi %add3A_70, %add3A_71 : i32
    %mul3A_73 = arith.constant 768 : i32
    %mul3A_74 = arith.muli %add3A_72, %mul3A_73 : i32
    %dma_start3A_75 = tpu.memref_slice %arg4[%mul3A_74] : memref<25165824xf32, #tpu.memory_space<hbm>> -> memref<24576xf32, #tpu.memory_space<hbm>>
    %dma_start3A_76 = tpu.memref_slice %arg4[%mul3A_74] : memref<25165824xf32, #tpu.memory_space<hbm>> -> memref<24576xf32, #tpu.memory_space<hbm>>
    tpu.enqueue_dma source(%arg6 : memref<24576xf32, #tpu.memory_space<vmem>>) target(%dma_start3A_76 : memref<24576xf32, #tpu.memory_space<hbm>>) target_semaphore(%arg10 : memref<!tpu.dma_semaphore, #tpu.memory_space<semaphore_mem>>)
    %dma_wait3A_77 = tpu.memref_slice %arg2[%mul3A_63] : memref<25165824xf32, #tpu.memory_space<hbm>> -> memref<24576xf32, #tpu.memory_space<hbm>>
    %dma_wait3A_78 = tpu.memref_slice %arg2[%mul3A_63] : memref<25165824xf32, #tpu.memory_space<hbm>> -> memref<24576xf32, #tpu.memory_space<hbm>>
    tpu.wait_dma2 semaphore(%arg9 : memref<!tpu.dma_semaphore, #tpu.memory_space<semaphore_mem>>) src(%dma_wait3A_78 : memref<24576xf32, #tpu.memory_space<hbm>>) dst(%arg7 : memref<24576xf32, #tpu.memory_space<vmem>>)
    %dma_wait3A_79 = tpu.memref_slice %arg4[%mul3A_51] : memref<25165824xf32, #tpu.memory_space<hbm>> -> memref<24576xf32, #tpu.memory_space<hbm>>
    %dma_wait3A_80 = tpu.memref_slice %arg4[%mul3A_51] : memref<25165824xf32, #tpu.memory_space<hbm>> -> memref<24576xf32, #tpu.memory_space<hbm>>
    tpu.wait_dma2 semaphore(%arg11 : memref<!tpu.dma_semaphore, #tpu.memory_space<semaphore_mem>>) src(%arg7 : memref<24576xf32, #tpu.memory_space<vmem>>) dst(%dma_wait3A_80 : memref<24576xf32, #tpu.memory_space<hbm>>)
    %add3A_81 = arith.constant 0 : i32
    %add3A_82 = arith.addi %add3A_81, %mul3A_2 : i32
    %add3A_83 = arith.constant 32 : i32
    %add3A_84 = arith.addi %add3A_82, %add3A_83 : i32
    %mul3A_85 = arith.constant 768 : i32
    %mul3A_86 = arith.muli %add3A_84, %mul3A_85 : i32
    %dma_start3A_87 = tpu.memref_slice %arg2[%mul3A_86] : memref<25165824xf32, #tpu.memory_space<hbm>> -> memref<24576xf32, #tpu.memory_space<hbm>>
    %dma_start3A_88 = tpu.memref_slice %arg2[%mul3A_86] : memref<25165824xf32, #tpu.memory_space<hbm>> -> memref<24576xf32, #tpu.memory_space<hbm>>
    tpu.enqueue_dma source(%dma_start3A_88 : memref<24576xf32, #tpu.memory_space<hbm>>) target(%arg6 : memref<24576xf32, #tpu.memory_space<vmem>>) target_semaphore(%arg8 : memref<!tpu.dma_semaphore, #tpu.memory_space<semaphore_mem>>)
    %parallel_loop3A_89 = arith.constant 0 : i32
    %parallel_loop3A_90 = arith.constant 24576 : i32
    %parallel_loop3A_91 = arith.constant 16 : i32
    scf.for %parallel_loop3A_768 = %parallel_loop3A_89 to %parallel_loop3A_90 step %parallel_loop3A_91  : i32 {
      %parallel_loop3A_769 = arith.index_cast %parallel_loop3A_768 : i32 to index
      %parallel_loop3A_770 = tpu.vector_load %arg5[%parallel_loop3A_769] {strides = array<i32>} : memref<24576xf32, #tpu.memory_space<vmem>>, vector<16xf32>,
      %parallel_loop3A_771 = vector.shape_cast %parallel_loop3A_770 : vector<16xf32> to vector<16xf32>
      %parallel_loop3A_772 = arith.index_cast %parallel_loop3A_768 : i32 to index
      %parallel_loop3A_773 = tpu.vector_load %arg7[%parallel_loop3A_772] {strides = array<i32>} : memref<24576xf32, #tpu.memory_space<vmem>>, vector<16xf32>,
      %parallel_loop3A_774 = vector.shape_cast %parallel_loop3A_773 : vector<16xf32> to vector<16xf32>
      %parallel_loop3A_775 = vector.shape_cast %parallel_loop3A_771 : vector<16xf32> to vector<16xf32>
      tpu.vector_store %arg7[%parallel_loop3A_772], %parallel_loop3A_775 {add = true, strides = array<i32>} : memref<24576xf32, #tpu.memory_space<vmem>>, vector<16xf32>,
    } {sc.loop_unroll_factor = 8 : i64, sc.parallel_access}
    %add3A_92 = arith.constant 24576 : i32
    %add3A_93 = arith.addi %add3A_92, %mul3A_2 : i32
    %add3A_94 = arith.constant 0 : i32
    %add3A_95 = arith.addi %add3A_93, %add3A_94 : i32
    %mul3A_96 = arith.constant 768 : i32
    %mul3A_97 = arith.muli %add3A_95, %mul3A_96 : i32
    %dma_start3A_98 = tpu.memref_slice %arg4[%mul3A_97] : memref<25165824xf32, #tpu.memory_space<hbm>> -> memref<24576xf32, #tpu.memory_space<hbm>>
    %dma_start3A_99 = tpu.memref_slice %arg4[%mul3A_97] : memref<25165824xf32, #tpu.memory_space<hbm>> -> memref<24576xf32, #tpu.memory_space<hbm>>
    tpu.enqueue_dma source(%arg7 : memref<24576xf32, #tpu.memory_space<vmem>>) target(%dma_start3A_99 : memref<24576xf32, #tpu.memory_space<hbm>>) target_semaphore(%arg11 : memref<!tpu.dma_semaphore, #tpu.memory_space<semaphore_mem>>)
    %add3A_100 = arith.constant 32 : i32
    %add3A_101 = arith.addi %mul3A_2, %add3A_100 : i32
    %mul3A_102 = arith.constant 768 : i32
    %mul3A_103 = arith.muli %add3A_101, %mul3A_102 : i32
    "tpu.region"() ({
      %run_scoped3A = tpu.sem_alloc : memref<!tpu.dma_semaphore, #tpu.memory_space<semaphore_mem>>
      %dma_start3A_768 = tpu.memref_slice %arg3[%mul3A_103] : memref<6291456xf32, #tpu.memory_space<hbm>> -> memref<24576xf32, #tpu.memory_space<hbm>>
      %dma_start3A_769 = tpu.memref_slice %arg3[%mul3A_103] : memref<6291456xf32, #tpu.memory_space<hbm>> -> memref<24576xf32, #tpu.memory_space<hbm>>
      tpu.enqueue_dma source(%dma_start3A_769 : memref<24576xf32, #tpu.memory_space<hbm>>) target(%arg5 : memref<24576xf32, #tpu.memory_space<vmem>>) target_semaphore(%run_scoped3A : memref<!tpu.dma_semaphore, #tpu.memory_space<semaphore_mem>>)
      %dma_wait3A_770 = tpu.memref_slice %arg3[%mul3A_103] : memref<6291456xf32, #tpu.memory_space<hbm>> -> memref<24576xf32, #tpu.memory_space<hbm>>
      %dma_wait3A_771 = tpu.memref_slice %arg3[%mul3A_103] : memref<6291456xf32, #tpu.memory_space<hbm>> -> memref<24576xf32, #tpu.memory_space<hbm>>
      tpu.wait_dma2 semaphore(%run_scoped3A : memref<!tpu.dma_semaphore, #tpu.memory_space<semaphore_mem>>) src(%dma_wait3A_771 : memref<24576xf32, #tpu.memory_space<hbm>>) dst(%arg5 : memref<24576xf32, #tpu.memory_space<vmem>>)
      tpu.yield
    }) : () -> ()
    %dma_wait3A_104 = tpu.memref_slice %arg2[%mul3A_86] : memref<25165824xf32, #tpu.memory_space<hbm>> -> memref<24576xf32, #tpu.memory_space<hbm>>
    %dma_wait3A_105 = tpu.memref_slice %arg2[%mul3A_86] : memref<25165824xf32, #tpu.memory_space<hbm>> -> memref<24576xf32, #tpu.memory_space<hbm>>
    tpu.wait_dma2 semaphore(%arg8 : memref<!tpu.dma_semaphore, #tpu.memory_space<semaphore_mem>>) src(%dma_wait3A_105 : memref<24576xf32, #tpu.memory_space<hbm>>) dst(%arg6 : memref<24576xf32, #tpu.memory_space<vmem>>)
    %dma_wait3A_106 = tpu.memref_slice %arg4[%mul3A_74] : memref<25165824xf32, #tpu.memory_space<hbm>> -> memref<24576xf32, #tpu.memory_space<hbm>>
    %dma_wait3A_107 = tpu.memref_slice %arg4[%mul3A_74] : memref<25165824xf32, #tpu.memory_space<hbm>> -> memref<24576xf32, #tpu.memory_space<hbm>>
    tpu.wait_dma2 semaphore(%arg10 : memref<!tpu.dma_semaphore, #tpu.memory_space<semaphore_mem>>) src(%arg6 : memref<24576xf32, #tpu.memory_space<vmem>>) dst(%dma_wait3A_107 : memref<24576xf32, #tpu.memory_space<hbm>>)
    %add3A_108 = arith.constant 8192 : i32
    %add3A_109 = arith.addi %add3A_108, %mul3A_2 : i32
    %add3A_110 = arith.constant 32 : i32
    %add3A_111 = arith.addi %add3A_109, %add3A_110 : i32
    %mul3A_112 = arith.constant 768 : i32
    %mul3A_113 = arith.muli %add3A_111, %mul3A_112 : i32
    %dma_start3A_114 = tpu.memref_slice %arg2[%mul3A_113] : memref<25165824xf32, #tpu.memory_space<hbm>> -> memref<24576xf32, #tpu.memory_space<hbm>>
    %dma_start3A_115 = tpu.memref_slice %arg2[%mul3A_113] : memref<25165824xf32, #tpu.memory_space<hbm>> -> memref<24576xf32, #tpu.memory_space<hbm>>
    tpu.enqueue_dma source(%dma_start3A_115 : memref<24576xf32, #tpu.memory_space<hbm>>) target(%arg7 : memref<24576xf32, #tpu.memory_space<vmem>>) target_semaphore(%arg9 : memref<!tpu.dma_semaphore, #tpu.memory_space<semaphore_mem>>)
    %parallel_loop3A_116 = arith.constant 0 : i32
    %parallel_loop3A_117 = arith.constant 24576 : i32
    %parallel_loop3A_118 = arith.constant 16 : i32
    scf.for %parallel_loop3A_768 = %parallel_loop3A_116 to %parallel_loop3A_117 step %parallel_loop3A_118  : i32 {
      %parallel_loop3A_769 = arith.index_cast %parallel_loop3A_768 : i32 to index
      %parallel_loop3A_770 = tpu.vector_load %arg5[%parallel_loop3A_769] {strides = array<i32>} : memref<24576xf32, #tpu.memory_space<vmem>>, vector<16xf32>,
      %parallel_loop3A_771 = vector.shape_cast %parallel_loop3A_770 : vector<16xf32> to vector<16xf32>
      %parallel_loop3A_772 = arith.index_cast %parallel_loop3A_768 : i32 to index
      %parallel_loop3A_773 = tpu.vector_load %arg6[%parallel_loop3A_772] {strides = array<i32>} : memref<24576xf32, #tpu.memory_space<vmem>>, vector<16xf32>,
      %parallel_loop3A_774 = vector.shape_cast %parallel_loop3A_773 : vector<16xf32> to vector<16xf32>
      %parallel_loop3A_775 = vector.shape_cast %parallel_loop3A_771 : vector<16xf32> to vector<16xf32>
      tpu.vector_store %arg6[%parallel_loop3A_772], %parallel_loop3A_775 {add = true, strides = array<i32>} : memref<24576xf32, #tpu.memory_space<vmem>>, vector<16xf32>,
    } {sc.loop_unroll_factor = 8 : i64, sc.parallel_access}
    %add3A_119 = arith.constant 0 : i32
    %add3A_120 = arith.addi %add3A_119, %mul3A_2 : i32
    %add3A_121 = arith.constant 32 : i32
    %add3A_122 = arith.addi %add3A_120, %add3A_121 : i32
    %mul3A_123 = arith.constant 768 : i32
    %mul3A_124 = arith.muli %add3A_122, %mul3A_123 : i32
    %dma_start3A_125 = tpu.memref_slice %arg4[%mul3A_124] : memref<25165824xf32, #tpu.memory_space<hbm>> -> memref<24576xf32, #tpu.memory_space<hbm>>
    %dma_start3A_126 = tpu.memref_slice %arg4[%mul3A_124] : memref<25165824xf32, #tpu.memory_space<hbm>> -> memref<24576xf32, #tpu.memory_space<hbm>>
    tpu.enqueue_dma source(%arg6 : memref<24576xf32, #tpu.memory_space<vmem>>) target(%dma_start3A_126 : memref<24576xf32, #tpu.memory_space<hbm>>) target_semaphore(%arg10 : memref<!tpu.dma_semaphore, #tpu.memory_space<semaphore_mem>>)
    %dma_wait3A_127 = tpu.memref_slice %arg2[%mul3A_113] : memref<25165824xf32, #tpu.memory_space<hbm>> -> memref<24576xf32, #tpu.memory_space<hbm>>
    %dma_wait3A_128 = tpu.memref_slice %arg2[%mul3A_113] : memref<25165824xf32, #tpu.memory_space<hbm>> -> memref<24576xf32, #tpu.memory_space<hbm>>
    tpu.wait_dma2 semaphore(%arg9 : memref<!tpu.dma_semaphore, #tpu.memory_space<semaphore_mem>>) src(%dma_wait3A_128 : memref<24576xf32, #tpu.memory_space<hbm>>) dst(%arg7 : memref<24576xf32, #tpu.memory_space<vmem>>)
    %dma_wait3A_129 = tpu.memref_slice %arg4[%mul3A_97] : memref<25165824xf32, #tpu.memory_space<hbm>> -> memref<24576xf32, #tpu.memory_space<hbm>>
    %dma_wait3A_130 = tpu.memref_slice %arg4[%mul3A_97] : memref<25165824xf32, #tpu.memory_space<hbm>> -> memref<24576xf32, #tpu.memory_space<hbm>>
    tpu.wait_dma2 semaphore(%arg11 : memref<!tpu.dma_semaphore, #tpu.memory_space<semaphore_mem>>) src(%arg7 : memref<24576xf32, #tpu.memory_space<vmem>>) dst(%dma_wait3A_130 : memref<24576xf32, #tpu.memory_space<hbm>>)
    %add3A_131 = arith.constant 16384 : i32
    %add3A_132 = arith.addi %add3A_131, %mul3A_2 : i32
    %add3A_133 = arith.constant 32 : i32
    %add3A_134 = arith.addi %add3A_132, %add3A_133 : i32
    %mul3A_135 = arith.constant 768 : i32
    %mul3A_136 = arith.muli %add3A_134, %mul3A_135 : i32
    %dma_start3A_137 = tpu.memref_slice %arg2[%mul3A_136] : memref<25165824xf32, #tpu.memory_space<hbm>> -> memref<24576xf32, #tpu.memory_space<hbm>>
    %dma_start3A_138 = tpu.memref_slice %arg2[%mul3A_136] : memref<25165824xf32, #tpu.memory_space<hbm>> -> memref<24576xf32, #tpu.memory_space<hbm>>
    tpu.enqueue_dma source(%dma_start3A_138 : memref<24576xf32, #tpu.memory_space<hbm>>) target(%arg6 : memref<24576xf32, #tpu.memory_space<vmem>>) target_semaphore(%arg8 : memref<!tpu.dma_semaphore, #tpu.memory_space<semaphore_mem>>)
    %parallel_loop3A_139 = arith.constant 0 : i32
    %parallel_loop3A_140 = arith.constant 24576 : i32
    %parallel_loop3A_141 = arith.constant 16 : i32
    scf.for %parallel_loop3A_768 = %parallel_loop3A_139 to %parallel_loop3A_140 step %parallel_loop3A_141  : i32 {
      %parallel_loop3A_769 = arith.index_cast %parallel_loop3A_768 : i32 to index
      %parallel_loop3A_770 = tpu.vector_load %arg5[%parallel_loop3A_769] {strides = array<i32>} : memref<24576xf32, #tpu.memory_space<vmem>>, vector<16xf32>,
      %parallel_loop3A_771 = vector.shape_cast %parallel_loop3A_770 : vector<16xf32> to vector<16xf32>
      %parallel_loop3A_772 = arith.index_cast %parallel_loop3A_768 : i32 to index
      %parallel_loop3A_773 = tpu.vector_load %arg7[%parallel_loop3A_772] {strides = array<i32>} : memref<24576xf32, #tpu.memory_space<vmem>>, vector<16xf32>,
      %parallel_loop3A_774 = vector.shape_cast %parallel_loop3A_773 : vector<16xf32> to vector<16xf32>
      %parallel_loop3A_775 = vector.shape_cast %parallel_loop3A_771 : vector<16xf32> to vector<16xf32>
      tpu.vector_store %arg7[%parallel_loop3A_772], %parallel_loop3A_775 {add = true, strides = array<i32>} : memref<24576xf32, #tpu.memory_space<vmem>>, vector<16xf32>,
    } {sc.loop_unroll_factor = 8 : i64, sc.parallel_access}
    %add3A_142 = arith.constant 8192 : i32
    %add3A_143 = arith.addi %add3A_142, %mul3A_2 : i32
    %add3A_144 = arith.constant 32 : i32
    %add3A_145 = arith.addi %add3A_143, %add3A_144 : i32
    %mul3A_146 = arith.constant 768 : i32
    %mul3A_147 = arith.muli %add3A_145, %mul3A_146 : i32
    %dma_start3A_148 = tpu.memref_slice %arg4[%mul3A_147] : memref<25165824xf32, #tpu.memory_space<hbm>> -> memref<24576xf32, #tpu.memory_space<hbm>>
    %dma_start3A_149 = tpu.memref_slice %arg4[%mul3A_147] : memref<25165824xf32, #tpu.memory_space<hbm>> -> memref<24576xf32, #tpu.memory_space<hbm>>
    tpu.enqueue_dma source(%arg7 : memref<24576xf32, #tpu.memory_space<vmem>>) target(%dma_start3A_149 : memref<24576xf32, #tpu.memory_space<hbm>>) target_semaphore(%arg11 : memref<!tpu.dma_semaphore, #tpu.memory_space<semaphore_mem>>)
    %dma_wait3A_150 = tpu.memref_slice %arg2[%mul3A_136] : memref<25165824xf32, #tpu.memory_space<hbm>> -> memref<24576xf32, #tpu.memory_space<hbm>>
    %dma_wait3A_151 = tpu.memref_slice %arg2[%mul3A_136] : memref<25165824xf32, #tpu.memory_space<hbm>> -> memref<24576xf32, #tpu.memory_space<hbm>>
    tpu.wait_dma2 semaphore(%arg8 : memref<!tpu.dma_semaphore, #tpu.memory_space<semaphore_mem>>) src(%dma_wait3A_151 : memref<24576xf32, #tpu.memory_space<hbm>>) dst(%arg6 : memref<24576xf32, #tpu.memory_space<vmem>>)
    %dma_wait3A_152 = tpu.memref_slice %arg4[%mul3A_124] : memref<25165824xf32, #tpu.memory_space<hbm>> -> memref<24576xf32, #tpu.memory_space<hbm>>
    %dma_wait3A_153 = tpu.memref_slice %arg4[%mul3A_124] : memref<25165824xf32, #tpu.memory_space<hbm>> -> memref<24576xf32, #tpu.memory_space<hbm>>
    tpu.wait_dma2 semaphore(%arg10 : memref<!tpu.dma_semaphore, #tpu.memory_space<semaphore_mem>>) src(%arg6 : memref<24576xf32, #tpu.memory_space<vmem>>) dst(%dma_wait3A_153 : memref<24576xf32, #tpu.memory_space<hbm>>)
    %add3A_154 = arith.constant 24576 : i32
    %add3A_155 = arith.addi %add3A_154, %mul3A_2 : i32
    %add3A_156 = arith.constant 32 : i32
    %add3A_157 = arith.addi %add3A_155, %add3A_156 : i32
    %mul3A_158 = arith.constant 768 : i32
    %mul3A_159 = arith.muli %add3A_157, %mul3A_158 : i32
    %dma_start3A_160 = tpu.memref_slice %arg2[%mul3A_159] : memref<25165824xf32, #tpu.memory_space<hbm>> -> memref<24576xf32, #tpu.memory_space<hbm>>
    %dma_start3A_161 = tpu.memref_slice %arg2[%mul3A_159] : memref<25165824xf32, #tpu.memory_space<hbm>> -> memref<24576xf32, #tpu.memory_space<hbm>>
    tpu.enqueue_dma source(%dma_start3A_161 : memref<24576xf32, #tpu.memory_space<hbm>>) target(%arg7 : memref<24576xf32, #tpu.memory_space<vmem>>) target_semaphore(%arg9 : memref<!tpu.dma_semaphore, #tpu.memory_space<semaphore_mem>>)
    %parallel_loop3A_162 = arith.constant 0 : i32
    %parallel_loop3A_163 = arith.constant 24576 : i32
    %parallel_loop3A_164 = arith.constant 16 : i32
    scf.for %parallel_loop3A_768 = %parallel_loop3A_162 to %parallel_loop3A_163 step %parallel_loop3A_164  : i32 {
      %parallel_loop3A_769 = arith.index_cast %parallel_loop3A_768 : i32 to index
      %parallel_loop3A_770 = tpu.vector_load %arg5[%parallel_loop3A_769] {strides = array<i32>} : memref<24576xf32, #tpu.memory_space<vmem>>, vector<16xf32>,
      %parallel_loop3A_771 = vector.shape_cast %parallel_loop3A_770 : vector<16xf32> to vector<16xf32>
      %parallel_loop3A_772 = arith.index_cast %parallel_loop3A_768 : i32 to index
      %parallel_loop3A_773 = tpu.vector_load %arg6[%parallel_loop3A_772] {strides = array<i32>} : memref<24576xf32, #tpu.memory_space<vmem>>, vector<16xf32>,
      %parallel_loop3A_774 = vector.shape_cast %parallel_loop3A_773 : vector<16xf32> to vector<16xf32>
      %parallel_loop3A_775 = vector.shape_cast %parallel_loop3A_771 : vector<16xf32> to vector<16xf32>
      tpu.vector_store %arg6[%parallel_loop3A_772], %parallel_loop3A_775 {add = true, strides = array<i32>} : memref<24576xf32, #tpu.memory_space<vmem>>, vector<16xf32>,
    } {sc.loop_unroll_factor = 8 : i64, sc.parallel_access}
    %add3A_165 = arith.constant 16384 : i32
    %add3A_166 = arith.addi %add3A_165, %mul3A_2 : i32
    %add3A_167 = arith.constant 32 : i32
    %add3A_168 = arith.addi %add3A_166, %add3A_167 : i32
    %mul3A_169 = arith.constant 768 : i32
    %mul3A_170 = arith.muli %add3A_168, %mul3A_169 : i32
    %dma_start3A_171 = tpu.memref_slice %arg4[%mul3A_170] : memref<25165824xf32, #tpu.memory_space<hbm>> -> memref<24576xf32, #tpu.memory_space<hbm>>
    %dma_start3A_172 = tpu.memref_slice %arg4[%mul3A_170] : memref<25165824xf32, #tpu.memory_space<hbm>> -> memref<24576xf32, #tpu.memory_space<hbm>>
    tpu.enqueue_dma source(%arg6 : memref<24576xf32, #tpu.memory_space<vmem>>) target(%dma_start3A_172 : memref<24576xf32, #tpu.memory_space<hbm>>) target_semaphore(%arg10 : memref<!tpu.dma_semaphore, #tpu.memory_space<semaphore_mem>>)
    %dma_wait3A_173 = tpu.memref_slice %arg2[%mul3A_159] : memref<25165824xf32, #tpu.memory_space<hbm>> -> memref<24576xf32, #tpu.memory_space<hbm>>
    %dma_wait3A_174 = tpu.memref_slice %arg2[%mul3A_159] : memref<25165824xf32, #tpu.memory_space<hbm>> -> memref<24576xf32, #tpu.memory_space<hbm>>
    tpu.wait_dma2 semaphore(%arg9 : memref<!tpu.dma_semaphore, #tpu.memory_space<semaphore_mem>>) src(%dma_wait3A_174 : memref<24576xf32, #tpu.memory_space<hbm>>) dst(%arg7 : memref<24576xf32, #tpu.memory_space<vmem>>)
    %dma_wait3A_175 = tpu.memref_slice %arg4[%mul3A_147] : memref<25165824xf32, #tpu.memory_space<hbm>> -> memref<24576xf32, #tpu.memory_space<hbm>>
    %dma_wait3A_176 = tpu.memref_slice %arg4[%mul3A_147] : memref<25165824xf32, #tpu.memory_space<hbm>> -> memref<24576xf32, #tpu.memory_space<hbm>>
    tpu.wait_dma2 semaphore(%arg11 : memref<!tpu.dma_semaphore, #tpu.memory_space<semaphore_mem>>) src(%arg7 : memref<24576xf32, #tpu.memory_space<vmem>>) dst(%dma_wait3A_176 : memref<24576xf32, #tpu.memory_space<hbm>>)
    %add3A_177 = arith.constant 0 : i32
    %add3A_178 = arith.addi %add3A_177, %mul3A_2 : i32
    %add3A_179 = arith.constant 64 : i32
    %add3A_180 = arith.addi %add3A_178, %add3A_179 : i32
    %mul3A_181 = arith.constant 768 : i32
    %mul3A_182 = arith.muli %add3A_180, %mul3A_181 : i32
    %dma_start3A_183 = tpu.memref_slice %arg2[%mul3A_182] : memref<25165824xf32, #tpu.memory_space<hbm>> -> memref<24576xf32, #tpu.memory_space<hbm>>
    %dma_start3A_184 = tpu.memref_slice %arg2[%mul3A_182] : memref<25165824xf32, #tpu.memory_space<hbm>> -> memref<24576xf32, #tpu.memory_space<hbm>>
    tpu.enqueue_dma source(%dma_start3A_184 : memref<24576xf32, #tpu.memory_space<hbm>>) target(%arg6 : memref<24576xf32, #tpu.memory_space<vmem>>) target_semaphore(%arg8 : memref<!tpu.dma_semaphore, #tpu.memory_space<semaphore_mem>>)
    %parallel_loop3A_185 = arith.constant 0 : i32
    %parallel_loop3A_186 = arith.constant 24576 : i32
    %parallel_loop3A_187 = arith.constant 16 : i32
    scf.for %parallel_loop3A_768 = %parallel_loop3A_185 to %parallel_loop3A_186 step %parallel_loop3A_187  : i32 {
      %parallel_loop3A_769 = arith.index_cast %parallel_loop3A_768 : i32 to index
      %parallel_loop3A_770 = tpu.vector_load %arg5[%parallel_loop3A_769] {strides = array<i32>} : memref<24576xf32, #tpu.memory_space<vmem>>, vector<16xf32>,
      %parallel_loop3A_771 = vector.shape_cast %parallel_loop3A_770 : vector<16xf32> to vector<16xf32>
      %parallel_loop3A_772 = arith.index_cast %parallel_loop3A_768 : i32 to index
      %parallel_loop3A_773 = tpu.vector_load %arg7[%parallel_loop3A_772] {strides = array<i32>} : memref<24576xf32, #tpu.memory_space<vmem>>, vector<16xf32>,
      %parallel_loop3A_774 = vector.shape_cast %parallel_loop3A_773 : vector<16xf32> to vector<16xf32>
      %parallel_loop3A_775 = vector.shape_cast %parallel_loop3A_771 : vector<16xf32> to vector<16xf32>
      tpu.vector_store %arg7[%parallel_loop3A_772], %parallel_loop3A_775 {add = true, strides = array<i32>} : memref<24576xf32, #tpu.memory_space<vmem>>, vector<16xf32>,
    } {sc.loop_unroll_factor = 8 : i64, sc.parallel_access}
    %add3A_188 = arith.constant 24576 : i32
    %add3A_189 = arith.addi %add3A_188, %mul3A_2 : i32
    %add3A_190 = arith.constant 32 : i32
    %add3A_191 = arith.addi %add3A_189, %add3A_190 : i32
    %mul3A_192 = arith.constant 768 : i32
    %mul3A_193 = arith.muli %add3A_191, %mul3A_192 : i32
    %dma_start3A_194 = tpu.memref_slice %arg4[%mul3A_193] : memref<25165824xf32, #tpu.memory_space<hbm>> -> memref<24576xf32, #tpu.memory_space<hbm>>
    %dma_start3A_195 = tpu.memref_slice %arg4[%mul3A_193] : memref<25165824xf32, #tpu.memory_space<hbm>> -> memref<24576xf32, #tpu.memory_space<hbm>>
    tpu.enqueue_dma source(%arg7 : memref<24576xf32, #tpu.memory_space<vmem>>) target(%dma_start3A_195 : memref<24576xf32, #tpu.memory_space<hbm>>) target_semaphore(%arg11 : memref<!tpu.dma_semaphore, #tpu.memory_space<semaphore_mem>>)
    %add3A_196 = arith.constant 64 : i32
    %add3A_197 = arith.addi %mul3A_2, %add3A_196 : i32
    %mul3A_198 = arith.constant 768 : i32
    %mul3A_199 = arith.muli %add3A_197, %mul3A_198 : i32
    "tpu.region"() ({
      %run_scoped3A = tpu.sem_alloc : memref<!tpu.dma_semaphore, #tpu.memory_space<semaphore_mem>>
      %dma_start3A_768 = tpu.memref_slice %arg3[%mul3A_199] : memref<6291456xf32, #tpu.memory_space<hbm>> -> memref<24576xf32, #tpu.memory_space<hbm>>
      %dma_start3A_769 = tpu.memref_slice %arg3[%mul3A_199] : memref<6291456xf32, #tpu.memory_space<hbm>> -> memref<24576xf32, #tpu.memory_space<hbm>>
      tpu.enqueue_dma source(%dma_start3A_769 : memref<24576xf32, #tpu.memory_space<hbm>>) target(%arg5 : memref<24576xf32, #tpu.memory_space<vmem>>) target_semaphore(%run_scoped3A : memref<!tpu.dma_semaphore, #tpu.memory_space<semaphore_mem>>)
      %dma_wait3A_770 = tpu.memref_slice %arg3[%mul3A_199] : memref<6291456xf32, #tpu.memory_space<hbm>> -> memref<24576xf32, #tpu.memory_space<hbm>>
      %dma_wait3A_771 = tpu.memref_slice %arg3[%mul3A_199] : memref<6291456xf32, #tpu.memory_space<hbm>> -> memref<24576xf32, #tpu.memory_space<hbm>>
      tpu.wait_dma2 semaphore(%run_scoped3A : memref<!tpu.dma_semaphore, #tpu.memory_space<semaphore_mem>>) src(%dma_wait3A_771 : memref<24576xf32, #tpu.memory_space<hbm>>) dst(%arg5 : memref<24576xf32, #tpu.memory_space<vmem>>)
      tpu.yield
    }) : () -> ()
    %dma_wait3A_200 = tpu.memref_slice %arg2[%mul3A_182] : memref<25165824xf32, #tpu.memory_space<hbm>> -> memref<24576xf32, #tpu.memory_space<hbm>>
    %dma_wait3A_201 = tpu.memref_slice %arg2[%mul3A_182] : memref<25165824xf32, #tpu.memory_space<hbm>> -> memref<24576xf32, #tpu.memory_space<hbm>>
    tpu.wait_dma2 semaphore(%arg8 : memref<!tpu.dma_semaphore, #tpu.memory_space<semaphore_mem>>) src(%dma_wait3A_201 : memref<24576xf32, #tpu.memory_space<hbm>>) dst(%arg6 : memref<24576xf32, #tpu.memory_space<vmem>>)
    %dma_wait3A_202 = tpu.memref_slice %arg4[%mul3A_170] : memref<25165824xf32, #tpu.memory_space<hbm>> -> memref<24576xf32, #tpu.memory_space<hbm>>
    %dma_wait3A_203 = tpu.memref_slice %arg4[%mul3A_170] : memref<25165824xf32, #tpu.memory_space<hbm>> -> memref<24576xf32, #tpu.memory_space<hbm>>
    tpu.wait_dma2 semaphore(%arg10 : memref<!tpu.dma_semaphore, #tpu.memory_space<semaphore_mem>>) src(%arg6 : memref<24576xf32, #tpu.memory_space<vmem>>) dst(%dma_wait3A_203 : memref<24576xf32, #tpu.memory_space<hbm>>)
    %add3A_204 = arith.constant 8192 : i32
    %add3A_205 = arith.addi %add3A_204, %mul3A_2 : i32
    %add3A_206 = arith.constant 64 : i32
    %add3A_207 = arith.addi %add3A_205, %add3A_206 : i32
    %mul3A_208 = arith.constant 768 : i32
    %mul3A_209 = arith.muli %add3A_207, %mul3A_208 : i32
    %dma_start3A_210 = tpu.memref_slice %arg2[%mul3A_209] : memref<25165824xf32, #tpu.memory_space<hbm>> -> memref<24576xf32, #tpu.memory_space<hbm>>
    %dma_start3A_211 = tpu.memref_slice %arg2[%mul3A_209] : memref<25165824xf32, #tpu.memory_space<hbm>> -> memref<24576xf32, #tpu.memory_space<hbm>>
    tpu.enqueue_dma source(%dma_start3A_211 : memref<24576xf32, #tpu.memory_space<hbm>>) target(%arg7 : memref<24576xf32, #tpu.memory_space<vmem>>) target_semaphore(%arg9 : memref<!tpu.dma_semaphore, #tpu.memory_space<semaphore_mem>>)
    %parallel_loop3A_212 = arith.constant 0 : i32
    %parallel_loop3A_213 = arith.constant 24576 : i32
    %parallel_loop3A_214 = arith.constant 16 : i32
    scf.for %parallel_loop3A_768 = %parallel_loop3A_212 to %parallel_loop3A_213 step %parallel_loop3A_214  : i32 {
      %parallel_loop3A_769 = arith.index_cast %parallel_loop3A_768 : i32 to index
      %parallel_loop3A_770 = tpu.vector_load %arg5[%parallel_loop3A_769] {strides = array<i32>} : memref<24576xf32, #tpu.memory_space<vmem>>, vector<16xf32>,
      %parallel_loop3A_771 = vector.shape_cast %parallel_loop3A_770 : vector<16xf32> to vector<16xf32>
      %parallel_loop3A_772 = arith.index_cast %parallel_loop3A_768 : i32 to index
      %parallel_loop3A_773 = tpu.vector_load %arg6[%parallel_loop3A_772] {strides = array<i32>} : memref<24576xf32, #tpu.memory_space<vmem>>, vector<16xf32>,
      %parallel_loop3A_774 = vector.shape_cast %parallel_loop3A_773 : vector<16xf32> to vector<16xf32>
      %parallel_loop3A_775 = vector.shape_cast %parallel_loop3A_771 : vector<16xf32> to vector<16xf32>
      tpu.vector_store %arg6[%parallel_loop3A_772], %parallel_loop3A_775 {add = true, strides = array<i32>} : memref<24576xf32, #tpu.memory_space<vmem>>, vector<16xf32>,
    } {sc.loop_unroll_factor = 8 : i64, sc.parallel_access}
    %add3A_215 = arith.constant 0 : i32
    %add3A_216 = arith.addi %add3A_215, %mul3A_2 : i32
    %add3A_217 = arith.constant 64 : i32
    %add3A_218 = arith.addi %add3A_216, %add3A_217 : i32
    %mul3A_219 = arith.constant 768 : i32
    %mul3A_220 = arith.muli %add3A_218, %mul3A_219 : i32
    %dma_start3A_221 = tpu.memref_slice %arg4[%mul3A_220] : memref<25165824xf32, #tpu.memory_space<hbm>> -> memref<24576xf32, #tpu.memory_space<hbm>>
    %dma_start3A_222 = tpu.memref_slice %arg4[%mul3A_220] : memref<25165824xf32, #tpu.memory_space<hbm>> -> memref<24576xf32, #tpu.memory_space<hbm>>
    tpu.enqueue_dma source(%arg6 : memref<24576xf32, #tpu.memory_space<vmem>>) target(%dma_start3A_222 : memref<24576xf32, #tpu.memory_space<hbm>>) target_semaphore(%arg10 : memref<!tpu.dma_semaphore, #tpu.memory_space<semaphore_mem>>)
    %dma_wait3A_223 = tpu.memref_slice %arg2[%mul3A_209] : memref<25165824xf32, #tpu.memory_space<hbm>> -> memref<24576xf32, #tpu.memory_space<hbm>>
    %dma_wait3A_224 = tpu.memref_slice %arg2[%mul3A_209] : memref<25165824xf32, #tpu.memory_space<hbm>> -> memref<24576xf32, #tpu.memory_space<hbm>>
    tpu.wait_dma2 semaphore(%arg9 : memref<!tpu.dma_semaphore, #tpu.memory_space<semaphore_mem>>) src(%dma_wait3A_224 : memref<24576xf32, #tpu.memory_space<hbm>>) dst(%arg7 : memref<24576xf32, #tpu.memory_space<vmem>>)
    %dma_wait3A_225 = tpu.memref_slice %arg4[%mul3A_193] : memref<25165824xf32, #tpu.memory_space<hbm>> -> memref<24576xf32, #tpu.memory_space<hbm>>
    %dma_wait3A_226 = tpu.memref_slice %arg4[%mul3A_193] : memref<25165824xf32, #tpu.memory_space<hbm>> -> memref<24576xf32, #tpu.memory_space<hbm>>
    tpu.wait_dma2 semaphore(%arg11 : memref<!tpu.dma_semaphore, #tpu.memory_space<semaphore_mem>>) src(%arg7 : memref<24576xf32, #tpu.memory_space<vmem>>) dst(%dma_wait3A_226 : memref<24576xf32, #tpu.memory_space<hbm>>)
    %add3A_227 = arith.constant 16384 : i32
    %add3A_228 = arith.addi %add3A_227, %mul3A_2 : i32
    %add3A_229 = arith.constant 64 : i32
    %add3A_230 = arith.addi %add3A_228, %add3A_229 : i32
    %mul3A_231 = arith.constant 768 : i32
    %mul3A_232 = arith.muli %add3A_230, %mul3A_231 : i32
    %dma_start3A_233 = tpu.memref_slice %arg2[%mul3A_232] : memref<25165824xf32, #tpu.memory_space<hbm>> -> memref<24576xf32, #tpu.memory_space<hbm>>
    %dma_start3A_234 = tpu.memref_slice %arg2[%mul3A_232] : memref<25165824xf32, #tpu.memory_space<hbm>> -> memref<24576xf32, #tpu.memory_space<hbm>>
    tpu.enqueue_dma source(%dma_start3A_234 : memref<24576xf32, #tpu.memory_space<hbm>>) target(%arg6 : memref<24576xf32, #tpu.memory_space<vmem>>) target_semaphore(%arg8 : memref<!tpu.dma_semaphore, #tpu.memory_space<semaphore_mem>>)
    %parallel_loop3A_235 = arith.constant 0 : i32
    %parallel_loop3A_236 = arith.constant 24576 : i32
    %parallel_loop3A_237 = arith.constant 16 : i32
    scf.for %parallel_loop3A_768 = %parallel_loop3A_235 to %parallel_loop3A_236 step %parallel_loop3A_237  : i32 {
      %parallel_loop3A_769 = arith.index_cast %parallel_loop3A_768 : i32 to index
      %parallel_loop3A_770 = tpu.vector_load %arg5[%parallel_loop3A_769] {strides = array<i32>} : memref<24576xf32, #tpu.memory_space<vmem>>, vector<16xf32>,
      %parallel_loop3A_771 = vector.shape_cast %parallel_loop3A_770 : vector<16xf32> to vector<16xf32>
      %parallel_loop3A_772 = arith.index_cast %parallel_loop3A_768 : i32 to index
      %parallel_loop3A_773 = tpu.vector_load %arg7[%parallel_loop3A_772] {strides = array<i32>} : memref<24576xf32, #tpu.memory_space<vmem>>, vector<16xf32>,
      %parallel_loop3A_774 = vector.shape_cast %parallel_loop3A_773 : vector<16xf32> to vector<16xf32>
      %parallel_loop3A_775 = vector.shape_cast %parallel_loop3A_771 : vector<16xf32> to vector<16xf32>
      tpu.vector_store %arg7[%parallel_loop3A_772], %parallel_loop3A_775 {add = true, strides = array<i32>} : memref<24576xf32, #tpu.memory_space<vmem>>, vector<16xf32>,
    } {sc.loop_unroll_factor = 8 : i64, sc.parallel_access}
    %add3A_238 = arith.constant 8192 : i32
    %add3A_239 = arith.addi %add3A_238, %mul3A_2 : i32
    %add3A_240 = arith.constant 64 : i32
    %add3A_241 = arith.addi %add3A_239, %add3A_240 : i32
    %mul3A_242 = arith.constant 768 : i32
    %mul3A_243 = arith.muli %add3A_241, %mul3A_242 : i32
    %dma_start3A_244 = tpu.memref_slice %arg4[%mul3A_243] : memref<25165824xf32, #tpu.memory_space<hbm>> -> memref<24576xf32, #tpu.memory_space<hbm>>
    %dma_start3A_245 = tpu.memref_slice %arg4[%mul3A_243] : memref<25165824xf32, #tpu.memory_space<hbm>> -> memref<24576xf32, #tpu.memory_space<hbm>>
    tpu.enqueue_dma source(%arg7 : memref<24576xf32, #tpu.memory_space<vmem>>) target(%dma_start3A_245 : memref<24576xf32, #tpu.memory_space<hbm>>) target_semaphore(%arg11 : memref<!tpu.dma_semaphore, #tpu.memory_space<semaphore_mem>>)
    %dma_wait3A_246 = tpu.memref_slice %arg2[%mul3A_232] : memref<25165824xf32, #tpu.memory_space<hbm>> -> memref<24576xf32, #tpu.memory_space<hbm>>
    %dma_wait3A_247 = tpu.memref_slice %arg2[%mul3A_232] : memref<25165824xf32, #tpu.memory_space<hbm>> -> memref<24576xf32, #tpu.memory_space<hbm>>
    tpu.wait_dma2 semaphore(%arg8 : memref<!tpu.dma_semaphore, #tpu.memory_space<semaphore_mem>>) src(%dma_wait3A_247 : memref<24576xf32, #tpu.memory_space<hbm>>) dst(%arg6 : memref<24576xf32, #tpu.memory_space<vmem>>)
    %dma_wait3A_248 = tpu.memref_slice %arg4[%mul3A_220] : memref<25165824xf32, #tpu.memory_space<hbm>> -> memref<24576xf32, #tpu.memory_space<hbm>>
    %dma_wait3A_249 = tpu.memref_slice %arg4[%mul3A_220] : memref<25165824xf32, #tpu.memory_space<hbm>> -> memref<24576xf32, #tpu.memory_space<hbm>>
    tpu.wait_dma2 semaphore(%arg10 : memref<!tpu.dma_semaphore, #tpu.memory_space<semaphore_mem>>) src(%arg6 : memref<24576xf32, #tpu.memory_space<vmem>>) dst(%dma_wait3A_249 : memref<24576xf32, #tpu.memory_space<hbm>>)
    %add3A_250 = arith.constant 24576 : i32
    %add3A_251 = arith.addi %add3A_250, %mul3A_2 : i32
    %add3A_252 = arith.constant 64 : i32
    %add3A_253 = arith.addi %add3A_251, %add3A_252 : i32
    %mul3A_254 = arith.constant 768 : i32
    %mul3A_255 = arith.muli %add3A_253, %mul3A_254 : i32
    %dma_start3A_256 = tpu.memref_slice %arg2[%mul3A_255] : memref<25165824xf32, #tpu.memory_space<hbm>> -> memref<24576xf32, #tpu.memory_space<hbm>>
    %dma_start3A_257 = tpu.memref_slice %arg2[%mul3A_255] : memref<25165824xf32, #tpu.memory_space<hbm>> -> memref<24576xf32, #tpu.memory_space<hbm>>
    tpu.enqueue_dma source(%dma_start3A_257 : memref<24576xf32, #tpu.memory_space<hbm>>) target(%arg7 : memref<24576xf32, #tpu.memory_space<vmem>>) target_semaphore(%arg9 : memref<!tpu.dma_semaphore, #tpu.memory_space<semaphore_mem>>)
    %parallel_loop3A_258 = arith.constant 0 : i32
    %parallel_loop3A_259 = arith.constant 24576 : i32
    %parallel_loop3A_260 = arith.constant 16 : i32
    scf.for %parallel_loop3A_768 = %parallel_loop3A_258 to %parallel_loop3A_259 step %parallel_loop3A_260  : i32 {
      %parallel_loop3A_769 = arith.index_cast %parallel_loop3A_768 : i32 to index
      %parallel_loop3A_770 = tpu.vector_load %arg5[%parallel_loop3A_769] {strides = array<i32>} : memref<24576xf32, #tpu.memory_space<vmem>>, vector<16xf32>,
      %parallel_loop3A_771 = vector.shape_cast %parallel_loop3A_770 : vector<16xf32> to vector<16xf32>
      %parallel_loop3A_772 = arith.index_cast %parallel_loop3A_768 : i32 to index
      %parallel_loop3A_773 = tpu.vector_load %arg6[%parallel_loop3A_772] {strides = array<i32>} : memref<24576xf32, #tpu.memory_space<vmem>>, vector<16xf32>,
      %parallel_loop3A_774 = vector.shape_cast %parallel_loop3A_773 : vector<16xf32> to vector<16xf32>
      %parallel_loop3A_775 = vector.shape_cast %parallel_loop3A_771 : vector<16xf32> to vector<16xf32>
      tpu.vector_store %arg6[%parallel_loop3A_772], %parallel_loop3A_775 {add = true, strides = array<i32>} : memref<24576xf32, #tpu.memory_space<vmem>>, vector<16xf32>,
    } {sc.loop_unroll_factor = 8 : i64, sc.parallel_access}
    %add3A_261 = arith.constant 16384 : i32
    %add3A_262 = arith.addi %add3A_261, %mul3A_2 : i32
    %add3A_263 = arith.constant 64 : i32
    %add3A_264 = arith.addi %add3A_262, %add3A_263 : i32
    %mul3A_265 = arith.constant 768 : i32
    %mul3A_266 = arith.muli %add3A_264, %mul3A_265 : i32
    %dma_start3A_267 = tpu.memref_slice %arg4[%mul3A_266] : memref<25165824xf32, #tpu.memory_space<hbm>> -> memref<24576xf32, #tpu.memory_space<hbm>>
    %dma_start3A_268 = tpu.memref_slice %arg4[%mul3A_266] : memref<25165824xf32, #tpu.memory_space<hbm>> -> memref<24576xf32, #tpu.memory_space<hbm>>
    tpu.enqueue_dma source(%arg6 : memref<24576xf32, #tpu.memory_space<vmem>>) target(%dma_start3A_268 : memref<24576xf32, #tpu.memory_space<hbm>>) target_semaphore(%arg10 : memref<!tpu.dma_semaphore, #tpu.memory_space<semaphore_mem>>)
    %dma_wait3A_269 = tpu.memref_slice %arg2[%mul3A_255] : memref<25165824xf32, #tpu.memory_space<hbm>> -> memref<24576xf32, #tpu.memory_space<hbm>>
    %dma_wait3A_270 = tpu.memref_slice %arg2[%mul3A_255] : memref<25165824xf32, #tpu.memory_space<hbm>> -> memref<24576xf32, #tpu.memory_space<hbm>>
    tpu.wait_dma2 semaphore(%arg9 : memref<!tpu.dma_semaphore, #tpu.memory_space<semaphore_mem>>) src(%dma_wait3A_270 : memref<24576xf32, #tpu.memory_space<hbm>>) dst(%arg7 : memref<24576xf32, #tpu.memory_space<vmem>>)
    %dma_wait3A_271 = tpu.memref_slice %arg4[%mul3A_243] : memref<25165824xf32, #tpu.memory_space<hbm>> -> memref<24576xf32, #tpu.memory_space<hbm>>
    %dma_wait3A_272 = tpu.memref_slice %arg4[%mul3A_243] : memref<25165824xf32, #tpu.memory_space<hbm>> -> memref<24576xf32, #tpu.memory_space<hbm>>
    tpu.wait_dma2 semaphore(%arg11 : memref<!tpu.dma_semaphore, #tpu.memory_space<semaphore_mem>>) src(%arg7 : memref<24576xf32, #tpu.memory_space<vmem>>) dst(%dma_wait3A_272 : memref<24576xf32, #tpu.memory_space<hbm>>)
    %add3A_273 = arith.constant 0 : i32
    %add3A_274 = arith.addi %add3A_273, %mul3A_2 : i32
    %add3A_275 = arith.constant 96 : i32
    %add3A_276 = arith.addi %add3A_274, %add3A_275 : i32
    %mul3A_277 = arith.constant 768 : i32
    %mul3A_278 = arith.muli %add3A_276, %mul3A_277 : i32
    %dma_start3A_279 = tpu.memref_slice %arg2[%mul3A_278] : memref<25165824xf32, #tpu.memory_space<hbm>> -> memref<24576xf32, #tpu.memory_space<hbm>>
    %dma_start3A_280 = tpu.memref_slice %arg2[%mul3A_278] : memref<25165824xf32, #tpu.memory_space<hbm>> -> memref<24576xf32, #tpu.memory_space<hbm>>
    tpu.enqueue_dma source(%dma_start3A_280 : memref<24576xf32, #tpu.memory_space<hbm>>) target(%arg6 : memref<24576xf32, #tpu.memory_space<vmem>>) target_semaphore(%arg8 : memref<!tpu.dma_semaphore, #tpu.memory_space<semaphore_mem>>)
    %parallel_loop3A_281 = arith.constant 0 : i32
    %parallel_loop3A_282 = arith.constant 24576 : i32
    %parallel_loop3A_283 = arith.constant 16 : i32
    scf.for %parallel_loop3A_768 = %parallel_loop3A_281 to %parallel_loop3A_282 step %parallel_loop3A_283  : i32 {
      %parallel_loop3A_769 = arith.index_cast %parallel_loop3A_768 : i32 to index
      %parallel_loop3A_770 = tpu.vector_load %arg5[%parallel_loop3A_769] {strides = array<i32>} : memref<24576xf32, #tpu.memory_space<vmem>>, vector<16xf32>,
      %parallel_loop3A_771 = vector.shape_cast %parallel_loop3A_770 : vector<16xf32> to vector<16xf32>
      %parallel_loop3A_772 = arith.index_cast %parallel_loop3A_768 : i32 to index
      %parallel_loop3A_773 = tpu.vector_load %arg7[%parallel_loop3A_772] {strides = array<i32>} : memref<24576xf32, #tpu.memory_space<vmem>>, vector<16xf32>,
      %parallel_loop3A_774 = vector.shape_cast %parallel_loop3A_773 : vector<16xf32> to vector<16xf32>
      %parallel_loop3A_775 = vector.shape_cast %parallel_loop3A_771 : vector<16xf32> to vector<16xf32>
      tpu.vector_store %arg7[%parallel_loop3A_772], %parallel_loop3A_775 {add = true, strides = array<i32>} : memref<24576xf32, #tpu.memory_space<vmem>>, vector<16xf32>,
    } {sc.loop_unroll_factor = 8 : i64, sc.parallel_access}
    %add3A_284 = arith.constant 24576 : i32
    %add3A_285 = arith.addi %add3A_284, %mul3A_2 : i32
    %add3A_286 = arith.constant 64 : i32
    %add3A_287 = arith.addi %add3A_285, %add3A_286 : i32
    %mul3A_288 = arith.constant 768 : i32
    %mul3A_289 = arith.muli %add3A_287, %mul3A_288 : i32
    %dma_start3A_290 = tpu.memref_slice %arg4[%mul3A_289] : memref<25165824xf32, #tpu.memory_space<hbm>> -> memref<24576xf32, #tpu.memory_space<hbm>>
    %dma_start3A_291 = tpu.memref_slice %arg4[%mul3A_289] : memref<25165824xf32, #tpu.memory_space<hbm>> -> memref<24576xf32, #tpu.memory_space<hbm>>
    tpu.enqueue_dma source(%arg7 : memref<24576xf32, #tpu.memory_space<vmem>>) target(%dma_start3A_291 : memref<24576xf32, #tpu.memory_space<hbm>>) target_semaphore(%arg11 : memref<!tpu.dma_semaphore, #tpu.memory_space<semaphore_mem>>)
    %add3A_292 = arith.constant 96 : i32
    %add3A_293 = arith.addi %mul3A_2, %add3A_292 : i32
    %mul3A_294 = arith.constant 768 : i32
    %mul3A_295 = arith.muli %add3A_293, %mul3A_294 : i32
    "tpu.region"() ({
      %run_scoped3A = tpu.sem_alloc : memref<!tpu.dma_semaphore, #tpu.memory_space<semaphore_mem>>
      %dma_start3A_768 = tpu.memref_slice %arg3[%mul3A_295] : memref<6291456xf32, #tpu.memory_space<hbm>> -> memref<24576xf32, #tpu.memory_space<hbm>>
      %dma_start3A_769 = tpu.memref_slice %arg3[%mul3A_295] : memref<6291456xf32, #tpu.memory_space<hbm>> -> memref<24576xf32, #tpu.memory_space<hbm>>
      tpu.enqueue_dma source(%dma_start3A_769 : memref<24576xf32, #tpu.memory_space<hbm>>) target(%arg5 : memref<24576xf32, #tpu.memory_space<vmem>>) target_semaphore(%run_scoped3A : memref<!tpu.dma_semaphore, #tpu.memory_space<semaphore_mem>>)
      %dma_wait3A_770 = tpu.memref_slice %arg3[%mul3A_295] : memref<6291456xf32, #tpu.memory_space<hbm>> -> memref<24576xf32, #tpu.memory_space<hbm>>
      %dma_wait3A_771 = tpu.memref_slice %arg3[%mul3A_295] : memref<6291456xf32, #tpu.memory_space<hbm>> -> memref<24576xf32, #tpu.memory_space<hbm>>
      tpu.wait_dma2 semaphore(%run_scoped3A : memref<!tpu.dma_semaphore, #tpu.memory_space<semaphore_mem>>) src(%dma_wait3A_771 : memref<24576xf32, #tpu.memory_space<hbm>>) dst(%arg5 : memref<24576xf32, #tpu.memory_space<vmem>>)
      tpu.yield
    }) : () -> ()
    %dma_wait3A_296 = tpu.memref_slice %arg2[%mul3A_278] : memref<25165824xf32, #tpu.memory_space<hbm>> -> memref<24576xf32, #tpu.memory_space<hbm>>
    %dma_wait3A_297 = tpu.memref_slice %arg2[%mul3A_278] : memref<25165824xf32, #tpu.memory_space<hbm>> -> memref<24576xf32, #tpu.memory_space<hbm>>
    tpu.wait_dma2 semaphore(%arg8 : memref<!tpu.dma_semaphore, #tpu.memory_space<semaphore_mem>>) src(%dma_wait3A_297 : memref<24576xf32, #tpu.memory_space<hbm>>) dst(%arg6 : memref<24576xf32, #tpu.memory_space<vmem>>)
    %dma_wait3A_298 = tpu.memref_slice %arg4[%mul3A_266] : memref<25165824xf32, #tpu.memory_space<hbm>> -> memref<24576xf32, #tpu.memory_space<hbm>>
    %dma_wait3A_299 = tpu.memref_slice %arg4[%mul3A_266] : memref<25165824xf32, #tpu.memory_space<hbm>> -> memref<24576xf32, #tpu.memory_space<hbm>>
    tpu.wait_dma2 semaphore(%arg10 : memref<!tpu.dma_semaphore, #tpu.memory_space<semaphore_mem>>) src(%arg6 : memref<24576xf32, #tpu.memory_space<vmem>>) dst(%dma_wait3A_299 : memref<24576xf32, #tpu.memory_space<hbm>>)
    %add3A_300 = arith.constant 8192 : i32
    %add3A_301 = arith.addi %add3A_300, %mul3A_2 : i32
    %add3A_302 = arith.constant 96 : i32
    %add3A_303 = arith.addi %add3A_301, %add3A_302 : i32
    %mul3A_304 = arith.constant 768 : i32
    %mul3A_305 = arith.muli %add3A_303, %mul3A_304 : i32
    %dma_start3A_306 = tpu.memref_slice %arg2[%mul3A_305] : memref<25165824xf32, #tpu.memory_space<hbm>> -> memref<24576xf32, #tpu.memory_space<hbm>>
    %dma_start3A_307 = tpu.memref_slice %arg2[%mul3A_305] : memref<25165824xf32, #tpu.memory_space<hbm>> -> memref<24576xf32, #tpu.memory_space<hbm>>
    tpu.enqueue_dma source(%dma_start3A_307 : memref<24576xf32, #tpu.memory_space<hbm>>) target(%arg7 : memref<24576xf32, #tpu.memory_space<vmem>>) target_semaphore(%arg9 : memref<!tpu.dma_semaphore, #tpu.memory_space<semaphore_mem>>)
    %parallel_loop3A_308 = arith.constant 0 : i32
    %parallel_loop3A_309 = arith.constant 24576 : i32
    %parallel_loop3A_310 = arith.constant 16 : i32
    scf.for %parallel_loop3A_768 = %parallel_loop3A_308 to %parallel_loop3A_309 step %parallel_loop3A_310  : i32 {
      %parallel_loop3A_769 = arith.index_cast %parallel_loop3A_768 : i32 to index
      %parallel_loop3A_770 = tpu.vector_load %arg5[%parallel_loop3A_769] {strides = array<i32>} : memref<24576xf32, #tpu.memory_space<vmem>>, vector<16xf32>,
      %parallel_loop3A_771 = vector.shape_cast %parallel_loop3A_770 : vector<16xf32> to vector<16xf32>
      %parallel_loop3A_772 = arith.index_cast %parallel_loop3A_768 : i32 to index
      %parallel_loop3A_773 = tpu.vector_load %arg6[%parallel_loop3A_772] {strides = array<i32>} : memref<24576xf32, #tpu.memory_space<vmem>>, vector<16xf32>,
      %parallel_loop3A_774 = vector.shape_cast %parallel_loop3A_773 : vector<16xf32> to vector<16xf32>
      %parallel_loop3A_775 = vector.shape_cast %parallel_loop3A_771 : vector<16xf32> to vector<16xf32>
      tpu.vector_store %arg6[%parallel_loop3A_772], %parallel_loop3A_775 {add = true, strides = array<i32>} : memref<24576xf32, #tpu.memory_space<vmem>>, vector<16xf32>,
    } {sc.loop_unroll_factor = 8 : i64, sc.parallel_access}
    %add3A_311 = arith.constant 0 : i32
    %add3A_312 = arith.addi %add3A_311, %mul3A_2 : i32
    %add3A_313 = arith.constant 96 : i32
    %add3A_314 = arith.addi %add3A_312, %add3A_313 : i32
    %mul3A_315 = arith.constant 768 : i32
    %mul3A_316 = arith.muli %add3A_314, %mul3A_315 : i32
    %dma_start3A_317 = tpu.memref_slice %arg4[%mul3A_316] : memref<25165824xf32, #tpu.memory_space<hbm>> -> memref<24576xf32, #tpu.memory_space<hbm>>
    %dma_start3A_318 = tpu.memref_slice %arg4[%mul3A_316] : memref<25165824xf32, #tpu.memory_space<hbm>> -> memref<24576xf32, #tpu.memory_space<hbm>>
    tpu.enqueue_dma source(%arg6 : memref<24576xf32, #tpu.memory_space<vmem>>) target(%dma_start3A_318 : memref<24576xf32, #tpu.memory_space<hbm>>) target_semaphore(%arg10 : memref<!tpu.dma_semaphore, #tpu.memory_space<semaphore_mem>>)
    %dma_wait3A_319 = tpu.memref_slice %arg2[%mul3A_305] : memref<25165824xf32, #tpu.memory_space<hbm>> -> memref<24576xf32, #tpu.memory_space<hbm>>
    %dma_wait3A_320 = tpu.memref_slice %arg2[%mul3A_305] : memref<25165824xf32, #tpu.memory_space<hbm>> -> memref<24576xf32, #tpu.memory_space<hbm>>
    tpu.wait_dma2 semaphore(%arg9 : memref<!tpu.dma_semaphore, #tpu.memory_space<semaphore_mem>>) src(%dma_wait3A_320 : memref<24576xf32, #tpu.memory_space<hbm>>) dst(%arg7 : memref<24576xf32, #tpu.memory_space<vmem>>)
    %dma_wait3A_321 = tpu.memref_slice %arg4[%mul3A_289] : memref<25165824xf32, #tpu.memory_space<hbm>> -> memref<24576xf32, #tpu.memory_space<hbm>>
    %dma_wait3A_322 = tpu.memref_slice %arg4[%mul3A_289] : memref<25165824xf32, #tpu.memory_space<hbm>> -> memref<24576xf32, #tpu.memory_space<hbm>>
    tpu.wait_dma2 semaphore(%arg11 : memref<!tpu.dma_semaphore, #tpu.memory_space<semaphore_mem>>) src(%arg7 : memref<24576xf32, #tpu.memory_space<vmem>>) dst(%dma_wait3A_322 : memref<24576xf32, #tpu.memory_space<hbm>>)
    %add3A_323 = arith.constant 16384 : i32
    %add3A_324 = arith.addi %add3A_323, %mul3A_2 : i32
    %add3A_325 = arith.constant 96 : i32
    %add3A_326 = arith.addi %add3A_324, %add3A_325 : i32
    %mul3A_327 = arith.constant 768 : i32
    %mul3A_328 = arith.muli %add3A_326, %mul3A_327 : i32
    %dma_start3A_329 = tpu.memref_slice %arg2[%mul3A_328] : memref<25165824xf32, #tpu.memory_space<hbm>> -> memref<24576xf32, #tpu.memory_space<hbm>>
    %dma_start3A_330 = tpu.memref_slice %arg2[%mul3A_328] : memref<25165824xf32, #tpu.memory_space<hbm>> -> memref<24576xf32, #tpu.memory_space<hbm>>
    tpu.enqueue_dma source(%dma_start3A_330 : memref<24576xf32, #tpu.memory_space<hbm>>) target(%arg6 : memref<24576xf32, #tpu.memory_space<vmem>>) target_semaphore(%arg8 : memref<!tpu.dma_semaphore, #tpu.memory_space<semaphore_mem>>)
    %parallel_loop3A_331 = arith.constant 0 : i32
    %parallel_loop3A_332 = arith.constant 24576 : i32
    %parallel_loop3A_333 = arith.constant 16 : i32
    scf.for %parallel_loop3A_768 = %parallel_loop3A_331 to %parallel_loop3A_332 step %parallel_loop3A_333  : i32 {
      %parallel_loop3A_769 = arith.index_cast %parallel_loop3A_768 : i32 to index
      %parallel_loop3A_770 = tpu.vector_load %arg5[%parallel_loop3A_769] {strides = array<i32>} : memref<24576xf32, #tpu.memory_space<vmem>>, vector<16xf32>,
      %parallel_loop3A_771 = vector.shape_cast %parallel_loop3A_770 : vector<16xf32> to vector<16xf32>
      %parallel_loop3A_772 = arith.index_cast %parallel_loop3A_768 : i32 to index
      %parallel_loop3A_773 = tpu.vector_load %arg7[%parallel_loop3A_772] {strides = array<i32>} : memref<24576xf32, #tpu.memory_space<vmem>>, vector<16xf32>,
      %parallel_loop3A_774 = vector.shape_cast %parallel_loop3A_773 : vector<16xf32> to vector<16xf32>
      %parallel_loop3A_775 = vector.shape_cast %parallel_loop3A_771 : vector<16xf32> to vector<16xf32>
      tpu.vector_store %arg7[%parallel_loop3A_772], %parallel_loop3A_775 {add = true, strides = array<i32>} : memref<24576xf32, #tpu.memory_space<vmem>>, vector<16xf32>,
    } {sc.loop_unroll_factor = 8 : i64, sc.parallel_access}
    %add3A_334 = arith.constant 8192 : i32
    %add3A_335 = arith.addi %add3A_334, %mul3A_2 : i32
    %add3A_336 = arith.constant 96 : i32
    %add3A_337 = arith.addi %add3A_335, %add3A_336 : i32
    %mul3A_338 = arith.constant 768 : i32
    %mul3A_339 = arith.muli %add3A_337, %mul3A_338 : i32
    %dma_start3A_340 = tpu.memref_slice %arg4[%mul3A_339] : memref<25165824xf32, #tpu.memory_space<hbm>> -> memref<24576xf32, #tpu.memory_space<hbm>>
    %dma_start3A_341 = tpu.memref_slice %arg4[%mul3A_339] : memref<25165824xf32, #tpu.memory_space<hbm>> -> memref<24576xf32, #tpu.memory_space<hbm>>
    tpu.enqueue_dma source(%arg7 : memref<24576xf32, #tpu.memory_space<vmem>>) target(%dma_start3A_341 : memref<24576xf32, #tpu.memory_space<hbm>>) target_semaphore(%arg11 : memref<!tpu.dma_semaphore, #tpu.memory_space<semaphore_mem>>)
    %dma_wait3A_342 = tpu.memref_slice %arg2[%mul3A_328] : memref<25165824xf32, #tpu.memory_space<hbm>> -> memref<24576xf32, #tpu.memory_space<hbm>>
    %dma_wait3A_343 = tpu.memref_slice %arg2[%mul3A_328] : memref<25165824xf32, #tpu.memory_space<hbm>> -> memref<24576xf32, #tpu.memory_space<hbm>>
    tpu.wait_dma2 semaphore(%arg8 : memref<!tpu.dma_semaphore, #tpu.memory_space<semaphore_mem>>) src(%dma_wait3A_343 : memref<24576xf32, #tpu.memory_space<hbm>>) dst(%arg6 : memref<24576xf32, #tpu.memory_space<vmem>>)
    %dma_wait3A_344 = tpu.memref_slice %arg4[%mul3A_316] : memref<25165824xf32, #tpu.memory_space<hbm>> -> memref<24576xf32, #tpu.memory_space<hbm>>
    %dma_wait3A_345 = tpu.memref_slice %arg4[%mul3A_316] : memref<25165824xf32, #tpu.memory_space<hbm>> -> memref<24576xf32, #tpu.memory_space<hbm>>
    tpu.wait_dma2 semaphore(%arg10 : memref<!tpu.dma_semaphore, #tpu.memory_space<semaphore_mem>>) src(%arg6 : memref<24576xf32, #tpu.memory_space<vmem>>) dst(%dma_wait3A_345 : memref<24576xf32, #tpu.memory_space<hbm>>)
    %add3A_346 = arith.constant 24576 : i32
    %add3A_347 = arith.addi %add3A_346, %mul3A_2 : i32
    %add3A_348 = arith.constant 96 : i32
    %add3A_349 = arith.addi %add3A_347, %add3A_348 : i32
    %mul3A_350 = arith.constant 768 : i32
    %mul3A_351 = arith.muli %add3A_349, %mul3A_350 : i32
    %dma_start3A_352 = tpu.memref_slice %arg2[%mul3A_351] : memref<25165824xf32, #tpu.memory_space<hbm>> -> memref<24576xf32, #tpu.memory_space<hbm>>
    %dma_start3A_353 = tpu.memref_slice %arg2[%mul3A_351] : memref<25165824xf32, #tpu.memory_space<hbm>> -> memref<24576xf32, #tpu.memory_space<hbm>>
    tpu.enqueue_dma source(%dma_start3A_353 : memref<24576xf32, #tpu.memory_space<hbm>>) target(%arg7 : memref<24576xf32, #tpu.memory_space<vmem>>) target_semaphore(%arg9 : memref<!tpu.dma_semaphore, #tpu.memory_space<semaphore_mem>>)
    %parallel_loop3A_354 = arith.constant 0 : i32
    %parallel_loop3A_355 = arith.constant 24576 : i32
    %parallel_loop3A_356 = arith.constant 16 : i32
    scf.for %parallel_loop3A_768 = %parallel_loop3A_354 to %parallel_loop3A_355 step %parallel_loop3A_356  : i32 {
      %parallel_loop3A_769 = arith.index_cast %parallel_loop3A_768 : i32 to index
      %parallel_loop3A_770 = tpu.vector_load %arg5[%parallel_loop3A_769] {strides = array<i32>} : memref<24576xf32, #tpu.memory_space<vmem>>, vector<16xf32>,
      %parallel_loop3A_771 = vector.shape_cast %parallel_loop3A_770 : vector<16xf32> to vector<16xf32>
      %parallel_loop3A_772 = arith.index_cast %parallel_loop3A_768 : i32 to index
      %parallel_loop3A_773 = tpu.vector_load %arg6[%parallel_loop3A_772] {strides = array<i32>} : memref<24576xf32, #tpu.memory_space<vmem>>, vector<16xf32>,
      %parallel_loop3A_774 = vector.shape_cast %parallel_loop3A_773 : vector<16xf32> to vector<16xf32>
      %parallel_loop3A_775 = vector.shape_cast %parallel_loop3A_771 : vector<16xf32> to vector<16xf32>
      tpu.vector_store %arg6[%parallel_loop3A_772], %parallel_loop3A_775 {add = true, strides = array<i32>} : memref<24576xf32, #tpu.memory_space<vmem>>, vector<16xf32>,
    } {sc.loop_unroll_factor = 8 : i64, sc.parallel_access}
    %add3A_357 = arith.constant 16384 : i32
    %add3A_358 = arith.addi %add3A_357, %mul3A_2 : i32
    %add3A_359 = arith.constant 96 : i32
    %add3A_360 = arith.addi %add3A_358, %add3A_359 : i32
    %mul3A_361 = arith.constant 768 : i32
    %mul3A_362 = arith.muli %add3A_360, %mul3A_361 : i32
    %dma_start3A_363 = tpu.memref_slice %arg4[%mul3A_362] : memref<25165824xf32, #tpu.memory_space<hbm>> -> memref<24576xf32, #tpu.memory_space<hbm>>
    %dma_start3A_364 = tpu.memref_slice %arg4[%mul3A_362] : memref<25165824xf32, #tpu.memory_space<hbm>> -> memref<24576xf32, #tpu.memory_space<hbm>>
    tpu.enqueue_dma source(%arg6 : memref<24576xf32, #tpu.memory_space<vmem>>) target(%dma_start3A_364 : memref<24576xf32, #tpu.memory_space<hbm>>) target_semaphore(%arg10 : memref<!tpu.dma_semaphore, #tpu.memory_space<semaphore_mem>>)
    %dma_wait3A_365 = tpu.memref_slice %arg2[%mul3A_351] : memref<25165824xf32, #tpu.memory_space<hbm>> -> memref<24576xf32, #tpu.memory_space<hbm>>
    %dma_wait3A_366 = tpu.memref_slice %arg2[%mul3A_351] : memref<25165824xf32, #tpu.memory_space<hbm>> -> memref<24576xf32, #tpu.memory_space<hbm>>
    tpu.wait_dma2 semaphore(%arg9 : memref<!tpu.dma_semaphore, #tpu.memory_space<semaphore_mem>>) src(%dma_wait3A_366 : memref<24576xf32, #tpu.memory_space<hbm>>) dst(%arg7 : memref<24576xf32, #tpu.memory_space<vmem>>)
    %dma_wait3A_367 = tpu.memref_slice %arg4[%mul3A_339] : memref<25165824xf32, #tpu.memory_space<hbm>> -> memref<24576xf32, #tpu.memory_space<hbm>>
    %dma_wait3A_368 = tpu.memref_slice %arg4[%mul3A_339] : memref<25165824xf32, #tpu.memory_space<hbm>> -> memref<24576xf32, #tpu.memory_space<hbm>>
    tpu.wait_dma2 semaphore(%arg11 : memref<!tpu.dma_semaphore, #tpu.memory_space<semaphore_mem>>) src(%arg7 : memref<24576xf32, #tpu.memory_space<vmem>>) dst(%dma_wait3A_368 : memref<24576xf32, #tpu.memory_space<hbm>>)
    %add3A_369 = arith.constant 0 : i32
    %add3A_370 = arith.addi %add3A_369, %mul3A_2 : i32
    %add3A_371 = arith.constant 128 : i32
    %add3A_372 = arith.addi %add3A_370, %add3A_371 : i32
    %mul3A_373 = arith.constant 768 : i32
    %mul3A_374 = arith.muli %add3A_372, %mul3A_373 : i32
    %dma_start3A_375 = tpu.memref_slice %arg2[%mul3A_374] : memref<25165824xf32, #tpu.memory_space<hbm>> -> memref<24576xf32, #tpu.memory_space<hbm>>
    %dma_start3A_376 = tpu.memref_slice %arg2[%mul3A_374] : memref<25165824xf32, #tpu.memory_space<hbm>> -> memref<24576xf32, #tpu.memory_space<hbm>>
    tpu.enqueue_dma source(%dma_start3A_376 : memref<24576xf32, #tpu.memory_space<hbm>>) target(%arg6 : memref<24576xf32, #tpu.memory_space<vmem>>) target_semaphore(%arg8 : memref<!tpu.dma_semaphore, #tpu.memory_space<semaphore_mem>>)
    %parallel_loop3A_377 = arith.constant 0 : i32
    %parallel_loop3A_378 = arith.constant 24576 : i32
    %parallel_loop3A_379 = arith.constant 16 : i32
    scf.for %parallel_loop3A_768 = %parallel_loop3A_377 to %parallel_loop3A_378 step %parallel_loop3A_379  : i32 {
      %parallel_loop3A_769 = arith.index_cast %parallel_loop3A_768 : i32 to index
      %parallel_loop3A_770 = tpu.vector_load %arg5[%parallel_loop3A_769] {strides = array<i32>} : memref<24576xf32, #tpu.memory_space<vmem>>, vector<16xf32>,
      %parallel_loop3A_771 = vector.shape_cast %parallel_loop3A_770 : vector<16xf32> to vector<16xf32>
      %parallel_loop3A_772 = arith.index_cast %parallel_loop3A_768 : i32 to index
      %parallel_loop3A_773 = tpu.vector_load %arg7[%parallel_loop3A_772] {strides = array<i32>} : memref<24576xf32, #tpu.memory_space<vmem>>, vector<16xf32>,
      %parallel_loop3A_774 = vector.shape_cast %parallel_loop3A_773 : vector<16xf32> to vector<16xf32>
      %parallel_loop3A_775 = vector.shape_cast %parallel_loop3A_771 : vector<16xf32> to vector<16xf32>
      tpu.vector_store %arg7[%parallel_loop3A_772], %parallel_loop3A_775 {add = true, strides = array<i32>} : memref<24576xf32, #tpu.memory_space<vmem>>, vector<16xf32>,
    } {sc.loop_unroll_factor = 8 : i64, sc.parallel_access}
    %add3A_380 = arith.constant 24576 : i32
    %add3A_381 = arith.addi %add3A_380, %mul3A_2 : i32
    %add3A_382 = arith.constant 96 : i32
    %add3A_383 = arith.addi %add3A_381, %add3A_382 : i32
    %mul3A_384 = arith.constant 768 : i32
    %mul3A_385 = arith.muli %add3A_383, %mul3A_384 : i32
    %dma_start3A_386 = tpu.memref_slice %arg4[%mul3A_385] : memref<25165824xf32, #tpu.memory_space<hbm>> -> memref<24576xf32, #tpu.memory_space<hbm>>
    %dma_start3A_387 = tpu.memref_slice %arg4[%mul3A_385] : memref<25165824xf32, #tpu.memory_space<hbm>> -> memref<24576xf32, #tpu.memory_space<hbm>>
    tpu.enqueue_dma source(%arg7 : memref<24576xf32, #tpu.memory_space<vmem>>) target(%dma_start3A_387 : memref<24576xf32, #tpu.memory_space<hbm>>) target_semaphore(%arg11 : memref<!tpu.dma_semaphore, #tpu.memory_space<semaphore_mem>>)
    %add3A_388 = arith.constant 128 : i32
    %add3A_389 = arith.addi %mul3A_2, %add3A_388 : i32
    %mul3A_390 = arith.constant 768 : i32
    %mul3A_391 = arith.muli %add3A_389, %mul3A_390 : i32
    "tpu.region"() ({
      %run_scoped3A = tpu.sem_alloc : memref<!tpu.dma_semaphore, #tpu.memory_space<semaphore_mem>>
      %dma_start3A_768 = tpu.memref_slice %arg3[%mul3A_391] : memref<6291456xf32, #tpu.memory_space<hbm>> -> memref<24576xf32, #tpu.memory_space<hbm>>
      %dma_start3A_769 = tpu.memref_slice %arg3[%mul3A_391] : memref<6291456xf32, #tpu.memory_space<hbm>> -> memref<24576xf32, #tpu.memory_space<hbm>>
      tpu.enqueue_dma source(%dma_start3A_769 : memref<24576xf32, #tpu.memory_space<hbm>>) target(%arg5 : memref<24576xf32, #tpu.memory_space<vmem>>) target_semaphore(%run_scoped3A : memref<!tpu.dma_semaphore, #tpu.memory_space<semaphore_mem>>)
      %dma_wait3A_770 = tpu.memref_slice %arg3[%mul3A_391] : memref<6291456xf32, #tpu.memory_space<hbm>> -> memref<24576xf32, #tpu.memory_space<hbm>>
      %dma_wait3A_771 = tpu.memref_slice %arg3[%mul3A_391] : memref<6291456xf32, #tpu.memory_space<hbm>> -> memref<24576xf32, #tpu.memory_space<hbm>>
      tpu.wait_dma2 semaphore(%run_scoped3A : memref<!tpu.dma_semaphore, #tpu.memory_space<semaphore_mem>>) src(%dma_wait3A_771 : memref<24576xf32, #tpu.memory_space<hbm>>) dst(%arg5 : memref<24576xf32, #tpu.memory_space<vmem>>)
      tpu.yield
    }) : () -> ()
    %dma_wait3A_392 = tpu.memref_slice %arg2[%mul3A_374] : memref<25165824xf32, #tpu.memory_space<hbm>> -> memref<24576xf32, #tpu.memory_space<hbm>>
    %dma_wait3A_393 = tpu.memref_slice %arg2[%mul3A_374] : memref<25165824xf32, #tpu.memory_space<hbm>> -> memref<24576xf32, #tpu.memory_space<hbm>>
    tpu.wait_dma2 semaphore(%arg8 : memref<!tpu.dma_semaphore, #tpu.memory_space<semaphore_mem>>) src(%dma_wait3A_393 : memref<24576xf32, #tpu.memory_space<hbm>>) dst(%arg6 : memref<24576xf32, #tpu.memory_space<vmem>>)
    %dma_wait3A_394 = tpu.memref_slice %arg4[%mul3A_362] : memref<25165824xf32, #tpu.memory_space<hbm>> -> memref<24576xf32, #tpu.memory_space<hbm>>
    %dma_wait3A_395 = tpu.memref_slice %arg4[%mul3A_362] : memref<25165824xf32, #tpu.memory_space<hbm>> -> memref<24576xf32, #tpu.memory_space<hbm>>
    tpu.wait_dma2 semaphore(%arg10 : memref<!tpu.dma_semaphore, #tpu.memory_space<semaphore_mem>>) src(%arg6 : memref<24576xf32, #tpu.memory_space<vmem>>) dst(%dma_wait3A_395 : memref<24576xf32, #tpu.memory_space<hbm>>)
    %add3A_396 = arith.constant 8192 : i32
    %add3A_397 = arith.addi %add3A_396, %mul3A_2 : i32
    %add3A_398 = arith.constant 128 : i32
    %add3A_399 = arith.addi %add3A_397, %add3A_398 : i32
    %mul3A_400 = arith.constant 768 : i32
    %mul3A_401 = arith.muli %add3A_399, %mul3A_400 : i32
    %dma_start3A_402 = tpu.memref_slice %arg2[%mul3A_401] : memref<25165824xf32, #tpu.memory_space<hbm>> -> memref<24576xf32, #tpu.memory_space<hbm>>
    %dma_start3A_403 = tpu.memref_slice %arg2[%mul3A_401] : memref<25165824xf32, #tpu.memory_space<hbm>> -> memref<24576xf32, #tpu.memory_space<hbm>>
    tpu.enqueue_dma source(%dma_start3A_403 : memref<24576xf32, #tpu.memory_space<hbm>>) target(%arg7 : memref<24576xf32, #tpu.memory_space<vmem>>) target_semaphore(%arg9 : memref<!tpu.dma_semaphore, #tpu.memory_space<semaphore_mem>>)
    %parallel_loop3A_404 = arith.constant 0 : i32
    %parallel_loop3A_405 = arith.constant 24576 : i32
    %parallel_loop3A_406 = arith.constant 16 : i32
    scf.for %parallel_loop3A_768 = %parallel_loop3A_404 to %parallel_loop3A_405 step %parallel_loop3A_406  : i32 {
      %parallel_loop3A_769 = arith.index_cast %parallel_loop3A_768 : i32 to index
      %parallel_loop3A_770 = tpu.vector_load %arg5[%parallel_loop3A_769] {strides = array<i32>} : memref<24576xf32, #tpu.memory_space<vmem>>, vector<16xf32>,
      %parallel_loop3A_771 = vector.shape_cast %parallel_loop3A_770 : vector<16xf32> to vector<16xf32>
      %parallel_loop3A_772 = arith.index_cast %parallel_loop3A_768 : i32 to index
      %parallel_loop3A_773 = tpu.vector_load %arg6[%parallel_loop3A_772] {strides = array<i32>} : memref<24576xf32, #tpu.memory_space<vmem>>, vector<16xf32>,
      %parallel_loop3A_774 = vector.shape_cast %parallel_loop3A_773 : vector<16xf32> to vector<16xf32>
      %parallel_loop3A_775 = vector.shape_cast %parallel_loop3A_771 : vector<16xf32> to vector<16xf32>
      tpu.vector_store %arg6[%parallel_loop3A_772], %parallel_loop3A_775 {add = true, strides = array<i32>} : memref<24576xf32, #tpu.memory_space<vmem>>, vector<16xf32>,
    } {sc.loop_unroll_factor = 8 : i64, sc.parallel_access}
    %add3A_407 = arith.constant 0 : i32
    %add3A_408 = arith.addi %add3A_407, %mul3A_2 : i32
    %add3A_409 = arith.constant 128 : i32
    %add3A_410 = arith.addi %add3A_408, %add3A_409 : i32
    %mul3A_411 = arith.constant 768 : i32
    %mul3A_412 = arith.muli %add3A_410, %mul3A_411 : i32
    %dma_start3A_413 = tpu.memref_slice %arg4[%mul3A_412] : memref<25165824xf32, #tpu.memory_space<hbm>> -> memref<24576xf32, #tpu.memory_space<hbm>>
    %dma_start3A_414 = tpu.memref_slice %arg4[%mul3A_412] : memref<25165824xf32, #tpu.memory_space<hbm>> -> memref<24576xf32, #tpu.memory_space<hbm>>
    tpu.enqueue_dma source(%arg6 : memref<24576xf32, #tpu.memory_space<vmem>>) target(%dma_start3A_414 : memref<24576xf32, #tpu.memory_space<hbm>>) target_semaphore(%arg10 : memref<!tpu.dma_semaphore, #tpu.memory_space<semaphore_mem>>)
    %dma_wait3A_415 = tpu.memref_slice %arg2[%mul3A_401] : memref<25165824xf32, #tpu.memory_space<hbm>> -> memref<24576xf32, #tpu.memory_space<hbm>>
    %dma_wait3A_416 = tpu.memref_slice %arg2[%mul3A_401] : memref<25165824xf32, #tpu.memory_space<hbm>> -> memref<24576xf32, #tpu.memory_space<hbm>>
    tpu.wait_dma2 semaphore(%arg9 : memref<!tpu.dma_semaphore, #tpu.memory_space<semaphore_mem>>) src(%dma_wait3A_416 : memref<24576xf32, #tpu.memory_space<hbm>>) dst(%arg7 : memref<24576xf32, #tpu.memory_space<vmem>>)
    %dma_wait3A_417 = tpu.memref_slice %arg4[%mul3A_385] : memref<25165824xf32, #tpu.memory_space<hbm>> -> memref<24576xf32, #tpu.memory_space<hbm>>
    %dma_wait3A_418 = tpu.memref_slice %arg4[%mul3A_385] : memref<25165824xf32, #tpu.memory_space<hbm>> -> memref<24576xf32, #tpu.memory_space<hbm>>
    tpu.wait_dma2 semaphore(%arg11 : memref<!tpu.dma_semaphore, #tpu.memory_space<semaphore_mem>>) src(%arg7 : memref<24576xf32, #tpu.memory_space<vmem>>) dst(%dma_wait3A_418 : memref<24576xf32, #tpu.memory_space<hbm>>)
    %add3A_419 = arith.constant 16384 : i32
    %add3A_420 = arith.addi %add3A_419, %mul3A_2 : i32
    %add3A_421 = arith.constant 128 : i32
    %add3A_422 = arith.addi %add3A_420, %add3A_421 : i32
    %mul3A_423 = arith.constant 768 : i32
    %mul3A_424 = arith.muli %add3A_422, %mul3A_423 : i32
    %dma_start3A_425 = tpu.memref_slice %arg2[%mul3A_424] : memref<25165824xf32, #tpu.memory_space<hbm>> -> memref<24576xf32, #tpu.memory_space<hbm>>
    %dma_start3A_426 = tpu.memref_slice %arg2[%mul3A_424] : memref<25165824xf32, #tpu.memory_space<hbm>> -> memref<24576xf32, #tpu.memory_space<hbm>>
    tpu.enqueue_dma source(%dma_start3A_426 : memref<24576xf32, #tpu.memory_space<hbm>>) target(%arg6 : memref<24576xf32, #tpu.memory_space<vmem>>) target_semaphore(%arg8 : memref<!tpu.dma_semaphore, #tpu.memory_space<semaphore_mem>>)
    %parallel_loop3A_427 = arith.constant 0 : i32
    %parallel_loop3A_428 = arith.constant 24576 : i32
    %parallel_loop3A_429 = arith.constant 16 : i32
    scf.for %parallel_loop3A_768 = %parallel_loop3A_427 to %parallel_loop3A_428 step %parallel_loop3A_429  : i32 {
      %parallel_loop3A_769 = arith.index_cast %parallel_loop3A_768 : i32 to index
      %parallel_loop3A_770 = tpu.vector_load %arg5[%parallel_loop3A_769] {strides = array<i32>} : memref<24576xf32, #tpu.memory_space<vmem>>, vector<16xf32>,
      %parallel_loop3A_771 = vector.shape_cast %parallel_loop3A_770 : vector<16xf32> to vector<16xf32>
      %parallel_loop3A_772 = arith.index_cast %parallel_loop3A_768 : i32 to index
      %parallel_loop3A_773 = tpu.vector_load %arg7[%parallel_loop3A_772] {strides = array<i32>} : memref<24576xf32, #tpu.memory_space<vmem>>, vector<16xf32>,
      %parallel_loop3A_774 = vector.shape_cast %parallel_loop3A_773 : vector<16xf32> to vector<16xf32>
      %parallel_loop3A_775 = vector.shape_cast %parallel_loop3A_771 : vector<16xf32> to vector<16xf32>
      tpu.vector_store %arg7[%parallel_loop3A_772], %parallel_loop3A_775 {add = true, strides = array<i32>} : memref<24576xf32, #tpu.memory_space<vmem>>, vector<16xf32>,
    } {sc.loop_unroll_factor = 8 : i64, sc.parallel_access}
    %add3A_430 = arith.constant 8192 : i32
    %add3A_431 = arith.addi %add3A_430, %mul3A_2 : i32
    %add3A_432 = arith.constant 128 : i32
    %add3A_433 = arith.addi %add3A_431, %add3A_432 : i32
    %mul3A_434 = arith.constant 768 : i32
    %mul3A_435 = arith.muli %add3A_433, %mul3A_434 : i32
    %dma_start3A_436 = tpu.memref_slice %arg4[%mul3A_435] : memref<25165824xf32, #tpu.memory_space<hbm>> -> memref<24576xf32, #tpu.memory_space<hbm>>
    %dma_start3A_437 = tpu.memref_slice %arg4[%mul3A_435] : memref<25165824xf32, #tpu.memory_space<hbm>> -> memref<24576xf32, #tpu.memory_space<hbm>>
    tpu.enqueue_dma source(%arg7 : memref<24576xf32, #tpu.memory_space<vmem>>) target(%dma_start3A_437 : memref<24576xf32, #tpu.memory_space<hbm>>) target_semaphore(%arg11 : memref<!tpu.dma_semaphore, #tpu.memory_space<semaphore_mem>>)
    %dma_wait3A_438 = tpu.memref_slice %arg2[%mul3A_424] : memref<25165824xf32, #tpu.memory_space<hbm>> -> memref<24576xf32, #tpu.memory_space<hbm>>
    %dma_wait3A_439 = tpu.memref_slice %arg2[%mul3A_424] : memref<25165824xf32, #tpu.memory_space<hbm>> -> memref<24576xf32, #tpu.memory_space<hbm>>
    tpu.wait_dma2 semaphore(%arg8 : memref<!tpu.dma_semaphore, #tpu.memory_space<semaphore_mem>>) src(%dma_wait3A_439 : memref<24576xf32, #tpu.memory_space<hbm>>) dst(%arg6 : memref<24576xf32, #tpu.memory_space<vmem>>)
    %dma_wait3A_440 = tpu.memref_slice %arg4[%mul3A_412] : memref<25165824xf32, #tpu.memory_space<hbm>> -> memref<24576xf32, #tpu.memory_space<hbm>>
    %dma_wait3A_441 = tpu.memref_slice %arg4[%mul3A_412] : memref<25165824xf32, #tpu.memory_space<hbm>> -> memref<24576xf32, #tpu.memory_space<hbm>>
    tpu.wait_dma2 semaphore(%arg10 : memref<!tpu.dma_semaphore, #tpu.memory_space<semaphore_mem>>) src(%arg6 : memref<24576xf32, #tpu.memory_space<vmem>>) dst(%dma_wait3A_441 : memref<24576xf32, #tpu.memory_space<hbm>>)
    %add3A_442 = arith.constant 24576 : i32
    %add3A_443 = arith.addi %add3A_442, %mul3A_2 : i32
    %add3A_444 = arith.constant 128 : i32
    %add3A_445 = arith.addi %add3A_443, %add3A_444 : i32
    %mul3A_446 = arith.constant 768 : i32
    %mul3A_447 = arith.muli %add3A_445, %mul3A_446 : i32
    %dma_start3A_448 = tpu.memref_slice %arg2[%mul3A_447] : memref<25165824xf32, #tpu.memory_space<hbm>> -> memref<24576xf32, #tpu.memory_space<hbm>>
    %dma_start3A_449 = tpu.memref_slice %arg2[%mul3A_447] : memref<25165824xf32, #tpu.memory_space<hbm>> -> memref<24576xf32, #tpu.memory_space<hbm>>
    tpu.enqueue_dma source(%dma_start3A_449 : memref<24576xf32, #tpu.memory_space<hbm>>) target(%arg7 : memref<24576xf32, #tpu.memory_space<vmem>>) target_semaphore(%arg9 : memref<!tpu.dma_semaphore, #tpu.memory_space<semaphore_mem>>)
    %parallel_loop3A_450 = arith.constant 0 : i32
    %parallel_loop3A_451 = arith.constant 24576 : i32
    %parallel_loop3A_452 = arith.constant 16 : i32
    scf.for %parallel_loop3A_768 = %parallel_loop3A_450 to %parallel_loop3A_451 step %parallel_loop3A_452  : i32 {
      %parallel_loop3A_769 = arith.index_cast %parallel_loop3A_768 : i32 to index
      %parallel_loop3A_770 = tpu.vector_load %arg5[%parallel_loop3A_769] {strides = array<i32>} : memref<24576xf32, #tpu.memory_space<vmem>>, vector<16xf32>,
      %parallel_loop3A_771 = vector.shape_cast %parallel_loop3A_770 : vector<16xf32> to vector<16xf32>
      %parallel_loop3A_772 = arith.index_cast %parallel_loop3A_768 : i32 to index
      %parallel_loop3A_773 = tpu.vector_load %arg6[%parallel_loop3A_772] {strides = array<i32>} : memref<24576xf32, #tpu.memory_space<vmem>>, vector<16xf32>,
      %parallel_loop3A_774 = vector.shape_cast %parallel_loop3A_773 : vector<16xf32> to vector<16xf32>
      %parallel_loop3A_775 = vector.shape_cast %parallel_loop3A_771 : vector<16xf32> to vector<16xf32>
      tpu.vector_store %arg6[%parallel_loop3A_772], %parallel_loop3A_775 {add = true, strides = array<i32>} : memref<24576xf32, #tpu.memory_space<vmem>>, vector<16xf32>,
    } {sc.loop_unroll_factor = 8 : i64, sc.parallel_access}
    %add3A_453 = arith.constant 16384 : i32
    %add3A_454 = arith.addi %add3A_453, %mul3A_2 : i32
    %add3A_455 = arith.constant 128 : i32
    %add3A_456 = arith.addi %add3A_454, %add3A_455 : i32
    %mul3A_457 = arith.constant 768 : i32
    %mul3A_458 = arith.muli %add3A_456, %mul3A_457 : i32
    %dma_start3A_459 = tpu.memref_slice %arg4[%mul3A_458] : memref<25165824xf32, #tpu.memory_space<hbm>> -> memref<24576xf32, #tpu.memory_space<hbm>>
    %dma_start3A_460 = tpu.memref_slice %arg4[%mul3A_458] : memref<25165824xf32, #tpu.memory_space<hbm>> -> memref<24576xf32, #tpu.memory_space<hbm>>
    tpu.enqueue_dma source(%arg6 : memref<24576xf32, #tpu.memory_space<vmem>>) target(%dma_start3A_460 : memref<24576xf32, #tpu.memory_space<hbm>>) target_semaphore(%arg10 : memref<!tpu.dma_semaphore, #tpu.memory_space<semaphore_mem>>)
    %dma_wait3A_461 = tpu.memref_slice %arg2[%mul3A_447] : memref<25165824xf32, #tpu.memory_space<hbm>> -> memref<24576xf32, #tpu.memory_space<hbm>>
    %dma_wait3A_462 = tpu.memref_slice %arg2[%mul3A_447] : memref<25165824xf32, #tpu.memory_space<hbm>> -> memref<24576xf32, #tpu.memory_space<hbm>>
    tpu.wait_dma2 semaphore(%arg9 : memref<!tpu.dma_semaphore, #tpu.memory_space<semaphore_mem>>) src(%dma_wait3A_462 : memref<24576xf32, #tpu.memory_space<hbm>>) dst(%arg7 : memref<24576xf32, #tpu.memory_space<vmem>>)
    %dma_wait3A_463 = tpu.memref_slice %arg4[%mul3A_435] : memref<25165824xf32, #tpu.memory_space<hbm>> -> memref<24576xf32, #tpu.memory_space<hbm>>
    %dma_wait3A_464 = tpu.memref_slice %arg4[%mul3A_435] : memref<25165824xf32, #tpu.memory_space<hbm>> -> memref<24576xf32, #tpu.memory_space<hbm>>
    tpu.wait_dma2 semaphore(%arg11 : memref<!tpu.dma_semaphore, #tpu.memory_space<semaphore_mem>>) src(%arg7 : memref<24576xf32, #tpu.memory_space<vmem>>) dst(%dma_wait3A_464 : memref<24576xf32, #tpu.memory_space<hbm>>)
    %add3A_465 = arith.constant 0 : i32
    %add3A_466 = arith.addi %add3A_465, %mul3A_2 : i32
    %add3A_467 = arith.constant 160 : i32
    %add3A_468 = arith.addi %add3A_466, %add3A_467 : i32
    %mul3A_469 = arith.constant 768 : i32
    %mul3A_470 = arith.muli %add3A_468, %mul3A_469 : i32
    %dma_start3A_471 = tpu.memref_slice %arg2[%mul3A_470] : memref<25165824xf32, #tpu.memory_space<hbm>> -> memref<24576xf32, #tpu.memory_space<hbm>>
    %dma_start3A_472 = tpu.memref_slice %arg2[%mul3A_470] : memref<25165824xf32, #tpu.memory_space<hbm>> -> memref<24576xf32, #tpu.memory_space<hbm>>
    tpu.enqueue_dma source(%dma_start3A_472 : memref<24576xf32, #tpu.memory_space<hbm>>) target(%arg6 : memref<24576xf32, #tpu.memory_space<vmem>>) target_semaphore(%arg8 : memref<!tpu.dma_semaphore, #tpu.memory_space<semaphore_mem>>)
    %parallel_loop3A_473 = arith.constant 0 : i32
    %parallel_loop3A_474 = arith.constant 24576 : i32
    %parallel_loop3A_475 = arith.constant 16 : i32
    scf.for %parallel_loop3A_768 = %parallel_loop3A_473 to %parallel_loop3A_474 step %parallel_loop3A_475  : i32 {
      %parallel_loop3A_769 = arith.index_cast %parallel_loop3A_768 : i32 to index
      %parallel_loop3A_770 = tpu.vector_load %arg5[%parallel_loop3A_769] {strides = array<i32>} : memref<24576xf32, #tpu.memory_space<vmem>>, vector<16xf32>,
      %parallel_loop3A_771 = vector.shape_cast %parallel_loop3A_770 : vector<16xf32> to vector<16xf32>
      %parallel_loop3A_772 = arith.index_cast %parallel_loop3A_768 : i32 to index
      %parallel_loop3A_773 = tpu.vector_load %arg7[%parallel_loop3A_772] {strides = array<i32>} : memref<24576xf32, #tpu.memory_space<vmem>>, vector<16xf32>,
      %parallel_loop3A_774 = vector.shape_cast %parallel_loop3A_773 : vector<16xf32> to vector<16xf32>
      %parallel_loop3A_775 = vector.shape_cast %parallel_loop3A_771 : vector<16xf32> to vector<16xf32>
      tpu.vector_store %arg7[%parallel_loop3A_772], %parallel_loop3A_775 {add = true, strides = array<i32>} : memref<24576xf32, #tpu.memory_space<vmem>>, vector<16xf32>,
    } {sc.loop_unroll_factor = 8 : i64, sc.parallel_access}
    %add3A_476 = arith.constant 24576 : i32
    %add3A_477 = arith.addi %add3A_476, %mul3A_2 : i32
    %add3A_478 = arith.constant 128 : i32
    %add3A_479 = arith.addi %add3A_477, %add3A_478 : i32
    %mul3A_480 = arith.constant 768 : i32
    %mul3A_481 = arith.muli %add3A_479, %mul3A_480 : i32
    %dma_start3A_482 = tpu.memref_slice %arg4[%mul3A_481] : memref<25165824xf32, #tpu.memory_space<hbm>> -> memref<24576xf32, #tpu.memory_space<hbm>>
    %dma_start3A_483 = tpu.memref_slice %arg4[%mul3A_481] : memref<25165824xf32, #tpu.memory_space<hbm>> -> memref<24576xf32, #tpu.memory_space<hbm>>
    tpu.enqueue_dma source(%arg7 : memref<24576xf32, #tpu.memory_space<vmem>>) target(%dma_start3A_483 : memref<24576xf32, #tpu.memory_space<hbm>>) target_semaphore(%arg11 : memref<!tpu.dma_semaphore, #tpu.memory_space<semaphore_mem>>)
    %add3A_484 = arith.constant 160 : i32
    %add3A_485 = arith.addi %mul3A_2, %add3A_484 : i32
    %mul3A_486 = arith.constant 768 : i32
    %mul3A_487 = arith.muli %add3A_485, %mul3A_486 : i32
    "tpu.region"() ({
      %run_scoped3A = tpu.sem_alloc : memref<!tpu.dma_semaphore, #tpu.memory_space<semaphore_mem>>
      %dma_start3A_768 = tpu.memref_slice %arg3[%mul3A_487] : memref<6291456xf32, #tpu.memory_space<hbm>> -> memref<24576xf32, #tpu.memory_space<hbm>>
      %dma_start3A_769 = tpu.memref_slice %arg3[%mul3A_487] : memref<6291456xf32, #tpu.memory_space<hbm>> -> memref<24576xf32, #tpu.memory_space<hbm>>
      tpu.enqueue_dma source(%dma_start3A_769 : memref<24576xf32, #tpu.memory_space<hbm>>) target(%arg5 : memref<24576xf32, #tpu.memory_space<vmem>>) target_semaphore(%run_scoped3A : memref<!tpu.dma_semaphore, #tpu.memory_space<semaphore_mem>>)
      %dma_wait3A_770 = tpu.memref_slice %arg3[%mul3A_487] : memref<6291456xf32, #tpu.memory_space<hbm>> -> memref<24576xf32, #tpu.memory_space<hbm>>
      %dma_wait3A_771 = tpu.memref_slice %arg3[%mul3A_487] : memref<6291456xf32, #tpu.memory_space<hbm>> -> memref<24576xf32, #tpu.memory_space<hbm>>
      tpu.wait_dma2 semaphore(%run_scoped3A : memref<!tpu.dma_semaphore, #tpu.memory_space<semaphore_mem>>) src(%dma_wait3A_771 : memref<24576xf32, #tpu.memory_space<hbm>>) dst(%arg5 : memref<24576xf32, #tpu.memory_space<vmem>>)
      tpu.yield
    }) : () -> ()
    %dma_wait3A_488 = tpu.memref_slice %arg2[%mul3A_470] : memref<25165824xf32, #tpu.memory_space<hbm>> -> memref<24576xf32, #tpu.memory_space<hbm>>
    %dma_wait3A_489 = tpu.memref_slice %arg2[%mul3A_470] : memref<25165824xf32, #tpu.memory_space<hbm>> -> memref<24576xf32, #tpu.memory_space<hbm>>
    tpu.wait_dma2 semaphore(%arg8 : memref<!tpu.dma_semaphore, #tpu.memory_space<semaphore_mem>>) src(%dma_wait3A_489 : memref<24576xf32, #tpu.memory_space<hbm>>) dst(%arg6 : memref<24576xf32, #tpu.memory_space<vmem>>)
    %dma_wait3A_490 = tpu.memref_slice %arg4[%mul3A_458] : memref<25165824xf32, #tpu.memory_space<hbm>> -> memref<24576xf32, #tpu.memory_space<hbm>>
    %dma_wait3A_491 = tpu.memref_slice %arg4[%mul3A_458] : memref<25165824xf32, #tpu.memory_space<hbm>> -> memref<24576xf32, #tpu.memory_space<hbm>>
    tpu.wait_dma2 semaphore(%arg10 : memref<!tpu.dma_semaphore, #tpu.memory_space<semaphore_mem>>) src(%arg6 : memref<24576xf32, #tpu.memory_space<vmem>>) dst(%dma_wait3A_491 : memref<24576xf32, #tpu.memory_space<hbm>>)
    %add3A_492 = arith.constant 8192 : i32
    %add3A_493 = arith.addi %add3A_492, %mul3A_2 : i32
    %add3A_494 = arith.constant 160 : i32
    %add3A_495 = arith.addi %add3A_493, %add3A_494 : i32
    %mul3A_496 = arith.constant 768 : i32
    %mul3A_497 = arith.muli %add3A_495, %mul3A_496 : i32
    %dma_start3A_498 = tpu.memref_slice %arg2[%mul3A_497] : memref<25165824xf32, #tpu.memory_space<hbm>> -> memref<24576xf32, #tpu.memory_space<hbm>>
    %dma_start3A_499 = tpu.memref_slice %arg2[%mul3A_497] : memref<25165824xf32, #tpu.memory_space<hbm>> -> memref<24576xf32, #tpu.memory_space<hbm>>
    tpu.enqueue_dma source(%dma_start3A_499 : memref<24576xf32, #tpu.memory_space<hbm>>) target(%arg7 : memref<24576xf32, #tpu.memory_space<vmem>>) target_semaphore(%arg9 : memref<!tpu.dma_semaphore, #tpu.memory_space<semaphore_mem>>)
    %parallel_loop3A_500 = arith.constant 0 : i32
    %parallel_loop3A_501 = arith.constant 24576 : i32
    %parallel_loop3A_502 = arith.constant 16 : i32
    scf.for %parallel_loop3A_768 = %parallel_loop3A_500 to %parallel_loop3A_501 step %parallel_loop3A_502  : i32 {
      %parallel_loop3A_769 = arith.index_cast %parallel_loop3A_768 : i32 to index
      %parallel_loop3A_770 = tpu.vector_load %arg5[%parallel_loop3A_769] {strides = array<i32>} : memref<24576xf32, #tpu.memory_space<vmem>>, vector<16xf32>,
      %parallel_loop3A_771 = vector.shape_cast %parallel_loop3A_770 : vector<16xf32> to vector<16xf32>
      %parallel_loop3A_772 = arith.index_cast %parallel_loop3A_768 : i32 to index
      %parallel_loop3A_773 = tpu.vector_load %arg6[%parallel_loop3A_772] {strides = array<i32>} : memref<24576xf32, #tpu.memory_space<vmem>>, vector<16xf32>,
      %parallel_loop3A_774 = vector.shape_cast %parallel_loop3A_773 : vector<16xf32> to vector<16xf32>
      %parallel_loop3A_775 = vector.shape_cast %parallel_loop3A_771 : vector<16xf32> to vector<16xf32>
      tpu.vector_store %arg6[%parallel_loop3A_772], %parallel_loop3A_775 {add = true, strides = array<i32>} : memref<24576xf32, #tpu.memory_space<vmem>>, vector<16xf32>,
    } {sc.loop_unroll_factor = 8 : i64, sc.parallel_access}
    %add3A_503 = arith.constant 0 : i32
    %add3A_504 = arith.addi %add3A_503, %mul3A_2 : i32
    %add3A_505 = arith.constant 160 : i32
    %add3A_506 = arith.addi %add3A_504, %add3A_505 : i32
    %mul3A_507 = arith.constant 768 : i32
    %mul3A_508 = arith.muli %add3A_506, %mul3A_507 : i32
    %dma_start3A_509 = tpu.memref_slice %arg4[%mul3A_508] : memref<25165824xf32, #tpu.memory_space<hbm>> -> memref<24576xf32, #tpu.memory_space<hbm>>
    %dma_start3A_510 = tpu.memref_slice %arg4[%mul3A_508] : memref<25165824xf32, #tpu.memory_space<hbm>> -> memref<24576xf32, #tpu.memory_space<hbm>>
    tpu.enqueue_dma source(%arg6 : memref<24576xf32, #tpu.memory_space<vmem>>) target(%dma_start3A_510 : memref<24576xf32, #tpu.memory_space<hbm>>) target_semaphore(%arg10 : memref<!tpu.dma_semaphore, #tpu.memory_space<semaphore_mem>>)
    %dma_wait3A_511 = tpu.memref_slice %arg2[%mul3A_497] : memref<25165824xf32, #tpu.memory_space<hbm>> -> memref<24576xf32, #tpu.memory_space<hbm>>
    %dma_wait3A_512 = tpu.memref_slice %arg2[%mul3A_497] : memref<25165824xf32, #tpu.memory_space<hbm>> -> memref<24576xf32, #tpu.memory_space<hbm>>
    tpu.wait_dma2 semaphore(%arg9 : memref<!tpu.dma_semaphore, #tpu.memory_space<semaphore_mem>>) src(%dma_wait3A_512 : memref<24576xf32, #tpu.memory_space<hbm>>) dst(%arg7 : memref<24576xf32, #tpu.memory_space<vmem>>)
    %dma_wait3A_513 = tpu.memref_slice %arg4[%mul3A_481] : memref<25165824xf32, #tpu.memory_space<hbm>> -> memref<24576xf32, #tpu.memory_space<hbm>>
    %dma_wait3A_514 = tpu.memref_slice %arg4[%mul3A_481] : memref<25165824xf32, #tpu.memory_space<hbm>> -> memref<24576xf32, #tpu.memory_space<hbm>>
    tpu.wait_dma2 semaphore(%arg11 : memref<!tpu.dma_semaphore, #tpu.memory_space<semaphore_mem>>) src(%arg7 : memref<24576xf32, #tpu.memory_space<vmem>>) dst(%dma_wait3A_514 : memref<24576xf32, #tpu.memory_space<hbm>>)
    %add3A_515 = arith.constant 16384 : i32
    %add3A_516 = arith.addi %add3A_515, %mul3A_2 : i32
    %add3A_517 = arith.constant 160 : i32
    %add3A_518 = arith.addi %add3A_516, %add3A_517 : i32
    %mul3A_519 = arith.constant 768 : i32
    %mul3A_520 = arith.muli %add3A_518, %mul3A_519 : i32
    %dma_start3A_521 = tpu.memref_slice %arg2[%mul3A_520] : memref<25165824xf32, #tpu.memory_space<hbm>> -> memref<24576xf32, #tpu.memory_space<hbm>>
    %dma_start3A_522 = tpu.memref_slice %arg2[%mul3A_520] : memref<25165824xf32, #tpu.memory_space<hbm>> -> memref<24576xf32, #tpu.memory_space<hbm>>
    tpu.enqueue_dma source(%dma_start3A_522 : memref<24576xf32, #tpu.memory_space<hbm>>) target(%arg6 : memref<24576xf32, #tpu.memory_space<vmem>>) target_semaphore(%arg8 : memref<!tpu.dma_semaphore, #tpu.memory_space<semaphore_mem>>)
    %parallel_loop3A_523 = arith.constant 0 : i32
    %parallel_loop3A_524 = arith.constant 24576 : i32
    %parallel_loop3A_525 = arith.constant 16 : i32
    scf.for %parallel_loop3A_768 = %parallel_loop3A_523 to %parallel_loop3A_524 step %parallel_loop3A_525  : i32 {
      %parallel_loop3A_769 = arith.index_cast %parallel_loop3A_768 : i32 to index
      %parallel_loop3A_770 = tpu.vector_load %arg5[%parallel_loop3A_769] {strides = array<i32>} : memref<24576xf32, #tpu.memory_space<vmem>>, vector<16xf32>,
      %parallel_loop3A_771 = vector.shape_cast %parallel_loop3A_770 : vector<16xf32> to vector<16xf32>
      %parallel_loop3A_772 = arith.index_cast %parallel_loop3A_768 : i32 to index
      %parallel_loop3A_773 = tpu.vector_load %arg7[%parallel_loop3A_772] {strides = array<i32>} : memref<24576xf32, #tpu.memory_space<vmem>>, vector<16xf32>,
      %parallel_loop3A_774 = vector.shape_cast %parallel_loop3A_773 : vector<16xf32> to vector<16xf32>
      %parallel_loop3A_775 = vector.shape_cast %parallel_loop3A_771 : vector<16xf32> to vector<16xf32>
      tpu.vector_store %arg7[%parallel_loop3A_772], %parallel_loop3A_775 {add = true, strides = array<i32>} : memref<24576xf32, #tpu.memory_space<vmem>>, vector<16xf32>,
    } {sc.loop_unroll_factor = 8 : i64, sc.parallel_access}
    %add3A_526 = arith.constant 8192 : i32
    %add3A_527 = arith.addi %add3A_526, %mul3A_2 : i32
    %add3A_528 = arith.constant 160 : i32
    %add3A_529 = arith.addi %add3A_527, %add3A_528 : i32
    %mul3A_530 = arith.constant 768 : i32
    %mul3A_531 = arith.muli %add3A_529, %mul3A_530 : i32
    %dma_start3A_532 = tpu.memref_slice %arg4[%mul3A_531] : memref<25165824xf32, #tpu.memory_space<hbm>> -> memref<24576xf32, #tpu.memory_space<hbm>>
    %dma_start3A_533 = tpu.memref_slice %arg4[%mul3A_531] : memref<25165824xf32, #tpu.memory_space<hbm>> -> memref<24576xf32, #tpu.memory_space<hbm>>
    tpu.enqueue_dma source(%arg7 : memref<24576xf32, #tpu.memory_space<vmem>>) target(%dma_start3A_533 : memref<24576xf32, #tpu.memory_space<hbm>>) target_semaphore(%arg11 : memref<!tpu.dma_semaphore, #tpu.memory_space<semaphore_mem>>)
    %dma_wait3A_534 = tpu.memref_slice %arg2[%mul3A_520] : memref<25165824xf32, #tpu.memory_space<hbm>> -> memref<24576xf32, #tpu.memory_space<hbm>>
    %dma_wait3A_535 = tpu.memref_slice %arg2[%mul3A_520] : memref<25165824xf32, #tpu.memory_space<hbm>> -> memref<24576xf32, #tpu.memory_space<hbm>>
    tpu.wait_dma2 semaphore(%arg8 : memref<!tpu.dma_semaphore, #tpu.memory_space<semaphore_mem>>) src(%dma_wait3A_535 : memref<24576xf32, #tpu.memory_space<hbm>>) dst(%arg6 : memref<24576xf32, #tpu.memory_space<vmem>>)
    %dma_wait3A_536 = tpu.memref_slice %arg4[%mul3A_508] : memref<25165824xf32, #tpu.memory_space<hbm>> -> memref<24576xf32, #tpu.memory_space<hbm>>
    %dma_wait3A_537 = tpu.memref_slice %arg4[%mul3A_508] : memref<25165824xf32, #tpu.memory_space<hbm>> -> memref<24576xf32, #tpu.memory_space<hbm>>
    tpu.wait_dma2 semaphore(%arg10 : memref<!tpu.dma_semaphore, #tpu.memory_space<semaphore_mem>>) src(%arg6 : memref<24576xf32, #tpu.memory_space<vmem>>) dst(%dma_wait3A_537 : memref<24576xf32, #tpu.memory_space<hbm>>)
    %add3A_538 = arith.constant 24576 : i32
    %add3A_539 = arith.addi %add3A_538, %mul3A_2 : i32
    %add3A_540 = arith.constant 160 : i32
    %add3A_541 = arith.addi %add3A_539, %add3A_540 : i32
    %mul3A_542 = arith.constant 768 : i32
    %mul3A_543 = arith.muli %add3A_541, %mul3A_542 : i32
    %dma_start3A_544 = tpu.memref_slice %arg2[%mul3A_543] : memref<25165824xf32, #tpu.memory_space<hbm>> -> memref<24576xf32, #tpu.memory_space<hbm>>
    %dma_start3A_545 = tpu.memref_slice %arg2[%mul3A_543] : memref<25165824xf32, #tpu.memory_space<hbm>> -> memref<24576xf32, #tpu.memory_space<hbm>>
    tpu.enqueue_dma source(%dma_start3A_545 : memref<24576xf32, #tpu.memory_space<hbm>>) target(%arg7 : memref<24576xf32, #tpu.memory_space<vmem>>) target_semaphore(%arg9 : memref<!tpu.dma_semaphore, #tpu.memory_space<semaphore_mem>>)
    %parallel_loop3A_546 = arith.constant 0 : i32
    %parallel_loop3A_547 = arith.constant 24576 : i32
    %parallel_loop3A_548 = arith.constant 16 : i32
    scf.for %parallel_loop3A_768 = %parallel_loop3A_546 to %parallel_loop3A_547 step %parallel_loop3A_548  : i32 {
      %parallel_loop3A_769 = arith.index_cast %parallel_loop3A_768 : i32 to index
      %parallel_loop3A_770 = tpu.vector_load %arg5[%parallel_loop3A_769] {strides = array<i32>} : memref<24576xf32, #tpu.memory_space<vmem>>, vector<16xf32>,
      %parallel_loop3A_771 = vector.shape_cast %parallel_loop3A_770 : vector<16xf32> to vector<16xf32>
      %parallel_loop3A_772 = arith.index_cast %parallel_loop3A_768 : i32 to index
      %parallel_loop3A_773 = tpu.vector_load %arg6[%parallel_loop3A_772] {strides = array<i32>} : memref<24576xf32, #tpu.memory_space<vmem>>, vector<16xf32>,
      %parallel_loop3A_774 = vector.shape_cast %parallel_loop3A_773 : vector<16xf32> to vector<16xf32>
      %parallel_loop3A_775 = vector.shape_cast %parallel_loop3A_771 : vector<16xf32> to vector<16xf32>
      tpu.vector_store %arg6[%parallel_loop3A_772], %parallel_loop3A_775 {add = true, strides = array<i32>} : memref<24576xf32, #tpu.memory_space<vmem>>, vector<16xf32>,
    } {sc.loop_unroll_factor = 8 : i64, sc.parallel_access}
    %add3A_549 = arith.constant 16384 : i32
    %add3A_550 = arith.addi %add3A_549, %mul3A_2 : i32
    %add3A_551 = arith.constant 160 : i32
    %add3A_552 = arith.addi %add3A_550, %add3A_551 : i32
    %mul3A_553 = arith.constant 768 : i32
    %mul3A_554 = arith.muli %add3A_552, %mul3A_553 : i32
    %dma_start3A_555 = tpu.memref_slice %arg4[%mul3A_554] : memref<25165824xf32, #tpu.memory_space<hbm>> -> memref<24576xf32, #tpu.memory_space<hbm>>
    %dma_start3A_556 = tpu.memref_slice %arg4[%mul3A_554] : memref<25165824xf32, #tpu.memory_space<hbm>> -> memref<24576xf32, #tpu.memory_space<hbm>>
    tpu.enqueue_dma source(%arg6 : memref<24576xf32, #tpu.memory_space<vmem>>) target(%dma_start3A_556 : memref<24576xf32, #tpu.memory_space<hbm>>) target_semaphore(%arg10 : memref<!tpu.dma_semaphore, #tpu.memory_space<semaphore_mem>>)
    %dma_wait3A_557 = tpu.memref_slice %arg2[%mul3A_543] : memref<25165824xf32, #tpu.memory_space<hbm>> -> memref<24576xf32, #tpu.memory_space<hbm>>
    %dma_wait3A_558 = tpu.memref_slice %arg2[%mul3A_543] : memref<25165824xf32, #tpu.memory_space<hbm>> -> memref<24576xf32, #tpu.memory_space<hbm>>
    tpu.wait_dma2 semaphore(%arg9 : memref<!tpu.dma_semaphore, #tpu.memory_space<semaphore_mem>>) src(%dma_wait3A_558 : memref<24576xf32, #tpu.memory_space<hbm>>) dst(%arg7 : memref<24576xf32, #tpu.memory_space<vmem>>)
    %dma_wait3A_559 = tpu.memref_slice %arg4[%mul3A_531] : memref<25165824xf32, #tpu.memory_space<hbm>> -> memref<24576xf32, #tpu.memory_space<hbm>>
    %dma_wait3A_560 = tpu.memref_slice %arg4[%mul3A_531] : memref<25165824xf32, #tpu.memory_space<hbm>> -> memref<24576xf32, #tpu.memory_space<hbm>>
    tpu.wait_dma2 semaphore(%arg11 : memref<!tpu.dma_semaphore, #tpu.memory_space<semaphore_mem>>) src(%arg7 : memref<24576xf32, #tpu.memory_space<vmem>>) dst(%dma_wait3A_560 : memref<24576xf32, #tpu.memory_space<hbm>>)
    %add3A_561 = arith.constant 0 : i32
    %add3A_562 = arith.addi %add3A_561, %mul3A_2 : i32
    %add3A_563 = arith.constant 192 : i32
    %add3A_564 = arith.addi %add3A_562, %add3A_563 : i32
    %mul3A_565 = arith.constant 768 : i32
    %mul3A_566 = arith.muli %add3A_564, %mul3A_565 : i32
    %dma_start3A_567 = tpu.memref_slice %arg2[%mul3A_566] : memref<25165824xf32, #tpu.memory_space<hbm>> -> memref<24576xf32, #tpu.memory_space<hbm>>
    %dma_start3A_568 = tpu.memref_slice %arg2[%mul3A_566] : memref<25165824xf32, #tpu.memory_space<hbm>> -> memref<24576xf32, #tpu.memory_space<hbm>>
    tpu.enqueue_dma source(%dma_start3A_568 : memref<24576xf32, #tpu.memory_space<hbm>>) target(%arg6 : memref<24576xf32, #tpu.memory_space<vmem>>) target_semaphore(%arg8 : memref<!tpu.dma_semaphore, #tpu.memory_space<semaphore_mem>>)
    %parallel_loop3A_569 = arith.constant 0 : i32
    %parallel_loop3A_570 = arith.constant 24576 : i32
    %parallel_loop3A_571 = arith.constant 16 : i32
    scf.for %parallel_loop3A_768 = %parallel_loop3A_569 to %parallel_loop3A_570 step %parallel_loop3A_571  : i32 {
      %parallel_loop3A_769 = arith.index_cast %parallel_loop3A_768 : i32 to index
      %parallel_loop3A_770 = tpu.vector_load %arg5[%parallel_loop3A_769] {strides = array<i32>} : memref<24576xf32, #tpu.memory_space<vmem>>, vector<16xf32>,
      %parallel_loop3A_771 = vector.shape_cast %parallel_loop3A_770 : vector<16xf32> to vector<16xf32>
      %parallel_loop3A_772 = arith.index_cast %parallel_loop3A_768 : i32 to index
      %parallel_loop3A_773 = tpu.vector_load %arg7[%parallel_loop3A_772] {strides = array<i32>} : memref<24576xf32, #tpu.memory_space<vmem>>, vector<16xf32>,
      %parallel_loop3A_774 = vector.shape_cast %parallel_loop3A_773 : vector<16xf32> to vector<16xf32>
      %parallel_loop3A_775 = vector.shape_cast %parallel_loop3A_771 : vector<16xf32> to vector<16xf32>
      tpu.vector_store %arg7[%parallel_loop3A_772], %parallel_loop3A_775 {add = true, strides = array<i32>} : memref<24576xf32, #tpu.memory_space<vmem>>, vector<16xf32>,
    } {sc.loop_unroll_factor = 8 : i64, sc.parallel_access}
    %add3A_572 = arith.constant 24576 : i32
    %add3A_573 = arith.addi %add3A_572, %mul3A_2 : i32
    %add3A_574 = arith.constant 160 : i32
    %add3A_575 = arith.addi %add3A_573, %add3A_574 : i32
    %mul3A_576 = arith.constant 768 : i32
    %mul3A_577 = arith.muli %add3A_575, %mul3A_576 : i32
    %dma_start3A_578 = tpu.memref_slice %arg4[%mul3A_577] : memref<25165824xf32, #tpu.memory_space<hbm>> -> memref<24576xf32, #tpu.memory_space<hbm>>
    %dma_start3A_579 = tpu.memref_slice %arg4[%mul3A_577] : memref<25165824xf32, #tpu.memory_space<hbm>> -> memref<24576xf32, #tpu.memory_space<hbm>>
    tpu.enqueue_dma source(%arg7 : memref<24576xf32, #tpu.memory_space<vmem>>) target(%dma_start3A_579 : memref<24576xf32, #tpu.memory_space<hbm>>) target_semaphore(%arg11 : memref<!tpu.dma_semaphore, #tpu.memory_space<semaphore_mem>>)
    %add3A_580 = arith.constant 192 : i32
    %add3A_581 = arith.addi %mul3A_2, %add3A_580 : i32
    %mul3A_582 = arith.constant 768 : i32
    %mul3A_583 = arith.muli %add3A_581, %mul3A_582 : i32
    "tpu.region"() ({
      %run_scoped3A = tpu.sem_alloc : memref<!tpu.dma_semaphore, #tpu.memory_space<semaphore_mem>>
      %dma_start3A_768 = tpu.memref_slice %arg3[%mul3A_583] : memref<6291456xf32, #tpu.memory_space<hbm>> -> memref<24576xf32, #tpu.memory_space<hbm>>
      %dma_start3A_769 = tpu.memref_slice %arg3[%mul3A_583] : memref<6291456xf32, #tpu.memory_space<hbm>> -> memref<24576xf32, #tpu.memory_space<hbm>>
      tpu.enqueue_dma source(%dma_start3A_769 : memref<24576xf32, #tpu.memory_space<hbm>>) target(%arg5 : memref<24576xf32, #tpu.memory_space<vmem>>) target_semaphore(%run_scoped3A : memref<!tpu.dma_semaphore, #tpu.memory_space<semaphore_mem>>)
      %dma_wait3A_770 = tpu.memref_slice %arg3[%mul3A_583] : memref<6291456xf32, #tpu.memory_space<hbm>> -> memref<24576xf32, #tpu.memory_space<hbm>>
      %dma_wait3A_771 = tpu.memref_slice %arg3[%mul3A_583] : memref<6291456xf32, #tpu.memory_space<hbm>> -> memref<24576xf32, #tpu.memory_space<hbm>>
      tpu.wait_dma2 semaphore(%run_scoped3A : memref<!tpu.dma_semaphore, #tpu.memory_space<semaphore_mem>>) src(%dma_wait3A_771 : memref<24576xf32, #tpu.memory_space<hbm>>) dst(%arg5 : memref<24576xf32, #tpu.memory_space<vmem>>)
      tpu.yield
    }) : () -> ()
    %dma_wait3A_584 = tpu.memref_slice %arg2[%mul3A_566] : memref<25165824xf32, #tpu.memory_space<hbm>> -> memref<24576xf32, #tpu.memory_space<hbm>>
    %dma_wait3A_585 = tpu.memref_slice %arg2[%mul3A_566] : memref<25165824xf32, #tpu.memory_space<hbm>> -> memref<24576xf32, #tpu.memory_space<hbm>>
    tpu.wait_dma2 semaphore(%arg8 : memref<!tpu.dma_semaphore, #tpu.memory_space<semaphore_mem>>) src(%dma_wait3A_585 : memref<24576xf32, #tpu.memory_space<hbm>>) dst(%arg6 : memref<24576xf32, #tpu.memory_space<vmem>>)
    %dma_wait3A_586 = tpu.memref_slice %arg4[%mul3A_554] : memref<25165824xf32, #tpu.memory_space<hbm>> -> memref<24576xf32, #tpu.memory_space<hbm>>
    %dma_wait3A_587 = tpu.memref_slice %arg4[%mul3A_554] : memref<25165824xf32, #tpu.memory_space<hbm>> -> memref<24576xf32, #tpu.memory_space<hbm>>
    tpu.wait_dma2 semaphore(%arg10 : memref<!tpu.dma_semaphore, #tpu.memory_space<semaphore_mem>>) src(%arg6 : memref<24576xf32, #tpu.memory_space<vmem>>) dst(%dma_wait3A_587 : memref<24576xf32, #tpu.memory_space<hbm>>)
    %add3A_588 = arith.constant 8192 : i32
    %add3A_589 = arith.addi %add3A_588, %mul3A_2 : i32
    %add3A_590 = arith.constant 192 : i32
    %add3A_591 = arith.addi %add3A_589, %add3A_590 : i32
    %mul3A_592 = arith.constant 768 : i32
    %mul3A_593 = arith.muli %add3A_591, %mul3A_592 : i32
    %dma_start3A_594 = tpu.memref_slice %arg2[%mul3A_593] : memref<25165824xf32, #tpu.memory_space<hbm>> -> memref<24576xf32, #tpu.memory_space<hbm>>
    %dma_start3A_595 = tpu.memref_slice %arg2[%mul3A_593] : memref<25165824xf32, #tpu.memory_space<hbm>> -> memref<24576xf32, #tpu.memory_space<hbm>>
    tpu.enqueue_dma source(%dma_start3A_595 : memref<24576xf32, #tpu.memory_space<hbm>>) target(%arg7 : memref<24576xf32, #tpu.memory_space<vmem>>) target_semaphore(%arg9 : memref<!tpu.dma_semaphore, #tpu.memory_space<semaphore_mem>>)
    %parallel_loop3A_596 = arith.constant 0 : i32
    %parallel_loop3A_597 = arith.constant 24576 : i32
    %parallel_loop3A_598 = arith.constant 16 : i32
    scf.for %parallel_loop3A_768 = %parallel_loop3A_596 to %parallel_loop3A_597 step %parallel_loop3A_598  : i32 {
      %parallel_loop3A_769 = arith.index_cast %parallel_loop3A_768 : i32 to index
      %parallel_loop3A_770 = tpu.vector_load %arg5[%parallel_loop3A_769] {strides = array<i32>} : memref<24576xf32, #tpu.memory_space<vmem>>, vector<16xf32>,
      %parallel_loop3A_771 = vector.shape_cast %parallel_loop3A_770 : vector<16xf32> to vector<16xf32>
      %parallel_loop3A_772 = arith.index_cast %parallel_loop3A_768 : i32 to index
      %parallel_loop3A_773 = tpu.vector_load %arg6[%parallel_loop3A_772] {strides = array<i32>} : memref<24576xf32, #tpu.memory_space<vmem>>, vector<16xf32>,
      %parallel_loop3A_774 = vector.shape_cast %parallel_loop3A_773 : vector<16xf32> to vector<16xf32>
      %parallel_loop3A_775 = vector.shape_cast %parallel_loop3A_771 : vector<16xf32> to vector<16xf32>
      tpu.vector_store %arg6[%parallel_loop3A_772], %parallel_loop3A_775 {add = true, strides = array<i32>} : memref<24576xf32, #tpu.memory_space<vmem>>, vector<16xf32>,
    } {sc.loop_unroll_factor = 8 : i64, sc.parallel_access}
    %add3A_599 = arith.constant 0 : i32
    %add3A_600 = arith.addi %add3A_599, %mul3A_2 : i32
    %add3A_601 = arith.constant 192 : i32
    %add3A_602 = arith.addi %add3A_600, %add3A_601 : i32
    %mul3A_603 = arith.constant 768 : i32
    %mul3A_604 = arith.muli %add3A_602, %mul3A_603 : i32
    %dma_start3A_605 = tpu.memref_slice %arg4[%mul3A_604] : memref<25165824xf32, #tpu.memory_space<hbm>> -> memref<24576xf32, #tpu.memory_space<hbm>>
    %dma_start3A_606 = tpu.memref_slice %arg4[%mul3A_604] : memref<25165824xf32, #tpu.memory_space<hbm>> -> memref<24576xf32, #tpu.memory_space<hbm>>
    tpu.enqueue_dma source(%arg6 : memref<24576xf32, #tpu.memory_space<vmem>>) target(%dma_start3A_606 : memref<24576xf32, #tpu.memory_space<hbm>>) target_semaphore(%arg10 : memref<!tpu.dma_semaphore, #tpu.memory_space<semaphore_mem>>)
    %dma_wait3A_607 = tpu.memref_slice %arg2[%mul3A_593] : memref<25165824xf32, #tpu.memory_space<hbm>> -> memref<24576xf32, #tpu.memory_space<hbm>>
    %dma_wait3A_608 = tpu.memref_slice %arg2[%mul3A_593] : memref<25165824xf32, #tpu.memory_space<hbm>> -> memref<24576xf32, #tpu.memory_space<hbm>>
    tpu.wait_dma2 semaphore(%arg9 : memref<!tpu.dma_semaphore, #tpu.memory_space<semaphore_mem>>) src(%dma_wait3A_608 : memref<24576xf32, #tpu.memory_space<hbm>>) dst(%arg7 : memref<24576xf32, #tpu.memory_space<vmem>>)
    %dma_wait3A_609 = tpu.memref_slice %arg4[%mul3A_577] : memref<25165824xf32, #tpu.memory_space<hbm>> -> memref<24576xf32, #tpu.memory_space<hbm>>
    %dma_wait3A_610 = tpu.memref_slice %arg4[%mul3A_577] : memref<25165824xf32, #tpu.memory_space<hbm>> -> memref<24576xf32, #tpu.memory_space<hbm>>
    tpu.wait_dma2 semaphore(%arg11 : memref<!tpu.dma_semaphore, #tpu.memory_space<semaphore_mem>>) src(%arg7 : memref<24576xf32, #tpu.memory_space<vmem>>) dst(%dma_wait3A_610 : memref<24576xf32, #tpu.memory_space<hbm>>)
    %add3A_611 = arith.constant 16384 : i32
    %add3A_612 = arith.addi %add3A_611, %mul3A_2 : i32
    %add3A_613 = arith.constant 192 : i32
    %add3A_614 = arith.addi %add3A_612, %add3A_613 : i32
    %mul3A_615 = arith.constant 768 : i32
    %mul3A_616 = arith.muli %add3A_614, %mul3A_615 : i32
    %dma_start3A_617 = tpu.memref_slice %arg2[%mul3A_616] : memref<25165824xf32, #tpu.memory_space<hbm>> -> memref<24576xf32, #tpu.memory_space<hbm>>
    %dma_start3A_618 = tpu.memref_slice %arg2[%mul3A_616] : memref<25165824xf32, #tpu.memory_space<hbm>> -> memref<24576xf32, #tpu.memory_space<hbm>>
    tpu.enqueue_dma source(%dma_start3A_618 : memref<24576xf32, #tpu.memory_space<hbm>>) target(%arg6 : memref<24576xf32, #tpu.memory_space<vmem>>) target_semaphore(%arg8 : memref<!tpu.dma_semaphore, #tpu.memory_space<semaphore_mem>>)
    %parallel_loop3A_619 = arith.constant 0 : i32
    %parallel_loop3A_620 = arith.constant 24576 : i32
    %parallel_loop3A_621 = arith.constant 16 : i32
    scf.for %parallel_loop3A_768 = %parallel_loop3A_619 to %parallel_loop3A_620 step %parallel_loop3A_621  : i32 {
      %parallel_loop3A_769 = arith.index_cast %parallel_loop3A_768 : i32 to index
      %parallel_loop3A_770 = tpu.vector_load %arg5[%parallel_loop3A_769] {strides = array<i32>} : memref<24576xf32, #tpu.memory_space<vmem>>, vector<16xf32>,
      %parallel_loop3A_771 = vector.shape_cast %parallel_loop3A_770 : vector<16xf32> to vector<16xf32>
      %parallel_loop3A_772 = arith.index_cast %parallel_loop3A_768 : i32 to index
      %parallel_loop3A_773 = tpu.vector_load %arg7[%parallel_loop3A_772] {strides = array<i32>} : memref<24576xf32, #tpu.memory_space<vmem>>, vector<16xf32>,
      %parallel_loop3A_774 = vector.shape_cast %parallel_loop3A_773 : vector<16xf32> to vector<16xf32>
      %parallel_loop3A_775 = vector.shape_cast %parallel_loop3A_771 : vector<16xf32> to vector<16xf32>
      tpu.vector_store %arg7[%parallel_loop3A_772], %parallel_loop3A_775 {add = true, strides = array<i32>} : memref<24576xf32, #tpu.memory_space<vmem>>, vector<16xf32>,
    } {sc.loop_unroll_factor = 8 : i64, sc.parallel_access}
    %add3A_622 = arith.constant 8192 : i32
    %add3A_623 = arith.addi %add3A_622, %mul3A_2 : i32
    %add3A_624 = arith.constant 192 : i32
    %add3A_625 = arith.addi %add3A_623, %add3A_624 : i32
    %mul3A_626 = arith.constant 768 : i32
    %mul3A_627 = arith.muli %add3A_625, %mul3A_626 : i32
    %dma_start3A_628 = tpu.memref_slice %arg4[%mul3A_627] : memref<25165824xf32, #tpu.memory_space<hbm>> -> memref<24576xf32, #tpu.memory_space<hbm>>
    %dma_start3A_629 = tpu.memref_slice %arg4[%mul3A_627] : memref<25165824xf32, #tpu.memory_space<hbm>> -> memref<24576xf32, #tpu.memory_space<hbm>>
    tpu.enqueue_dma source(%arg7 : memref<24576xf32, #tpu.memory_space<vmem>>) target(%dma_start3A_629 : memref<24576xf32, #tpu.memory_space<hbm>>) target_semaphore(%arg11 : memref<!tpu.dma_semaphore, #tpu.memory_space<semaphore_mem>>)
    %dma_wait3A_630 = tpu.memref_slice %arg2[%mul3A_616] : memref<25165824xf32, #tpu.memory_space<hbm>> -> memref<24576xf32, #tpu.memory_space<hbm>>
    %dma_wait3A_631 = tpu.memref_slice %arg2[%mul3A_616] : memref<25165824xf32, #tpu.memory_space<hbm>> -> memref<24576xf32, #tpu.memory_space<hbm>>
    tpu.wait_dma2 semaphore(%arg8 : memref<!tpu.dma_semaphore, #tpu.memory_space<semaphore_mem>>) src(%dma_wait3A_631 : memref<24576xf32, #tpu.memory_space<hbm>>) dst(%arg6 : memref<24576xf32, #tpu.memory_space<vmem>>)
    %dma_wait3A_632 = tpu.memref_slice %arg4[%mul3A_604] : memref<25165824xf32, #tpu.memory_space<hbm>> -> memref<24576xf32, #tpu.memory_space<hbm>>
    %dma_wait3A_633 = tpu.memref_slice %arg4[%mul3A_604] : memref<25165824xf32, #tpu.memory_space<hbm>> -> memref<24576xf32, #tpu.memory_space<hbm>>
    tpu.wait_dma2 semaphore(%arg10 : memref<!tpu.dma_semaphore, #tpu.memory_space<semaphore_mem>>) src(%arg6 : memref<24576xf32, #tpu.memory_space<vmem>>) dst(%dma_wait3A_633 : memref<24576xf32, #tpu.memory_space<hbm>>)
    %add3A_634 = arith.constant 24576 : i32
    %add3A_635 = arith.addi %add3A_634, %mul3A_2 : i32
    %add3A_636 = arith.constant 192 : i32
    %add3A_637 = arith.addi %add3A_635, %add3A_636 : i32
    %mul3A_638 = arith.constant 768 : i32
    %mul3A_639 = arith.muli %add3A_637, %mul3A_638 : i32
    %dma_start3A_640 = tpu.memref_slice %arg2[%mul3A_639] : memref<25165824xf32, #tpu.memory_space<hbm>> -> memref<24576xf32, #tpu.memory_space<hbm>>
    %dma_start3A_641 = tpu.memref_slice %arg2[%mul3A_639] : memref<25165824xf32, #tpu.memory_space<hbm>> -> memref<24576xf32, #tpu.memory_space<hbm>>
    tpu.enqueue_dma source(%dma_start3A_641 : memref<24576xf32, #tpu.memory_space<hbm>>) target(%arg7 : memref<24576xf32, #tpu.memory_space<vmem>>) target_semaphore(%arg9 : memref<!tpu.dma_semaphore, #tpu.memory_space<semaphore_mem>>)
    %parallel_loop3A_642 = arith.constant 0 : i32
    %parallel_loop3A_643 = arith.constant 24576 : i32
    %parallel_loop3A_644 = arith.constant 16 : i32
    scf.for %parallel_loop3A_768 = %parallel_loop3A_642 to %parallel_loop3A_643 step %parallel_loop3A_644  : i32 {
      %parallel_loop3A_769 = arith.index_cast %parallel_loop3A_768 : i32 to index
      %parallel_loop3A_770 = tpu.vector_load %arg5[%parallel_loop3A_769] {strides = array<i32>} : memref<24576xf32, #tpu.memory_space<vmem>>, vector<16xf32>,
      %parallel_loop3A_771 = vector.shape_cast %parallel_loop3A_770 : vector<16xf32> to vector<16xf32>
      %parallel_loop3A_772 = arith.index_cast %parallel_loop3A_768 : i32 to index
      %parallel_loop3A_773 = tpu.vector_load %arg6[%parallel_loop3A_772] {strides = array<i32>} : memref<24576xf32, #tpu.memory_space<vmem>>, vector<16xf32>,
      %parallel_loop3A_774 = vector.shape_cast %parallel_loop3A_773 : vector<16xf32> to vector<16xf32>
      %parallel_loop3A_775 = vector.shape_cast %parallel_loop3A_771 : vector<16xf32> to vector<16xf32>
      tpu.vector_store %arg6[%parallel_loop3A_772], %parallel_loop3A_775 {add = true, strides = array<i32>} : memref<24576xf32, #tpu.memory_space<vmem>>, vector<16xf32>,
    } {sc.loop_unroll_factor = 8 : i64, sc.parallel_access}
    %add3A_645 = arith.constant 16384 : i32
    %add3A_646 = arith.addi %add3A_645, %mul3A_2 : i32
    %add3A_647 = arith.constant 192 : i32
    %add3A_648 = arith.addi %add3A_646, %add3A_647 : i32
    %mul3A_649 = arith.constant 768 : i32
    %mul3A_650 = arith.muli %add3A_648, %mul3A_649 : i32
    %dma_start3A_651 = tpu.memref_slice %arg4[%mul3A_650] : memref<25165824xf32, #tpu.memory_space<hbm>> -> memref<24576xf32, #tpu.memory_space<hbm>>
    %dma_start3A_652 = tpu.memref_slice %arg4[%mul3A_650] : memref<25165824xf32, #tpu.memory_space<hbm>> -> memref<24576xf32, #tpu.memory_space<hbm>>
    tpu.enqueue_dma source(%arg6 : memref<24576xf32, #tpu.memory_space<vmem>>) target(%dma_start3A_652 : memref<24576xf32, #tpu.memory_space<hbm>>) target_semaphore(%arg10 : memref<!tpu.dma_semaphore, #tpu.memory_space<semaphore_mem>>)
    %dma_wait3A_653 = tpu.memref_slice %arg2[%mul3A_639] : memref<25165824xf32, #tpu.memory_space<hbm>> -> memref<24576xf32, #tpu.memory_space<hbm>>
    %dma_wait3A_654 = tpu.memref_slice %arg2[%mul3A_639] : memref<25165824xf32, #tpu.memory_space<hbm>> -> memref<24576xf32, #tpu.memory_space<hbm>>
    tpu.wait_dma2 semaphore(%arg9 : memref<!tpu.dma_semaphore, #tpu.memory_space<semaphore_mem>>) src(%dma_wait3A_654 : memref<24576xf32, #tpu.memory_space<hbm>>) dst(%arg7 : memref<24576xf32, #tpu.memory_space<vmem>>)
    %dma_wait3A_655 = tpu.memref_slice %arg4[%mul3A_627] : memref<25165824xf32, #tpu.memory_space<hbm>> -> memref<24576xf32, #tpu.memory_space<hbm>>
    %dma_wait3A_656 = tpu.memref_slice %arg4[%mul3A_627] : memref<25165824xf32, #tpu.memory_space<hbm>> -> memref<24576xf32, #tpu.memory_space<hbm>>
    tpu.wait_dma2 semaphore(%arg11 : memref<!tpu.dma_semaphore, #tpu.memory_space<semaphore_mem>>) src(%arg7 : memref<24576xf32, #tpu.memory_space<vmem>>) dst(%dma_wait3A_656 : memref<24576xf32, #tpu.memory_space<hbm>>)
    %add3A_657 = arith.constant 0 : i32
    %add3A_658 = arith.addi %add3A_657, %mul3A_2 : i32
    %add3A_659 = arith.constant 224 : i32
    %add3A_660 = arith.addi %add3A_658, %add3A_659 : i32
    %mul3A_661 = arith.constant 768 : i32
    %mul3A_662 = arith.muli %add3A_660, %mul3A_661 : i32
    %dma_start3A_663 = tpu.memref_slice %arg2[%mul3A_662] : memref<25165824xf32, #tpu.memory_space<hbm>> -> memref<24576xf32, #tpu.memory_space<hbm>>
    %dma_start3A_664 = tpu.memref_slice %arg2[%mul3A_662] : memref<25165824xf32, #tpu.memory_space<hbm>> -> memref<24576xf32, #tpu.memory_space<hbm>>
    tpu.enqueue_dma source(%dma_start3A_664 : memref<24576xf32, #tpu.memory_space<hbm>>) target(%arg6 : memref<24576xf32, #tpu.memory_space<vmem>>) target_semaphore(%arg8 : memref<!tpu.dma_semaphore, #tpu.memory_space<semaphore_mem>>)
    %parallel_loop3A_665 = arith.constant 0 : i32
    %parallel_loop3A_666 = arith.constant 24576 : i32
    %parallel_loop3A_667 = arith.constant 16 : i32
    scf.for %parallel_loop3A_768 = %parallel_loop3A_665 to %parallel_loop3A_666 step %parallel_loop3A_667  : i32 {
      %parallel_loop3A_769 = arith.index_cast %parallel_loop3A_768 : i32 to index
      %parallel_loop3A_770 = tpu.vector_load %arg5[%parallel_loop3A_769] {strides = array<i32>} : memref<24576xf32, #tpu.memory_space<vmem>>, vector<16xf32>,
      %parallel_loop3A_771 = vector.shape_cast %parallel_loop3A_770 : vector<16xf32> to vector<16xf32>
      %parallel_loop3A_772 = arith.index_cast %parallel_loop3A_768 : i32 to index
      %parallel_loop3A_773 = tpu.vector_load %arg7[%parallel_loop3A_772] {strides = array<i32>} : memref<24576xf32, #tpu.memory_space<vmem>>, vector<16xf32>,
      %parallel_loop3A_774 = vector.shape_cast %parallel_loop3A_773 : vector<16xf32> to vector<16xf32>
      %parallel_loop3A_775 = vector.shape_cast %parallel_loop3A_771 : vector<16xf32> to vector<16xf32>
      tpu.vector_store %arg7[%parallel_loop3A_772], %parallel_loop3A_775 {add = true, strides = array<i32>} : memref<24576xf32, #tpu.memory_space<vmem>>, vector<16xf32>,
    } {sc.loop_unroll_factor = 8 : i64, sc.parallel_access}
    %add3A_668 = arith.constant 24576 : i32
    %add3A_669 = arith.addi %add3A_668, %mul3A_2 : i32
    %add3A_670 = arith.constant 192 : i32
    %add3A_671 = arith.addi %add3A_669, %add3A_670 : i32
    %mul3A_672 = arith.constant 768 : i32
    %mul3A_673 = arith.muli %add3A_671, %mul3A_672 : i32
    %dma_start3A_674 = tpu.memref_slice %arg4[%mul3A_673] : memref<25165824xf32, #tpu.memory_space<hbm>> -> memref<24576xf32, #tpu.memory_space<hbm>>
    %dma_start3A_675 = tpu.memref_slice %arg4[%mul3A_673] : memref<25165824xf32, #tpu.memory_space<hbm>> -> memref<24576xf32, #tpu.memory_space<hbm>>
    tpu.enqueue_dma source(%arg7 : memref<24576xf32, #tpu.memory_space<vmem>>) target(%dma_start3A_675 : memref<24576xf32, #tpu.memory_space<hbm>>) target_semaphore(%arg11 : memref<!tpu.dma_semaphore, #tpu.memory_space<semaphore_mem>>)
    %add3A_676 = arith.constant 224 : i32
    %add3A_677 = arith.addi %mul3A_2, %add3A_676 : i32
    %mul3A_678 = arith.constant 768 : i32
    %mul3A_679 = arith.muli %add3A_677, %mul3A_678 : i32
    "tpu.region"() ({
      %run_scoped3A = tpu.sem_alloc : memref<!tpu.dma_semaphore, #tpu.memory_space<semaphore_mem>>
      %dma_start3A_768 = tpu.memref_slice %arg3[%mul3A_679] : memref<6291456xf32, #tpu.memory_space<hbm>> -> memref<24576xf32, #tpu.memory_space<hbm>>
      %dma_start3A_769 = tpu.memref_slice %arg3[%mul3A_679] : memref<6291456xf32, #tpu.memory_space<hbm>> -> memref<24576xf32, #tpu.memory_space<hbm>>
      tpu.enqueue_dma source(%dma_start3A_769 : memref<24576xf32, #tpu.memory_space<hbm>>) target(%arg5 : memref<24576xf32, #tpu.memory_space<vmem>>) target_semaphore(%run_scoped3A : memref<!tpu.dma_semaphore, #tpu.memory_space<semaphore_mem>>)
      %dma_wait3A_770 = tpu.memref_slice %arg3[%mul3A_679] : memref<6291456xf32, #tpu.memory_space<hbm>> -> memref<24576xf32, #tpu.memory_space<hbm>>
      %dma_wait3A_771 = tpu.memref_slice %arg3[%mul3A_679] : memref<6291456xf32, #tpu.memory_space<hbm>> -> memref<24576xf32, #tpu.memory_space<hbm>>
      tpu.wait_dma2 semaphore(%run_scoped3A : memref<!tpu.dma_semaphore, #tpu.memory_space<semaphore_mem>>) src(%dma_wait3A_771 : memref<24576xf32, #tpu.memory_space<hbm>>) dst(%arg5 : memref<24576xf32, #tpu.memory_space<vmem>>)
      tpu.yield
    }) : () -> ()
    %dma_wait3A_680 = tpu.memref_slice %arg2[%mul3A_662] : memref<25165824xf32, #tpu.memory_space<hbm>> -> memref<24576xf32, #tpu.memory_space<hbm>>
    %dma_wait3A_681 = tpu.memref_slice %arg2[%mul3A_662] : memref<25165824xf32, #tpu.memory_space<hbm>> -> memref<24576xf32, #tpu.memory_space<hbm>>
    tpu.wait_dma2 semaphore(%arg8 : memref<!tpu.dma_semaphore, #tpu.memory_space<semaphore_mem>>) src(%dma_wait3A_681 : memref<24576xf32, #tpu.memory_space<hbm>>) dst(%arg6 : memref<24576xf32, #tpu.memory_space<vmem>>)
    %dma_wait3A_682 = tpu.memref_slice %arg4[%mul3A_650] : memref<25165824xf32, #tpu.memory_space<hbm>> -> memref<24576xf32, #tpu.memory_space<hbm>>
    %dma_wait3A_683 = tpu.memref_slice %arg4[%mul3A_650] : memref<25165824xf32, #tpu.memory_space<hbm>> -> memref<24576xf32, #tpu.memory_space<hbm>>
    tpu.wait_dma2 semaphore(%arg10 : memref<!tpu.dma_semaphore, #tpu.memory_space<semaphore_mem>>) src(%arg6 : memref<24576xf32, #tpu.memory_space<vmem>>) dst(%dma_wait3A_683 : memref<24576xf32, #tpu.memory_space<hbm>>)
    %add3A_684 = arith.constant 8192 : i32
    %add3A_685 = arith.addi %add3A_684, %mul3A_2 : i32
    %add3A_686 = arith.constant 224 : i32
    %add3A_687 = arith.addi %add3A_685, %add3A_686 : i32
    %mul3A_688 = arith.constant 768 : i32
    %mul3A_689 = arith.muli %add3A_687, %mul3A_688 : i32
    %dma_start3A_690 = tpu.memref_slice %arg2[%mul3A_689] : memref<25165824xf32, #tpu.memory_space<hbm>> -> memref<24576xf32, #tpu.memory_space<hbm>>
    %dma_start3A_691 = tpu.memref_slice %arg2[%mul3A_689] : memref<25165824xf32, #tpu.memory_space<hbm>> -> memref<24576xf32, #tpu.memory_space<hbm>>
    tpu.enqueue_dma source(%dma_start3A_691 : memref<24576xf32, #tpu.memory_space<hbm>>) target(%arg7 : memref<24576xf32, #tpu.memory_space<vmem>>) target_semaphore(%arg9 : memref<!tpu.dma_semaphore, #tpu.memory_space<semaphore_mem>>)
    %parallel_loop3A_692 = arith.constant 0 : i32
    %parallel_loop3A_693 = arith.constant 24576 : i32
    %parallel_loop3A_694 = arith.constant 16 : i32
    scf.for %parallel_loop3A_768 = %parallel_loop3A_692 to %parallel_loop3A_693 step %parallel_loop3A_694  : i32 {
      %parallel_loop3A_769 = arith.index_cast %parallel_loop3A_768 : i32 to index
      %parallel_loop3A_770 = tpu.vector_load %arg5[%parallel_loop3A_769] {strides = array<i32>} : memref<24576xf32, #tpu.memory_space<vmem>>, vector<16xf32>,
      %parallel_loop3A_771 = vector.shape_cast %parallel_loop3A_770 : vector<16xf32> to vector<16xf32>
      %parallel_loop3A_772 = arith.index_cast %parallel_loop3A_768 : i32 to index
      %parallel_loop3A_773 = tpu.vector_load %arg6[%parallel_loop3A_772] {strides = array<i32>} : memref<24576xf32, #tpu.memory_space<vmem>>, vector<16xf32>,
      %parallel_loop3A_774 = vector.shape_cast %parallel_loop3A_773 : vector<16xf32> to vector<16xf32>
      %parallel_loop3A_775 = vector.shape_cast %parallel_loop3A_771 : vector<16xf32> to vector<16xf32>
      tpu.vector_store %arg6[%parallel_loop3A_772], %parallel_loop3A_775 {add = true, strides = array<i32>} : memref<24576xf32, #tpu.memory_space<vmem>>, vector<16xf32>,
    } {sc.loop_unroll_factor = 8 : i64, sc.parallel_access}
    %add3A_695 = arith.constant 0 : i32
    %add3A_696 = arith.addi %add3A_695, %mul3A_2 : i32
    %add3A_697 = arith.constant 224 : i32
    %add3A_698 = arith.addi %add3A_696, %add3A_697 : i32
    %mul3A_699 = arith.constant 768 : i32
    %mul3A_700 = arith.muli %add3A_698, %mul3A_699 : i32
    %dma_start3A_701 = tpu.memref_slice %arg4[%mul3A_700] : memref<25165824xf32, #tpu.memory_space<hbm>> -> memref<24576xf32, #tpu.memory_space<hbm>>
    %dma_start3A_702 = tpu.memref_slice %arg4[%mul3A_700] : memref<25165824xf32, #tpu.memory_space<hbm>> -> memref<24576xf32, #tpu.memory_space<hbm>>
    tpu.enqueue_dma source(%arg6 : memref<24576xf32, #tpu.memory_space<vmem>>) target(%dma_start3A_702 : memref<24576xf32, #tpu.memory_space<hbm>>) target_semaphore(%arg10 : memref<!tpu.dma_semaphore, #tpu.memory_space<semaphore_mem>>)
    %dma_wait3A_703 = tpu.memref_slice %arg2[%mul3A_689] : memref<25165824xf32, #tpu.memory_space<hbm>> -> memref<24576xf32, #tpu.memory_space<hbm>>
    %dma_wait3A_704 = tpu.memref_slice %arg2[%mul3A_689] : memref<25165824xf32, #tpu.memory_space<hbm>> -> memref<24576xf32, #tpu.memory_space<hbm>>
    tpu.wait_dma2 semaphore(%arg9 : memref<!tpu.dma_semaphore, #tpu.memory_space<semaphore_mem>>) src(%dma_wait3A_704 : memref<24576xf32, #tpu.memory_space<hbm>>) dst(%arg7 : memref<24576xf32, #tpu.memory_space<vmem>>)
    %dma_wait3A_705 = tpu.memref_slice %arg4[%mul3A_673] : memref<25165824xf32, #tpu.memory_space<hbm>> -> memref<24576xf32, #tpu.memory_space<hbm>>
    %dma_wait3A_706 = tpu.memref_slice %arg4[%mul3A_673] : memref<25165824xf32, #tpu.memory_space<hbm>> -> memref<24576xf32, #tpu.memory_space<hbm>>
    tpu.wait_dma2 semaphore(%arg11 : memref<!tpu.dma_semaphore, #tpu.memory_space<semaphore_mem>>) src(%arg7 : memref<24576xf32, #tpu.memory_space<vmem>>) dst(%dma_wait3A_706 : memref<24576xf32, #tpu.memory_space<hbm>>)
    %add3A_707 = arith.constant 16384 : i32
    %add3A_708 = arith.addi %add3A_707, %mul3A_2 : i32
    %add3A_709 = arith.constant 224 : i32
    %add3A_710 = arith.addi %add3A_708, %add3A_709 : i32
    %mul3A_711 = arith.constant 768 : i32
    %mul3A_712 = arith.muli %add3A_710, %mul3A_711 : i32
    %dma_start3A_713 = tpu.memref_slice %arg2[%mul3A_712] : memref<25165824xf32, #tpu.memory_space<hbm>> -> memref<24576xf32, #tpu.memory_space<hbm>>
    %dma_start3A_714 = tpu.memref_slice %arg2[%mul3A_712] : memref<25165824xf32, #tpu.memory_space<hbm>> -> memref<24576xf32, #tpu.memory_space<hbm>>
    tpu.enqueue_dma source(%dma_start3A_714 : memref<24576xf32, #tpu.memory_space<hbm>>) target(%arg6 : memref<24576xf32, #tpu.memory_space<vmem>>) target_semaphore(%arg8 : memref<!tpu.dma_semaphore, #tpu.memory_space<semaphore_mem>>)
    %parallel_loop3A_715 = arith.constant 0 : i32
    %parallel_loop3A_716 = arith.constant 24576 : i32
    %parallel_loop3A_717 = arith.constant 16 : i32
    scf.for %parallel_loop3A_768 = %parallel_loop3A_715 to %parallel_loop3A_716 step %parallel_loop3A_717  : i32 {
      %parallel_loop3A_769 = arith.index_cast %parallel_loop3A_768 : i32 to index
      %parallel_loop3A_770 = tpu.vector_load %arg5[%parallel_loop3A_769] {strides = array<i32>} : memref<24576xf32, #tpu.memory_space<vmem>>, vector<16xf32>,
      %parallel_loop3A_771 = vector.shape_cast %parallel_loop3A_770 : vector<16xf32> to vector<16xf32>
      %parallel_loop3A_772 = arith.index_cast %parallel_loop3A_768 : i32 to index
      %parallel_loop3A_773 = tpu.vector_load %arg7[%parallel_loop3A_772] {strides = array<i32>} : memref<24576xf32, #tpu.memory_space<vmem>>, vector<16xf32>,
      %parallel_loop3A_774 = vector.shape_cast %parallel_loop3A_773 : vector<16xf32> to vector<16xf32>
      %parallel_loop3A_775 = vector.shape_cast %parallel_loop3A_771 : vector<16xf32> to vector<16xf32>
      tpu.vector_store %arg7[%parallel_loop3A_772], %parallel_loop3A_775 {add = true, strides = array<i32>} : memref<24576xf32, #tpu.memory_space<vmem>>, vector<16xf32>,
    } {sc.loop_unroll_factor = 8 : i64, sc.parallel_access}
    %add3A_718 = arith.constant 8192 : i32
    %add3A_719 = arith.addi %add3A_718, %mul3A_2 : i32
    %add3A_720 = arith.constant 224 : i32
    %add3A_721 = arith.addi %add3A_719, %add3A_720 : i32
    %mul3A_722 = arith.constant 768 : i32
    %mul3A_723 = arith.muli %add3A_721, %mul3A_722 : i32
    %dma_start3A_724 = tpu.memref_slice %arg4[%mul3A_723] : memref<25165824xf32, #tpu.memory_space<hbm>> -> memref<24576xf32, #tpu.memory_space<hbm>>
    %dma_start3A_725 = tpu.memref_slice %arg4[%mul3A_723] : memref<25165824xf32, #tpu.memory_space<hbm>> -> memref<24576xf32, #tpu.memory_space<hbm>>
    tpu.enqueue_dma source(%arg7 : memref<24576xf32, #tpu.memory_space<vmem>>) target(%dma_start3A_725 : memref<24576xf32, #tpu.memory_space<hbm>>) target_semaphore(%arg11 : memref<!tpu.dma_semaphore, #tpu.memory_space<semaphore_mem>>)
    %dma_wait3A_726 = tpu.memref_slice %arg2[%mul3A_712] : memref<25165824xf32, #tpu.memory_space<hbm>> -> memref<24576xf32, #tpu.memory_space<hbm>>
    %dma_wait3A_727 = tpu.memref_slice %arg2[%mul3A_712] : memref<25165824xf32, #tpu.memory_space<hbm>> -> memref<24576xf32, #tpu.memory_space<hbm>>
    tpu.wait_dma2 semaphore(%arg8 : memref<!tpu.dma_semaphore, #tpu.memory_space<semaphore_mem>>) src(%dma_wait3A_727 : memref<24576xf32, #tpu.memory_space<hbm>>) dst(%arg6 : memref<24576xf32, #tpu.memory_space<vmem>>)
    %dma_wait3A_728 = tpu.memref_slice %arg4[%mul3A_700] : memref<25165824xf32, #tpu.memory_space<hbm>> -> memref<24576xf32, #tpu.memory_space<hbm>>
    %dma_wait3A_729 = tpu.memref_slice %arg4[%mul3A_700] : memref<25165824xf32, #tpu.memory_space<hbm>> -> memref<24576xf32, #tpu.memory_space<hbm>>
    tpu.wait_dma2 semaphore(%arg10 : memref<!tpu.dma_semaphore, #tpu.memory_space<semaphore_mem>>) src(%arg6 : memref<24576xf32, #tpu.memory_space<vmem>>) dst(%dma_wait3A_729 : memref<24576xf32, #tpu.memory_space<hbm>>)
    %add3A_730 = arith.constant 24576 : i32
    %add3A_731 = arith.addi %add3A_730, %mul3A_2 : i32
    %add3A_732 = arith.constant 224 : i32
    %add3A_733 = arith.addi %add3A_731, %add3A_732 : i32
    %mul3A_734 = arith.constant 768 : i32
    %mul3A_735 = arith.muli %add3A_733, %mul3A_734 : i32
    %dma_start3A_736 = tpu.memref_slice %arg2[%mul3A_735] : memref<25165824xf32, #tpu.memory_space<hbm>> -> memref<24576xf32, #tpu.memory_space<hbm>>
    %dma_start3A_737 = tpu.memref_slice %arg2[%mul3A_735] : memref<25165824xf32, #tpu.memory_space<hbm>> -> memref<24576xf32, #tpu.memory_space<hbm>>
    tpu.enqueue_dma source(%dma_start3A_737 : memref<24576xf32, #tpu.memory_space<hbm>>) target(%arg7 : memref<24576xf32, #tpu.memory_space<vmem>>) target_semaphore(%arg9 : memref<!tpu.dma_semaphore, #tpu.memory_space<semaphore_mem>>)
    %parallel_loop3A_738 = arith.constant 0 : i32
    %parallel_loop3A_739 = arith.constant 24576 : i32
    %parallel_loop3A_740 = arith.constant 16 : i32
    scf.for %parallel_loop3A_768 = %parallel_loop3A_738 to %parallel_loop3A_739 step %parallel_loop3A_740  : i32 {
      %parallel_loop3A_769 = arith.index_cast %parallel_loop3A_768 : i32 to index
      %parallel_loop3A_770 = tpu.vector_load %arg5[%parallel_loop3A_769] {strides = array<i32>} : memref<24576xf32, #tpu.memory_space<vmem>>, vector<16xf32>,
      %parallel_loop3A_771 = vector.shape_cast %parallel_loop3A_770 : vector<16xf32> to vector<16xf32>
      %parallel_loop3A_772 = arith.index_cast %parallel_loop3A_768 : i32 to index
      %parallel_loop3A_773 = tpu.vector_load %arg6[%parallel_loop3A_772] {strides = array<i32>} : memref<24576xf32, #tpu.memory_space<vmem>>, vector<16xf32>,
      %parallel_loop3A_774 = vector.shape_cast %parallel_loop3A_773 : vector<16xf32> to vector<16xf32>
      %parallel_loop3A_775 = vector.shape_cast %parallel_loop3A_771 : vector<16xf32> to vector<16xf32>
      tpu.vector_store %arg6[%parallel_loop3A_772], %parallel_loop3A_775 {add = true, strides = array<i32>} : memref<24576xf32, #tpu.memory_space<vmem>>, vector<16xf32>,
    } {sc.loop_unroll_factor = 8 : i64, sc.parallel_access}
    %add3A_741 = arith.constant 16384 : i32
    %add3A_742 = arith.addi %add3A_741, %mul3A_2 : i32
    %add3A_743 = arith.constant 224 : i32
    %add3A_744 = arith.addi %add3A_742, %add3A_743 : i32
    %mul3A_745 = arith.constant 768 : i32
    %mul3A_746 = arith.muli %add3A_744, %mul3A_745 : i32
    %dma_start3A_747 = tpu.memref_slice %arg4[%mul3A_746] : memref<25165824xf32, #tpu.memory_space<hbm>> -> memref<24576xf32, #tpu.memory_space<hbm>>
    %dma_start3A_748 = tpu.memref_slice %arg4[%mul3A_746] : memref<25165824xf32, #tpu.memory_space<hbm>> -> memref<24576xf32, #tpu.memory_space<hbm>>
    tpu.enqueue_dma source(%arg6 : memref<24576xf32, #tpu.memory_space<vmem>>) target(%dma_start3A_748 : memref<24576xf32, #tpu.memory_space<hbm>>) target_semaphore(%arg10 : memref<!tpu.dma_semaphore, #tpu.memory_space<semaphore_mem>>)
    %dma_wait3A_749 = tpu.memref_slice %arg2[%mul3A_735] : memref<25165824xf32, #tpu.memory_space<hbm>> -> memref<24576xf32, #tpu.memory_space<hbm>>
    %dma_wait3A_750 = tpu.memref_slice %arg2[%mul3A_735] : memref<25165824xf32, #tpu.memory_space<hbm>> -> memref<24576xf32, #tpu.memory_space<hbm>>
    tpu.wait_dma2 semaphore(%arg9 : memref<!tpu.dma_semaphore, #tpu.memory_space<semaphore_mem>>) src(%dma_wait3A_750 : memref<24576xf32, #tpu.memory_space<hbm>>) dst(%arg7 : memref<24576xf32, #tpu.memory_space<vmem>>)
    %dma_wait3A_751 = tpu.memref_slice %arg4[%mul3A_723] : memref<25165824xf32, #tpu.memory_space<hbm>> -> memref<24576xf32, #tpu.memory_space<hbm>>
    %dma_wait3A_752 = tpu.memref_slice %arg4[%mul3A_723] : memref<25165824xf32, #tpu.memory_space<hbm>> -> memref<24576xf32, #tpu.memory_space<hbm>>
    tpu.wait_dma2 semaphore(%arg11 : memref<!tpu.dma_semaphore, #tpu.memory_space<semaphore_mem>>) src(%arg7 : memref<24576xf32, #tpu.memory_space<vmem>>) dst(%dma_wait3A_752 : memref<24576xf32, #tpu.memory_space<hbm>>)
    %parallel_loop3A_753 = arith.constant 0 : i32
    %parallel_loop3A_754 = arith.constant 24576 : i32
    %parallel_loop3A_755 = arith.constant 16 : i32
    scf.for %parallel_loop3A_768 = %parallel_loop3A_753 to %parallel_loop3A_754 step %parallel_loop3A_755  : i32 {
      %parallel_loop3A_769 = arith.index_cast %parallel_loop3A_768 : i32 to index
      %parallel_loop3A_770 = tpu.vector_load %arg5[%parallel_loop3A_769] {strides = array<i32>} : memref<24576xf32, #tpu.memory_space<vmem>>, vector<16xf32>,
      %parallel_loop3A_771 = vector.shape_cast %parallel_loop3A_770 : vector<16xf32> to vector<16xf32>
      %parallel_loop3A_772 = arith.index_cast %parallel_loop3A_768 : i32 to index
      %parallel_loop3A_773 = tpu.vector_load %arg7[%parallel_loop3A_772] {strides = array<i32>} : memref<24576xf32, #tpu.memory_space<vmem>>, vector<16xf32>,
      %parallel_loop3A_774 = vector.shape_cast %parallel_loop3A_773 : vector<16xf32> to vector<16xf32>
      %parallel_loop3A_775 = vector.shape_cast %parallel_loop3A_771 : vector<16xf32> to vector<16xf32>
      tpu.vector_store %arg7[%parallel_loop3A_772], %parallel_loop3A_775 {add = true, strides = array<i32>} : memref<24576xf32, #tpu.memory_space<vmem>>, vector<16xf32>,
    } {sc.loop_unroll_factor = 8 : i64, sc.parallel_access}
    %add3A_756 = arith.constant 24576 : i32
    %add3A_757 = arith.addi %add3A_756, %mul3A_2 : i32
    %add3A_758 = arith.constant 224 : i32
    %add3A_759 = arith.addi %add3A_757, %add3A_758 : i32
    %mul3A_760 = arith.constant 768 : i32
    %mul3A_761 = arith.muli %add3A_759, %mul3A_760 : i32
    %dma_start3A_762 = tpu.memref_slice %arg4[%mul3A_761] : memref<25165824xf32, #tpu.memory_space<hbm>> -> memref<24576xf32, #tpu.memory_space<hbm>>
    %dma_start3A_763 = tpu.memref_slice %arg4[%mul3A_761] : memref<25165824xf32, #tpu.memory_space<hbm>> -> memref<24576xf32, #tpu.memory_space<hbm>>
    tpu.enqueue_dma source(%arg7 : memref<24576xf32, #tpu.memory_space<vmem>>) target(%dma_start3A_763 : memref<24576xf32, #tpu.memory_space<hbm>>) target_semaphore(%arg11 : memref<!tpu.dma_semaphore, #tpu.memory_space<semaphore_mem>>)
    %dma_wait3A_764 = tpu.memref_slice %arg4[%mul3A_746] : memref<25165824xf32, #tpu.memory_space<hbm>> -> memref<24576xf32, #tpu.memory_space<hbm>>
    %dma_wait3A_765 = tpu.memref_slice %arg4[%mul3A_746] : memref<25165824xf32, #tpu.memory_space<hbm>> -> memref<24576xf32, #tpu.memory_space<hbm>>
    tpu.wait_dma2 semaphore(%arg10 : memref<!tpu.dma_semaphore, #tpu.memory_space<semaphore_mem>>) src(%arg6 : memref<24576xf32, #tpu.memory_space<vmem>>) dst(%dma_wait3A_765 : memref<24576xf32, #tpu.memory_space<hbm>>)
    %dma_wait3A_766 = tpu.memref_slice %arg4[%mul3A_761] : memref<25165824xf32, #tpu.memory_space<hbm>> -> memref<24576xf32, #tpu.memory_space<hbm>>
    %dma_wait3A_767 = tpu.memref_slice %arg4[%mul3A_761] : memref<25165824xf32, #tpu.memory_space<hbm>> -> memref<24576xf32, #tpu.memory_space<hbm>>
    tpu.wait_dma2 semaphore(%arg11 : memref<!tpu.dma_semaphore, #tpu.memory_space<semaphore_mem>>) src(%arg7 : memref<24576xf32, #tpu.memory_space<vmem>>) dst(%dma_wait3A_767 : memref<24576xf32, #tpu.memory_space<hbm>>)
    return
  }
}

</mosaic_0001>

<sc_bundles>
// kernel: kernel.3.cloned.1.call-start
scs
__scs_entry_jumppad:
0x0: {  	(pc) =	sbr.rel $0x88, $3  }
0x1: {  	(tag) =	ssettag $0x0;
	lr =	simm.s32 $0x1  }
0x2: {  	[smem:$0x3F9F] =	sst lr;
	_ =	strace $0xD0000000  }
0x3: {  	_ = 	snop  }
0x4: {  	_ = 	snop  }
0x5: {  	_ = 	snop  }
0x6: {  	_ = 	snop  }
0x7: {  	_ = 	snop  }
__scs_overlays_trampoline_lowered:
0x8: {  	[smem:$0x3FAE] =	sst s0  }
0x9: {  	[smem:$0x3FAF] =	sst s1  }
0xa: {  	[smem:$0x3FB0] =	sst s2  }
0xb: {  	[smem:$0x3FB1] =	sst s3  }
0xc: {  	[smem:$0x3FB2] =	sst s4  }
0xd: {  	[smem:$0x3FB3] =	sst s5  }
0xe: {  	[smem:$0x3FB4] =	sst s6  }
0xf: {  	[smem:$0x3FB5] =	sst s7  }
0x10: {  	[smem:$0x3FB6] =	sst s8  }
0x11: {  	[smem:$0x3FB7] =	sst s9;
	s0 =	simm.s32 @!p0 $0x0  }
0x12: {  	s1 =	sld [smem:$0x3F9D];
	s0 =	simm.s32 @p0 $0x1  }
0x13: {  	[smem:$0x3FB8] =	sst s0;
	s0 =	simm.s32 @!p1 $0x0  }
0x14: {  	s2 =	sld [smem:$0x3F9C];
	s0 =	simm.s32 @p1 $0x1  }
0x15: {  	[smem:$0x3FB9] =	sst s0;
	s0 =	simm.s32 @!p2 $0x0  }
0x16: {  	s3 =	sld [smem:$0x3FDB];
	s0 =	simm.s32 @p2 $0x1  }
0x17: {  	s4 =	simm.s32 $0x1BF5;
	[smem:$0x3FBB] =	sst s0  }
0x18: {  	s0 =	sld [smem:$0x3F9E];
	_ =	swait.ge [sflag:s4], $0x0  }
0x19: {  	s7 =	sld [smem:$0x3F9F]  }
0x1a: {  	s8 =	sadd.s32 $0xFFFFE003, lr  }
0x1b: {  	s9 =	sadd.s32 $0xFFFFFEF7, lr;
	s5 =	simm.s32 $0xFFFFFFFF;
	p2 =	slt.u32 s8, $0xFFFFF086  }
0x1c: {  	p1 =	slt.u32 s9, $0xF7A;
	s5 =	simm.s32 @!p2 $0x0  }
0x1d: {  	s5 =	simm.s32 @p1 $0x1;
	p0 =	seq.s32 s7, s2  }
0x1e: {  	s7 =	smul.u32 @!p0 $0xF7A, s2;
	p2 =	seq.s32 @!p0 s5, $0x0  }
0x1f: {  	s9 =	smul.u32 $0xF7A, s1;
	s8 =	simm.s32 @!p0 $0x1BF5;
	p2 =	por !p2, p0  }
0x20: {  	[sflag:s8] =	ssyncset.s32 @!p0 $0xFFFFF086;
	s6 =	sadd.s32 @!p0 s3, s7;
	s7 =	simm.s32 @!p0 $0x108  }
0x21: {  	s3 =	sadd.s32 s3, s9;
	s6 =	sadd.s32 @!p0 $0x88, s6;
	s7 =	simm.s32 @p2 $0x1082  }
0x22: {  	[simem:s7], [sflag:s8] =	dma.local @!p0 [hbm:s6], $0xF7A  }
0x23: {  	s9 =	sor.u32 $0xD0000000, s2;
	s6 =	simm.s32 $0x108;
	_ =	swait.ge @!p0 [sflag:s8], $0x0  }
0x24: {  	s3 =	sadd.s32 $0x88, s3;
	s6 =	simm.s32 @!p1 $0x1082;
	[sflag:s4] =	ssyncset.s32 $0xFFFFF086  }
0x25: {  	[simem:s6], [sflag:s4] =	dma.local [hbm:s3], $0xF7A  }
0x26: {  	[smem:$0x3F9F] =	sst s1;
	(tag) =	ssettag s2;
	_ =	strace s9  }
0x27: {  	s1 =	sld [smem:$0x3FAF]  }
0x28: {  	s2 =	sld [smem:$0x3FB0]  }
0x29: {  	s4 =	sld [smem:$0x3FB2]  }
0x2a: {  	p0 =	seq.s32 s5, $0x0;
	s5 =	sld [smem:$0x3FB3]  }
0x2b: {  	s6 =	sld [smem:$0x3FB4]  }
0x2c: {  	s7 =	sld [smem:$0x3FB5]  }
0x2d: {  	s3 =	simm.s32 $0x108;
	s8 =	sld [smem:$0x3FB6]  }
0x2e: {  	s3 =	simm.s32 @!p0 $0x1082;
	s9 =	sld [smem:$0x3FB7]  }
0x2f: {  	lr =	sadd.s32 s0, s3;
	s0 =	sld [smem:$0x3FAE]  }
0x30: {  	s3 =	sld [smem:$0x3FB1]  }
0x31: {  	[smem:$0x3FBA] =	sst s10  }
0x32: {  	s10 =	sld [smem:$0x3FB8];
	_ =	sdelay $0x3  }
0x33: {  	p0 =	seq.s32 s10, $0x1;
	s10 =	sld [smem:$0x3FBA];
	_ =	sdelay $0x3  }
0x34: {  	[smem:$0x3FBA] =	sst s10  }
0x35: {  	s10 =	sld [smem:$0x3FB9];
	_ =	sdelay $0x3  }
0x36: {  	p1 =	seq.s32 s10, $0x1;
	s10 =	sld [smem:$0x3FBA];
	_ =	sdelay $0x3  }
0x37: {  	[smem:$0x3FBA] =	sst s10  }
0x38: {  	s10 =	sld [smem:$0x3FBB]  }
0x39: {  	_ = 	snop;
	(pc) =	sbr.ind lr, $3  }
0x3a: {  	_ = 	snop  }
0x3b: {  	_ = 	snop  }
0x3c: {  	p2 =	seq.s32 s10, $0x1;
	s10 =	sld [smem:$0x3FBA]  }
0x3d: {  	_ =	shalt  }
0x3e: {  	_ =	shalt  }
0x3f: {  	_ =	shalt  }
0x40: {  	_ =	shalt  }
0x41: {  	_ =	shalt  }
0x42: {  	_ =	shalt  }
0x43: {  	_ =	shalt  }
0x44: {  	_ =	shalt  }
0x45: {  	_ =	shalt  }
0x46: {  	_ =	shalt  }
0x47: {  	_ =	shalt  }
0x48: {  	_ =	shalt  }
0x49: {  	_ =	shalt  }
0x4a: {  	_ =	shalt  }
0x4b: {  	_ =	shalt  }
0x4c: {  	_ =	shalt  }
0x4d: {  	_ =	shalt  }
0x4e: {  	_ =	shalt  }
0x4f: {  	_ =	shalt  }
0x50: {  	_ =	shalt  }
0x51: {  	_ =	shalt  }
0x52: {  	_ =	shalt  }
0x53: {  	_ =	shalt  }
0x54: {  	_ =	shalt  }
0x55: {  	_ =	shalt  }
0x56: {  	_ =	shalt  }
0x57: {  	_ =	shalt  }
0x58: {  	_ =	shalt  }
0x59: {  	_ =	shalt  }
0x5a: {  	_ =	shalt  }
0x5b: {  	_ =	shalt  }
0x5c: {  	_ =	shalt  }
0x5d: {  	_ =	shalt  }
0x5e: {  	_ =	shalt  }
0x5f: {  	_ =	shalt  }
0x60: {  	_ =	shalt  }
0x61: {  	_ =	shalt  }
0x62: {  	_ =	shalt  }
0x63: {  	_ =	shalt  }
0x64: {  	_ =	shalt  }
0x65: {  	_ =	shalt  }
0x66: {  	_ =	shalt  }
0x67: {  	_ =	shalt  }
0x68: {  	_ =	shalt  }
0x69: {  	_ =	shalt  }
0x6a: {  	_ =	shalt  }
0x6b: {  	_ =	shalt  }
0x6c: {  	_ =	shalt  }
0x6d: {  	_ =	shalt  }
0x6e: {  	_ =	shalt  }
0x6f: {  	_ =	shalt  }
0x70: {  	_ =	shalt  }
0x71: {  	_ =	shalt  }
0x72: {  	_ =	shalt  }
0x73: {  	_ =	shalt  }
0x74: {  	_ =	shalt  }
0x75: {  	_ =	shalt  }
0x76: {  	_ =	shalt  }
0x77: {  	_ =	shalt  }
0x78: {  	_ =	shalt  }
0x79: {  	_ =	shalt  }
0x7a: {  	_ =	shalt  }
0x7b: {  	_ =	shalt  }
0x7c: {  	_ =	shalt  }
0x7d: {  	_ =	shalt  }
0x7e: {  	_ =	shalt  }
0x7f: {  	_ =	shalt  }
0x80: {  	_ =	shalt  }
0x81: {  	_ =	shalt  }
0x82: {  	_ =	shalt  }
0x83: {  	_ =	shalt  }
0x84: {  	_ =	shalt  }
0x85: {  	_ =	shalt  }
0x86: {  	_ =	shalt  }
0x87: {  	_ =	shalt  }
.Lfunc_end0:
.L_simem_size_0:
called_computation_lowered:
.L_overlay_start_0:
0x88: {  	s2 =	sld [smem:$0x3FD9]  }
0x89: {  	s3 =	sld [smem:$0x3FFE];
	_ =	sdelay $0x1  }
0x8a: {  	s1 =	srdreg.scid  }
0x8b: {  	s0 =	sand.u32 $0x1, s1  }
0x8c: {  	s17 =	sshll.u32 s0, $0xA;
	s2 =	sadd.s32 s3, s2  }
0x8d: {  	s2 =	sadd.s32 s2, s17  }
0x8e: {  	[smem:$0x3FC6] =	sst s2  }
0x8f: {  	_ = 	snop  }
0x90: {  	s2 =	sld [smem:$0x3FD0];
	(tm) =	ssettm $0x1  }
0x91: {  	s18 =	sld [smem:$0x3FFB];
	_ =	sdelay $0x3  }
0x92: {  	_ =	strace s18  }
0x93: {  	s3 =	sld [smem:$0x3FFC];
	_ =	sdelay $0x3  }
0x94: {  	_ =	strace s3  }
0x95: {  	s3 =	sld [smem:$0x3FFD];
	_ =	sdelay $0x3  }
0x96: {  	_ =	strace s3  }
0x97: {  	_ =	strace $0x8FFFFFFF  }
0x98: {  	s19 =	sld [smem:$0x3FDB];
	_ =	sdelay $0x1  }
0x99: {  	s4 =	simm.s32 $_scs_section_size  }
0x9a: {  	s5 =	simm.s32 $_size__tile_overlayer_lowered;
	s6 =	simm.s32 $_tile_overlayer_lowered  }
0x9b: {  	s22 =	simm.s32 $0x1BFF;
	s21 =	sshll.u32 s6, $0x1;
	s3 =	sadd.s32 s4, s19  }
0x9c: {  	s7 =	simm.s32 $0x0;
	s20 =	sshll.u32 s5, $0x1;
	s5 =	sadd.s32 s21, s3  }
0x9d: {  	[timem:s7], [sflag:s22] =	dma.local [hbm:s5], s20  }
0x9e: {  	_ =	swait.ge [sflag:s22], s20  }
0x9f: {  	s4 =	ssub.s32 $0x0, s20;
	[sflag:s22] =	ssyncset.done $0x0  }
0xa0: {  	[sflag:s22] =	ssyncadd.s32 s4;
	_ =	sdelay $0x1  }
0xa1: {  	s23 =	simm.s32 $0x1B8B  }
0xa2: {  	_ =	swait.ge [sflag:s23], $0x1  }
0xa3: {  	[sflag:s23] =	ssyncset.done $0x0  }
0xa4: {  	s25 =	simm.s32 $0x1B8E;
	s24 =	sld [smem:$0x3FFE];
	[sflag:s23] =	ssyncadd.s32 $0xFFFFFFFF  }
0xa5: {  	s26 =	simm.s32 $execute0_lowered;
	[smem:$0x3FD2] =	sst s25  }
0xa6: {  	s5 =	sshll.u32 s26, $0x1;
	_ =	strace $0x80000046;
	[dreg:$0x1] =	wrdreg $0xFFFFFFFF  }
0xa7: {  	s28 =	simm.s32 $_size_execute0_lowered;
	s3 =	sadd.s32 s3, s5;
	[dreg:$0x0] =	wrdreg $0x0  }
0xa8: {  	s5 =	sshll.u32 s28, $0x1;
	[dreg:$0x2] =	wrdreg s3  }
0xa9: {  	[dreg:$0x3] =	wrdreg s5  }
0xaa: {  	[dreg:$0x4] =	wrdreg $0xC0  }
0xab: {  	_ =	task [dreg:s7], $0x5FFFF  }
0xac: {  	[dreg:$0x1] =	wrdreg $0xFFFFFFFF  }
0xad: {  	[dreg:$0x0] =	wrdreg $0x60  }
0xae: {  	[dreg:$0x2] =	wrdreg s2  }
0xaf: {  	[dreg:$0x3] =	wrdreg s24  }
0xb0: {  	[dreg:$0x4] =	wrdreg $0x9  }
0xb1: {  	_ =	task.clear_ibuf [dreg:s7], $0x5FFFF;
	_ =	strace $0x90000046  }
0xb2: {  	s29 =	simm.s32 $0x9;
	_ =	strace $0x80000048  }
0xb3: {  	_ =	swait.ge [sflag:s29], $0x1  }
0xb4: {  	[sflag:s29] =	ssyncadd.s32 $0xFFFFFFFF  }
0xb5: {  	_ =	strace $0x90000048  }
0xb6: {  	_ =	sfence  }
0xb7: {  	s30 =	sld [smem:$0x0];
	_ =	sdelay $0x2  }
0xb8: {  	s31 =	sshll.u32 s1, $0xD;
	s1 =	sshrl.u32 s1, $0x2  }
0xb9: {  	s3 =	sand.u32 $0x4000, s31;
	s1 =	sadd.s32 s1, s30  }
0xba: {  	s0 =	sor.u32 s3, s0;
	s1 =	sshll.u32 s1, $0x11  }
0xbb: {  	s0 =	sor.u32 s1, s0  }
0xbc: {  	s0 =	sadd.s32 $0x8F2B, s0  }
0xbd: {  	[sflag:s0] =	ssyncadd.remote.s32 $0x1  }
0xbe: {  	_ =	sfence.sel $0xFFFF  }
0xbf: {  	[dreg:$0x0] =	wrdreg $0xFFFFFFFF;
	(pc) =	sbr.abs _section_cstart, $3  }
0xc0: {  	[dreg:$0x1] =	wrdreg $0xFFFFFFFF  }
0xc1: {  	_ =	task.clear_ibuf [dreg:s7], $0x2FFFF;
	_ =	strace $0x9FFFFFFF  }
0xc2: {  	(tm) =	ssettm $0x7FFFFFFF  }
0xc3: {  	_ =	shalt  }
tec
execute0_lowered:
.L_overlay_start_1:
0x0: {  	(tag) =	ssettag $0x1  }
0x1: {  	s0 =	srdreg.scid;
	s1 =	stileid.u32  }
0x2: {  	s0 =	sand.u32 $0x1, s0;
	s2 =	sshll.u32 s1, $0x1  }
0x3: {  	s2 =	sor.u32 s0, s2  }
0x4: {  	s11 =	rddreg [dreg:$0x0];
	s4 =	smul.u32 $0x30000, s2  }
0x5: {  	s3 =	rddreg [dreg:$0x1];
	s2 =	smul.u32 $0x6000, s2  }
0x6: {  	s1 =	simm.s32 $0x0;
	s5 =	sadd.s32 $0x400, s3;
	s13 =	sadd.s32 $0xC0400, s3  }
0x7: {  	[smem:$0x7FF] =	sst s1;
	s0 =	ssub.s32 $0x2, s0;
	s19 =	sadd.s32 s11, s2  }
0x8: {  	s6 =	sshrl.u32 s0, $0x1;
	s20 =	sadd.s32 s5, s2;
	[dreg:$0x3] =	wrdreg s19  }
0x9: {  	s23 =	sadd.s32 s13, s2;
	s7 =	sor.u32 $0xC00, s2;
	[dreg:$0x4] =	wrdreg s20  }
0xa: {  	s10 =	sshrl.u32 s4, $0x3;
	[dreg:$0x6] =	wrdreg s23;
	s8 =	sadd.s32 s11, s7  }
0xb: {  	s21 =	sadd.s32 $0xC0000, s10;
	s12 =	sadd.s32 s5, s7;
	[dreg:$0xb] =	wrdreg s8  }
0xc: {  	s24 =	sadd.s32 $0x180000, s10;
	s22 =	sadd.s32 s11, s21;
	[dreg:$0xd] =	wrdreg s12  }
0xd: {  	s14 =	ssub.s32 s0, s6;
	s25 =	sadd.s32 s11, s24;
	[dreg:$0x5] =	wrdreg s22  }
0xe: {  	s26 =	sadd.s32 $0x240000, s10;
	s0 =	sadd.s32 s13, s21;
	[dreg:$0x7] =	wrdreg s25  }
0xf: {  	s6 =	sadd.s32 s11, s26;
	[dreg:$0x8] =	wrdreg s0  }
0x10: {  	s9 =	sadd.s32 $0xC0C00, s10;
	s3 =	sadd.s32 s13, s24;
	[dreg:$0x9] =	wrdreg s6  }
0x11: {  	s16 =	sadd.s32 $0x180C00, s10;
	s15 =	sadd.s32 s11, s9;
	[dreg:$0xa] =	wrdreg s3  }
0x12: {  	s18 =	sadd.s32 $0x240C00, s10;
	s17 =	sadd.s32 s11, s16;
	[dreg:$0xe] =	wrdreg s15  }
0x13: {  	s19 =	sadd.s32 s11, s18;
	[dreg:$0x10] =	wrdreg s17  }
0x14: {  	s20 =	sor.u32 $0x1800, s2;
	s21 =	sadd.s32 s13, s16;
	[dreg:$0x12] =	wrdreg s19  }
0x15: {  	s23 =	sadd.s32 s11, s20;
	[dreg:$0x13] =	wrdreg s21  }
0x16: {  	s24 =	sadd.s32 s5, s20;
	[dreg:$0x15] =	wrdreg s23  }
0x17: {  	s0 =	sadd.s32 s13, s26;
	[dreg:$0x16] =	wrdreg s24  }
0x18: {  	s14 =	smax.u32 s14, $0x1;
	s3 =	sadd.s32 s13, s7;
	[dreg:$0xc] =	wrdreg s0  }
0x19: {  	s8 =	sadd.s32 $0x2400, s10;
	s22 =	sadd.s32 s13, s18;
	[dreg:$0xf] =	wrdreg s3  }
0x1a: {  	s25 =	sadd.s32 $0xC1800, s10;
	s12 =	sadd.s32 s5, s8;
	[dreg:$0x14] =	wrdreg s22  }
0x1b: {  	s6 =	sadd.s32 $0x241800, s10;
	s0 =	sadd.s32 s13, s9;
	[dreg:$0x1f] =	wrdreg s12  }
0x1c: {  	s15 =	sadd.s32 $0xC2400, s10;
	s26 =	sadd.s32 s11, s25;
	[dreg:$0x11] =	wrdreg s0  }
0x1d: {  	s17 =	sadd.s32 $0x182400, s10;
	s7 =	sadd.s32 s11, s6;
	[dreg:$0x18] =	wrdreg s26  }
0x1e: {  	s19 =	sadd.s32 $0x242400, s10;
	s9 =	sadd.s32 s11, s8;
	[dreg:$0x1c] =	wrdreg s7  }
0x1f: {  	s21 =	sadd.s32 $0x3000, s10;
	s16 =	sadd.s32 s11, s15;
	[dreg:$0x1e] =	wrdreg s9  }
0x20: {  	s24 =	sadd.s32 $0xC3000, s10;
	s2 =	sadd.s32 s13, s15;
	[smem:$0x7E6] =	sst s16  }
0x21: {  	s3 =	sadd.s32 $0x181800, s10;
	s18 =	sadd.s32 s11, s17;
	[smem:$0x7E7] =	sst s2  }
0x22: {  	s22 =	sadd.s32 s11, s21;
	s23 =	sadd.s32 s5, s21;
	[smem:$0x7E8] =	sst s18  }
0x23: {  	s0 =	sadd.s32 s13, s20;
	s4 =	sadd.s32 s11, s3;
	[smem:$0x7EC] =	sst s22  }
0x24: {  	s20 =	sadd.s32 s11, s19;
	s2 =	sadd.s32 s13, s19;
	[smem:$0x7ED] =	sst s23  }
0x25: {  	s26 =	sadd.s32 s11, s24;
	s7 =	sadd.s32 $0x3C00, s10;
	[dreg:$0x17] =	wrdreg s0  }
0x26: {  	s16 =	sadd.s32 $0xC3C00, s10;
	s18 =	sadd.s32 $0x183C00, s10;
	[dreg:$0x1a] =	wrdreg s4  }
0x27: {  	s22 =	sadd.s32 $0x4800, s10;
	s23 =	sadd.s32 $0xC4800, s10;
	[smem:$0x7EA] =	sst s20  }
0x28: {  	s0 =	sadd.s32 s13, s25;
	[smem:$0x7EB] =	sst s2;
	s25 =	sadd.s32 $0x183000, s10  }
0x29: {  	[smem:$0x7EF] =	sst s26;
	s9 =	sadd.s32 s11, s7;
	s12 =	sadd.s32 s5, s7  }
0x2a: {  	s15 =	sadd.s32 s13, s7;
	s19 =	sadd.s32 s11, s18;
	s20 =	sadd.s32 $0x243C00, s10  }
0x2b: {  	s26 =	sadd.s32 s11, s22;
	s28 =	sadd.s32 s5, s22;
	[dreg:$0x19] =	wrdreg s0  }
0x2c: {  	s29 =	sadd.s32 s13, s22;
	s30 =	sadd.s32 s11, s23;
	[smem:$0x7F5] =	sst s9  }
0x2d: {  	s31 =	sadd.s32 s13, s23;
	s7 =	sadd.s32 $0x5400, s10;
	[smem:$0x7F6] =	sst s12  }
0x2e: {  	s22 =	simm.s32 $0x0;
	s0 =	sadd.s32 s13, s3;
	[smem:$0x7F7] =	sst s15  }
0x2f: {  	s3 =	sadd.s32 s11, s25;
	s4 =	sadd.s32 s13, s25;
	[smem:$0x7FA] =	sst s19  }
0x30: {  	s25 =	sadd.s32 $0x244800, s10;
	s5 =	sadd.s32 s5, s7;
	[dreg:$0x1b] =	wrdreg s0  }
0x31: {  	s9 =	sadd.s32 $0xC5400, s10;
	s12 =	sadd.s32 $0x185400, s10;
	[smem:$0x7F1] =	sst s3  }
0x32: {  	s15 =	sadd.s32 $0x245400, s10;
	s0 =	sadd.s32 s13, s6;
	[smem:$0x7F2] =	sst s4  }
0x33: {  	s6 =	sadd.s32 $0x243000, s10;
	[dreg:$0x1d] =	wrdreg s0;
	s0 =	sadd.s32 s13, s8  }
0x34: {  	s19 =	simm.s32 $0x2;
	s8 =	sadd.s32 s11, s6;
	[smem:$0x7E5] =	sst s0  }
0x35: {  	s3 =	sadd.s32 s11, s25;
	s0 =	sadd.s32 s13, s17;
	[smem:$0x7F3] =	sst s8  }
0x36: {  	s4 =	sadd.s32 s13, s25;
	s17 =	sadd.s32 s11, s16;
	[smem:$0x7E9] =	sst s0  }
0x37: {  	s8 =	sadd.s32 s11, s9;
	s0 =	sadd.s32 s13, s21;
	[smem:$0x7F8] =	sst s17  }
0x38: {  	s9 =	sadd.s32 s13, s9;
	s21 =	sadd.s32 s11, s20;
	[smem:$0x7EE] =	sst s0  }
0x39: {  	s17 =	simm.s32 $0x1;
	s0 =	sadd.s32 s13, s24;
	[smem:$0x7FC] =	sst s21  }
0x3a: {  	s24 =	sadd.s32 $0x184800, s10;
	s10 =	sadd.s32 s11, s12;
	s12 =	sadd.s32 s13, s12  }
0x3b: {  	s21 =	simm.s32 $0x4;
	[smem:$0x7F0] =	sst s0;
	s0 =	sadd.s32 s13, s6  }
0x3c: {  	s2 =	sadd.s32 s13, s24;
	s6 =	sadd.s32 s11, s7;
	s7 =	sadd.s32 s13, s7  }
0x3d: {  	[smem:$0x7F4] =	sst s0;
	s0 =	sadd.s32 s13, s16;
	s16 =	simm.s32 $0x5  }
0x3e: {  	[smem:$0x7F9] =	sst s0;
	s0 =	sadd.s32 s13, s18;
	s18 =	simm.s32 $0xC000  }
0x3f: {  	[smem:$0x7FB] =	sst s0;
	s0 =	sadd.s32 s13, s20;
	s13 =	sadd.s32 s13, s15  }
0x40: {  	s20 =	simm.s32 $0x3;
	[smem:$0x7FD] =	sst s0;
	s0 =	sadd.s32 s11, s24  }
0x41: {  	s11 =	sadd.s32 s11, s15;
	s15 =	simm.s32 $0x6000;
	_ =	strace $0x80000047  }
.LBB2_1:
0x42: {  	s23 =	rddreg [dreg:$0x3]  }
0x43: {  	[tilespmem:s15], [sflag:$0x1] =	stream.linear.gather [hbm4b:s23+s1], $0x6000, $0x38;
	[tilespmem:$0x12000] =	vst v63  }
0x44: {  	s24 =	rddreg [dreg:$0x4]  }
0x45: {  	[tilespmem:s1], [sflag:$0x5] =	stream.linear.gather [hbm4b:s24+s1], $0x6000, $0x38;
	[tilespmem:$0x12000] =	vst v63  }
0x46: {  	_ =	swait.ge [sflag:s16], $0x6000  }
0x47: {  	[sflag:s16] =	ssyncset.done $0x0  }
0x48: {  	[sflag:s16] =	ssyncadd.s32 $0xFFFFA000  }
0x49: {  	_ =	swait.ge [sflag:s17], $0x6000  }
0x4a: {  	[sflag:s17] =	ssyncset.done $0x0  }
0x4b: {  	s23 =	simm.s32 $0x0;
	s25 =	rddreg [dreg:$0x5];
	[sflag:s17] =	ssyncadd.s32 $0xFFFFA000  }
0x4c: {  	[tilespmem:s18], [sflag:$0x2] =	stream.linear.gather [hbm4b:s25+s1], $0x6000, $0x38;
	[tilespmem:$0x12000] =	vst v63  }
0x4d: {  	v0 =	vld [tilespmem:s23+$0x70]  }
0x4e: {  	v1 =	vld [tilespmem:s23+$0x0]  }
0x4f: {  	v2 =	vld [tilespmem:s23+$0x10]  }
0x50: {  	v3 =	vld [tilespmem:s23+$0x20]  }
0x51: {  	v4 =	vld [tilespmem:s23+$0x30]  }
0x52: {  	v5 =	vld [tilespmem:s23+$0x40]  }
0x53: {  	v6 =	vld [tilespmem:s23+$0x50]  }
0x54: {  	[tilespmem:s23+$0x6070] =	vst.add.f32.msk $0xffff, v0  }
0x55: {  	v0 =	vld [tilespmem:s23+$0x60]  }
0x56: {  	[tilespmem:s23+$0x6000] =	vst.add.f32.msk $0xffff, v1  }
0x57: {  	[tilespmem:s23+$0x6010] =	vst.add.f32.msk $0xffff, v2  }
0x58: {  	[tilespmem:s23+$0x6020] =	vst.add.f32.msk $0xffff, v3  }
0x59: {  	[tilespmem:s23+$0x6030] =	vst.add.f32.msk $0xffff, v4  }
0x5a: {  	[tilespmem:s23+$0x6040] =	vst.add.f32.msk $0xffff, v5  }
0x5b: {  	s24 =	simm.s32 $0x0;
	s25 =	simm.s32 $0x200;
	[tilespmem:s23+$0x6050] =	vst.add.f32.msk $0xffff, v6  }
.LBB2_2:
0x5c: {  	s24 =	sadd.s32 $0x80, s24;
	[tilespmem:s23+$0x6060] =	vst.add.f32.msk $0xffff, v0;
	s23 =	sshra.s32 s25, $0x2  }
0x5d: {  	v0 =	vld [tilespmem:s23+$0x70];
	p0 =	slt.u32 s24, $0x5F80  }
0x5e: {  	v1 =	vld [tilespmem:s23+$0x0]  }
0x5f: {  	v2 =	vld [tilespmem:s23+$0x10]  }
0x60: {  	v3 =	vld [tilespmem:s23+$0x20]  }
0x61: {  	v4 =	vld [tilespmem:s23+$0x30]  }
0x62: {  	[tilespmem:s23+$0x6070] =	vst.add.f32.msk $0xffff, v0  }
0x63: {  	v5 =	vld [tilespmem:s23+$0x40]  }
0x64: {  	v6 =	vld [tilespmem:s23+$0x50]  }
0x65: {  	v0 =	vld [tilespmem:s23+$0x60]  }
0x66: {  	[tilespmem:s23+$0x6000] =	vst.add.f32.msk $0xffff, v1  }
.Ltmp0:
0x67: {  	[tilespmem:s23+$0x6010] =	vst.add.f32.msk $0xffff, v2;
	(pc) =	sbr.rel @p0 .LBB2_2-.Ltmp0, $4  }
0x68: {  	[tilespmem:s23+$0x6020] =	vst.add.f32.msk $0xffff, v3  }
0x69: {  	[tilespmem:s23+$0x6030] =	vst.add.f32.msk $0xffff, v4  }
0x6a: {  	[tilespmem:s23+$0x6040] =	vst.add.f32.msk $0xffff, v5  }
0x6b: {  	s25 =	sadd.s32 $0x200, s25;
	[tilespmem:s23+$0x6050] =	vst.add.f32.msk $0xffff, v6  }
0x6c: {  	[tilespmem:s23+$0x6060] =	vst.add.f32.msk $0xffff, v0  }
0x6d: {  	s23 =	simm.s32 $0x0;
	s24 =	rddreg [dreg:$0x6]  }
0x6e: {  	[hbm4b:s24+s23] =	stream.linear.scatter [tilespmem:s15], [sflag:$0x3], $0x6000, $0x38;
	[tilespmem:$0x12000] =	vst v63  }
0x6f: {  	_ =	swait.ge [sflag:s19], $0x6000  }
0x70: {  	[sflag:s19] =	ssyncset.done $0x0  }
0x71: {  	s25 =	rddreg [dreg:$0x7];
	[sflag:s19] =	ssyncadd.s32 $0xFFFFA000  }
0x72: {  	[tilespmem:s15], [sflag:$0x1] =	stream.linear.gather [hbm4b:s25+s23], $0x6000, $0x38;
	[tilespmem:$0x12000] =	vst v63  }
0x73: {  	s23 =	simm.s32 $0x0  }
0x74: {  	v0 =	vld [tilespmem:s23+$0x70]  }
0x75: {  	v1 =	vld [tilespmem:s23+$0x0]  }
0x76: {  	v2 =	vld [tilespmem:s23+$0x10]  }
0x77: {  	v3 =	vld [tilespmem:s23+$0x20]  }
0x78: {  	v4 =	vld [tilespmem:s23+$0x30]  }
0x79: {  	v5 =	vld [tilespmem:s23+$0x40]  }
0x7a: {  	v6 =	vld [tilespmem:s23+$0x50]  }
0x7b: {  	[tilespmem:s23+$0xC070] =	vst.add.f32.msk $0xffff, v0  }
0x7c: {  	v0 =	vld [tilespmem:s23+$0x60]  }
0x7d: {  	[tilespmem:s23+$0xC000] =	vst.add.f32.msk $0xffff, v1  }
0x7e: {  	[tilespmem:s23+$0xC010] =	vst.add.f32.msk $0xffff, v2  }
0x7f: {  	[tilespmem:s23+$0xC020] =	vst.add.f32.msk $0xffff, v3  }
0x80: {  	[tilespmem:s23+$0xC030] =	vst.add.f32.msk $0xffff, v4  }
0x81: {  	[tilespmem:s23+$0xC040] =	vst.add.f32.msk $0xffff, v5  }
0x82: {  	s24 =	simm.s32 $0x0;
	s25 =	simm.s32 $0x200;
	[tilespmem:s23+$0xC050] =	vst.add.f32.msk $0xffff, v6  }
.LBB2_4:
0x83: {  	s24 =	sadd.s32 $0x80, s24;
	[tilespmem:s23+$0xC060] =	vst.add.f32.msk $0xffff, v0;
	s23 =	sshra.s32 s25, $0x2  }
0x84: {  	v0 =	vld [tilespmem:s23+$0x70];
	p0 =	slt.u32 s24, $0x5F80  }
0x85: {  	v1 =	vld [tilespmem:s23+$0x0]  }
0x86: {  	v2 =	vld [tilespmem:s23+$0x10]  }
0x87: {  	v3 =	vld [tilespmem:s23+$0x20]  }
0x88: {  	v4 =	vld [tilespmem:s23+$0x30]  }
0x89: {  	[tilespmem:s23+$0xC070] =	vst.add.f32.msk $0xffff, v0  }
0x8a: {  	v5 =	vld [tilespmem:s23+$0x40]  }
0x8b: {  	v6 =	vld [tilespmem:s23+$0x50]  }
0x8c: {  	v0 =	vld [tilespmem:s23+$0x60]  }
0x8d: {  	[tilespmem:s23+$0xC000] =	vst.add.f32.msk $0xffff, v1  }
.Ltmp1:
0x8e: {  	[tilespmem:s23+$0xC010] =	vst.add.f32.msk $0xffff, v2;
	(pc) =	sbr.rel @p0 .LBB2_4-.Ltmp1, $4  }
0x8f: {  	[tilespmem:s23+$0xC020] =	vst.add.f32.msk $0xffff, v3  }
0x90: {  	[tilespmem:s23+$0xC030] =	vst.add.f32.msk $0xffff, v4  }
0x91: {  	[tilespmem:s23+$0xC040] =	vst.add.f32.msk $0xffff, v5  }
0x92: {  	s25 =	sadd.s32 $0x200, s25;
	[tilespmem:s23+$0xC050] =	vst.add.f32.msk $0xffff, v6  }
0x93: {  	[tilespmem:s23+$0xC060] =	vst.add.f32.msk $0xffff, v0  }
0x94: {  	s23 =	simm.s32 $0x0;
	s24 =	rddreg [dreg:$0x8]  }
0x95: {  	[hbm4b:s24+s23] =	stream.linear.scatter [tilespmem:s18], [sflag:$0x4], $0x6000, $0x38;
	[tilespmem:$0x12000] =	vst v63  }
0x96: {  	_ =	swait.ge [sflag:s17], $0x6000  }
0x97: {  	[sflag:s17] =	ssyncset.done $0x0  }
0x98: {  	[sflag:s17] =	ssyncadd.s32 $0xFFFFA000  }
0x99: {  	_ =	swait.ge [sflag:s20], $0x6000  }
0x9a: {  	[sflag:s20] =	ssyncset.done $0x0  }
0x9b: {  	s25 =	rddreg [dreg:$0x9];
	[sflag:s20] =	ssyncadd.s32 $0xFFFFA000  }
0x9c: {  	[tilespmem:s18], [sflag:$0x2] =	stream.linear.gather [hbm4b:s25+s23], $0x6000, $0x38;
	[tilespmem:$0x12000] =	vst v63  }
0x9d: {  	s23 =	simm.s32 $0x0  }
0x9e: {  	v0 =	vld [tilespmem:s23+$0x70]  }
0x9f: {  	v1 =	vld [tilespmem:s23+$0x0]  }
0xa0: {  	v2 =	vld [tilespmem:s23+$0x10]  }
0xa1: {  	v3 =	vld [tilespmem:s23+$0x20]  }
0xa2: {  	v4 =	vld [tilespmem:s23+$0x30]  }
0xa3: {  	v5 =	vld [tilespmem:s23+$0x40]  }
0xa4: {  	v6 =	vld [tilespmem:s23+$0x50]  }
0xa5: {  	[tilespmem:s23+$0x6070] =	vst.add.f32.msk $0xffff, v0  }
0xa6: {  	v0 =	vld [tilespmem:s23+$0x60]  }
0xa7: {  	[tilespmem:s23+$0x6000] =	vst.add.f32.msk $0xffff, v1  }
0xa8: {  	[tilespmem:s23+$0x6010] =	vst.add.f32.msk $0xffff, v2  }
0xa9: {  	[tilespmem:s23+$0x6020] =	vst.add.f32.msk $0xffff, v3  }
0xaa: {  	[tilespmem:s23+$0x6030] =	vst.add.f32.msk $0xffff, v4  }
0xab: {  	[tilespmem:s23+$0x6040] =	vst.add.f32.msk $0xffff, v5  }
0xac: {  	s24 =	simm.s32 $0x0;
	s25 =	simm.s32 $0x200;
	[tilespmem:s23+$0x6050] =	vst.add.f32.msk $0xffff, v6  }
.LBB2_6:
0xad: {  	s24 =	sadd.s32 $0x80, s24;
	[tilespmem:s23+$0x6060] =	vst.add.f32.msk $0xffff, v0;
	s23 =	sshra.s32 s25, $0x2  }
0xae: {  	v0 =	vld [tilespmem:s23+$0x70];
	p0 =	slt.u32 s24, $0x5F80  }
0xaf: {  	v1 =	vld [tilespmem:s23+$0x0]  }
0xb0: {  	v2 =	vld [tilespmem:s23+$0x10]  }
0xb1: {  	v3 =	vld [tilespmem:s23+$0x20]  }
0xb2: {  	v4 =	vld [tilespmem:s23+$0x30]  }
0xb3: {  	[tilespmem:s23+$0x6070] =	vst.add.f32.msk $0xffff, v0  }
0xb4: {  	v5 =	vld [tilespmem:s23+$0x40]  }
0xb5: {  	v6 =	vld [tilespmem:s23+$0x50]  }
0xb6: {  	v0 =	vld [tilespmem:s23+$0x60]  }
0xb7: {  	[tilespmem:s23+$0x6000] =	vst.add.f32.msk $0xffff, v1  }
.Ltmp2:
0xb8: {  	[tilespmem:s23+$0x6010] =	vst.add.f32.msk $0xffff, v2;
	(pc) =	sbr.rel @p0 .LBB2_6-.Ltmp2, $4  }
0xb9: {  	[tilespmem:s23+$0x6020] =	vst.add.f32.msk $0xffff, v3  }
0xba: {  	[tilespmem:s23+$0x6030] =	vst.add.f32.msk $0xffff, v4  }
0xbb: {  	[tilespmem:s23+$0x6040] =	vst.add.f32.msk $0xffff, v5  }
0xbc: {  	s25 =	sadd.s32 $0x200, s25;
	[tilespmem:s23+$0x6050] =	vst.add.f32.msk $0xffff, v6  }
0xbd: {  	[tilespmem:s23+$0x6060] =	vst.add.f32.msk $0xffff, v0  }
0xbe: {  	s23 =	simm.s32 $0x0;
	s24 =	rddreg [dreg:$0xa]  }
0xbf: {  	[hbm4b:s24+s23] =	stream.linear.scatter [tilespmem:s15], [sflag:$0x3], $0x6000, $0x38;
	[tilespmem:$0x12000] =	vst v63  }
0xc0: {  	_ =	swait.ge [sflag:s19], $0x6000  }
0xc1: {  	[sflag:s19] =	ssyncset.done $0x0  }
0xc2: {  	[sflag:s19] =	ssyncadd.s32 $0xFFFFA000  }
0xc3: {  	_ =	swait.ge [sflag:s21], $0x6000  }
0xc4: {  	[sflag:s21] =	ssyncset.done $0x0  }
0xc5: {  	s25 =	rddreg [dreg:$0xb];
	[sflag:s21] =	ssyncadd.s32 $0xFFFFA000  }
0xc6: {  	[tilespmem:s15], [sflag:$0x1] =	stream.linear.gather [hbm4b:s25+s23], $0x6000, $0x38;
	[tilespmem:$0x12000] =	vst v63  }
0xc7: {  	s23 =	simm.s32 $0x0  }
0xc8: {  	v0 =	vld [tilespmem:s23+$0x70]  }
0xc9: {  	v1 =	vld [tilespmem:s23+$0x0]  }
0xca: {  	v2 =	vld [tilespmem:s23+$0x10]  }
0xcb: {  	v3 =	vld [tilespmem:s23+$0x20]  }
0xcc: {  	v4 =	vld [tilespmem:s23+$0x30]  }
0xcd: {  	v5 =	vld [tilespmem:s23+$0x40]  }
0xce: {  	v6 =	vld [tilespmem:s23+$0x50]  }
0xcf: {  	[tilespmem:s23+$0xC070] =	vst.add.f32.msk $0xffff, v0  }
0xd0: {  	v0 =	vld [tilespmem:s23+$0x60]  }
0xd1: {  	[tilespmem:s23+$0xC000] =	vst.add.f32.msk $0xffff, v1  }
0xd2: {  	[tilespmem:s23+$0xC010] =	vst.add.f32.msk $0xffff, v2  }
0xd3: {  	[tilespmem:s23+$0xC020] =	vst.add.f32.msk $0xffff, v3  }
0xd4: {  	[tilespmem:s23+$0xC030] =	vst.add.f32.msk $0xffff, v4  }
0xd5: {  	[tilespmem:s23+$0xC040] =	vst.add.f32.msk $0xffff, v5  }
0xd6: {  	s24 =	simm.s32 $0x0;
	s25 =	simm.s32 $0x200;
	[tilespmem:s23+$0xC050] =	vst.add.f32.msk $0xffff, v6  }
.LBB2_8:
0xd7: {  	s24 =	sadd.s32 $0x80, s24;
	[tilespmem:s23+$0xC060] =	vst.add.f32.msk $0xffff, v0;
	s23 =	sshra.s32 s25, $0x2  }
0xd8: {  	v0 =	vld [tilespmem:s23+$0x70];
	p0 =	slt.u32 s24, $0x5F80  }
0xd9: {  	v1 =	vld [tilespmem:s23+$0x0]  }
0xda: {  	v2 =	vld [tilespmem:s23+$0x10]  }
0xdb: {  	v3 =	vld [tilespmem:s23+$0x20]  }
0xdc: {  	v4 =	vld [tilespmem:s23+$0x30]  }
0xdd: {  	[tilespmem:s23+$0xC070] =	vst.add.f32.msk $0xffff, v0  }
0xde: {  	v5 =	vld [tilespmem:s23+$0x40]  }
0xdf: {  	v6 =	vld [tilespmem:s23+$0x50]  }
0xe0: {  	v0 =	vld [tilespmem:s23+$0x60]  }
0xe1: {  	[tilespmem:s23+$0xC000] =	vst.add.f32.msk $0xffff, v1  }
.Ltmp3:
0xe2: {  	[tilespmem:s23+$0xC010] =	vst.add.f32.msk $0xffff, v2;
	(pc) =	sbr.rel @p0 .LBB2_8-.Ltmp3, $4  }
0xe3: {  	[tilespmem:s23+$0xC020] =	vst.add.f32.msk $0xffff, v3  }
0xe4: {  	[tilespmem:s23+$0xC030] =	vst.add.f32.msk $0xffff, v4  }
0xe5: {  	[tilespmem:s23+$0xC040] =	vst.add.f32.msk $0xffff, v5  }
0xe6: {  	s25 =	sadd.s32 $0x200, s25;
	[tilespmem:s23+$0xC050] =	vst.add.f32.msk $0xffff, v6  }
0xe7: {  	[tilespmem:s23+$0xC060] =	vst.add.f32.msk $0xffff, v0  }
0xe8: {  	s23 =	simm.s32 $0x0;
	s24 =	rddreg [dreg:$0xc]  }
0xe9: {  	[hbm4b:s24+s23] =	stream.linear.scatter [tilespmem:s18], [sflag:$0x4], $0x6000, $0x38;
	[tilespmem:$0x12000] =	vst v63  }
0xea: {  	s25 =	rddreg [dreg:$0xd]  }
0xeb: {  	[tilespmem:s23], [sflag:$0x5] =	stream.linear.gather [hbm4b:s25+s23], $0x6000, $0x38;
	[tilespmem:$0x12000] =	vst v63  }
0xec: {  	_ =	swait.ge [sflag:s16], $0x6000  }
0xed: {  	[sflag:s16] =	ssyncset.done $0x0  }
0xee: {  	[sflag:s16] =	ssyncadd.s32 $0xFFFFA000  }
0xef: {  	_ =	swait.ge [sflag:s17], $0x6000  }
0xf0: {  	[sflag:s17] =	ssyncset.done $0x0  }
0xf1: {  	[sflag:s17] =	ssyncadd.s32 $0xFFFFA000  }
0xf2: {  	_ =	swait.ge [sflag:s20], $0x6000  }
0xf3: {  	[sflag:s20] =	ssyncset.done $0x0  }
0xf4: {  	s25 =	rddreg [dreg:$0xe];
	[sflag:s20] =	ssyncadd.s32 $0xFFFFA000  }
0xf5: {  	[tilespmem:s18], [sflag:$0x2] =	stream.linear.gather [hbm4b:s25+s23], $0x6000, $0x38;
	[tilespmem:$0x12000] =	vst v63  }
0xf6: {  	s23 =	simm.s32 $0x0  }
0xf7: {  	v0 =	vld [tilespmem:s23+$0x70]  }
0xf8: {  	v1 =	vld [tilespmem:s23+$0x0]  }
0xf9: {  	v2 =	vld [tilespmem:s23+$0x10]  }
0xfa: {  	v3 =	vld [tilespmem:s23+$0x20]  }
0xfb: {  	v4 =	vld [tilespmem:s23+$0x30]  }
0xfc: {  	v5 =	vld [tilespmem:s23+$0x40]  }
0xfd: {  	v6 =	vld [tilespmem:s23+$0x50]  }
0xfe: {  	[tilespmem:s23+$0x6070] =	vst.add.f32.msk $0xffff, v0  }
0xff: {  	v0 =	vld [tilespmem:s23+$0x60]  }
0x100: {  	[tilespmem:s23+$0x6000] =	vst.add.f32.msk $0xffff, v1  }
0x101: {  	[tilespmem:s23+$0x6010] =	vst.add.f32.msk $0xffff, v2  }
0x102: {  	[tilespmem:s23+$0x6020] =	vst.add.f32.msk $0xffff, v3  }
0x103: {  	[tilespmem:s23+$0x6030] =	vst.add.f32.msk $0xffff, v4  }
0x104: {  	[tilespmem:s23+$0x6040] =	vst.add.f32.msk $0xffff, v5  }
0x105: {  	s24 =	simm.s32 $0x0;
	s25 =	simm.s32 $0x200;
	[tilespmem:s23+$0x6050] =	vst.add.f32.msk $0xffff, v6  }
.LBB2_10:
0x106: {  	s24 =	sadd.s32 $0x80, s24;
	[tilespmem:s23+$0x6060] =	vst.add.f32.msk $0xffff, v0;
	s23 =	sshra.s32 s25, $0x2  }
0x107: {  	v0 =	vld [tilespmem:s23+$0x70];
	p0 =	slt.u32 s24, $0x5F80  }
0x108: {  	v1 =	vld [tilespmem:s23+$0x0]  }
0x109: {  	v2 =	vld [tilespmem:s23+$0x10]  }
0x10a: {  	v3 =	vld [tilespmem:s23+$0x20]  }
0x10b: {  	v4 =	vld [tilespmem:s23+$0x30]  }
0x10c: {  	[tilespmem:s23+$0x6070] =	vst.add.f32.msk $0xffff, v0  }
0x10d: {  	v5 =	vld [tilespmem:s23+$0x40]  }
0x10e: {  	v6 =	vld [tilespmem:s23+$0x50]  }
0x10f: {  	v0 =	vld [tilespmem:s23+$0x60]  }
0x110: {  	[tilespmem:s23+$0x6000] =	vst.add.f32.msk $0xffff, v1  }
.Ltmp4:
0x111: {  	[tilespmem:s23+$0x6010] =	vst.add.f32.msk $0xffff, v2;
	(pc) =	sbr.rel @p0 .LBB2_10-.Ltmp4, $4  }
0x112: {  	[tilespmem:s23+$0x6020] =	vst.add.f32.msk $0xffff, v3  }
0x113: {  	[tilespmem:s23+$0x6030] =	vst.add.f32.msk $0xffff, v4  }
0x114: {  	[tilespmem:s23+$0x6040] =	vst.add.f32.msk $0xffff, v5  }
0x115: {  	s25 =	sadd.s32 $0x200, s25;
	[tilespmem:s23+$0x6050] =	vst.add.f32.msk $0xffff, v6  }
0x116: {  	[tilespmem:s23+$0x6060] =	vst.add.f32.msk $0xffff, v0  }
0x117: {  	s23 =	simm.s32 $0x0;
	s24 =	rddreg [dreg:$0xf]  }
0x118: {  	[hbm4b:s24+s23] =	stream.linear.scatter [tilespmem:s15], [sflag:$0x3], $0x6000, $0x38;
	[tilespmem:$0x12000] =	vst v63  }
0x119: {  	_ =	swait.ge [sflag:s19], $0x6000  }
0x11a: {  	[sflag:s19] =	ssyncset.done $0x0  }
0x11b: {  	[sflag:s19] =	ssyncadd.s32 $0xFFFFA000  }
0x11c: {  	_ =	swait.ge [sflag:s21], $0x6000  }
0x11d: {  	[sflag:s21] =	ssyncset.done $0x0  }
0x11e: {  	s25 =	rddreg [dreg:$0x10];
	[sflag:s21] =	ssyncadd.s32 $0xFFFFA000  }
0x11f: {  	[tilespmem:s15], [sflag:$0x1] =	stream.linear.gather [hbm4b:s25+s23], $0x6000, $0x38;
	[tilespmem:$0x12000] =	vst v63  }
0x120: {  	s23 =	simm.s32 $0x0  }
0x121: {  	v0 =	vld [tilespmem:s23+$0x70]  }
0x122: {  	v1 =	vld [tilespmem:s23+$0x0]  }
0x123: {  	v2 =	vld [tilespmem:s23+$0x10]  }
0x124: {  	v3 =	vld [tilespmem:s23+$0x20]  }
0x125: {  	v4 =	vld [tilespmem:s23+$0x30]  }
0x126: {  	v5 =	vld [tilespmem:s23+$0x40]  }
0x127: {  	v6 =	vld [tilespmem:s23+$0x50]  }
0x128: {  	[tilespmem:s23+$0xC070] =	vst.add.f32.msk $0xffff, v0  }
0x129: {  	v0 =	vld [tilespmem:s23+$0x60]  }
0x12a: {  	[tilespmem:s23+$0xC000] =	vst.add.f32.msk $0xffff, v1  }
0x12b: {  	[tilespmem:s23+$0xC010] =	vst.add.f32.msk $0xffff, v2  }
0x12c: {  	[tilespmem:s23+$0xC020] =	vst.add.f32.msk $0xffff, v3  }
0x12d: {  	[tilespmem:s23+$0xC030] =	vst.add.f32.msk $0xffff, v4  }
0x12e: {  	[tilespmem:s23+$0xC040] =	vst.add.f32.msk $0xffff, v5  }
0x12f: {  	s24 =	simm.s32 $0x0;
	s25 =	simm.s32 $0x200;
	[tilespmem:s23+$0xC050] =	vst.add.f32.msk $0xffff, v6  }
.LBB2_12:
0x130: {  	s24 =	sadd.s32 $0x80, s24;
	[tilespmem:s23+$0xC060] =	vst.add.f32.msk $0xffff, v0;
	s23 =	sshra.s32 s25, $0x2  }
0x131: {  	v0 =	vld [tilespmem:s23+$0x70];
	p0 =	slt.u32 s24, $0x5F80  }
0x132: {  	v1 =	vld [tilespmem:s23+$0x0]  }
0x133: {  	v2 =	vld [tilespmem:s23+$0x10]  }
0x134: {  	v3 =	vld [tilespmem:s23+$0x20]  }
0x135: {  	v4 =	vld [tilespmem:s23+$0x30]  }
0x136: {  	[tilespmem:s23+$0xC070] =	vst.add.f32.msk $0xffff, v0  }
0x137: {  	v5 =	vld [tilespmem:s23+$0x40]  }
0x138: {  	v6 =	vld [tilespmem:s23+$0x50]  }
0x139: {  	v0 =	vld [tilespmem:s23+$0x60]  }
0x13a: {  	[tilespmem:s23+$0xC000] =	vst.add.f32.msk $0xffff, v1  }
.Ltmp5:
0x13b: {  	[tilespmem:s23+$0xC010] =	vst.add.f32.msk $0xffff, v2;
	(pc) =	sbr.rel @p0 .LBB2_12-.Ltmp5, $4  }
0x13c: {  	[tilespmem:s23+$0xC020] =	vst.add.f32.msk $0xffff, v3  }
0x13d: {  	[tilespmem:s23+$0xC030] =	vst.add.f32.msk $0xffff, v4  }
0x13e: {  	[tilespmem:s23+$0xC040] =	vst.add.f32.msk $0xffff, v5  }
0x13f: {  	s25 =	sadd.s32 $0x200, s25;
	[tilespmem:s23+$0xC050] =	vst.add.f32.msk $0xffff, v6  }
0x140: {  	[tilespmem:s23+$0xC060] =	vst.add.f32.msk $0xffff, v0  }
0x141: {  	s23 =	simm.s32 $0x0;
	s24 =	rddreg [dreg:$0x11]  }
0x142: {  	[hbm4b:s24+s23] =	stream.linear.scatter [tilespmem:s18], [sflag:$0x4], $0x6000, $0x38;
	[tilespmem:$0x12000] =	vst v63  }
0x143: {  	_ =	swait.ge [sflag:s17], $0x6000  }
0x144: {  	[sflag:s17] =	ssyncset.done $0x0  }
0x145: {  	[sflag:s17] =	ssyncadd.s32 $0xFFFFA000  }
0x146: {  	_ =	swait.ge [sflag:s20], $0x6000  }
0x147: {  	[sflag:s20] =	ssyncset.done $0x0  }
0x148: {  	s25 =	rddreg [dreg:$0x12];
	[sflag:s20] =	ssyncadd.s32 $0xFFFFA000  }
0x149: {  	[tilespmem:s18], [sflag:$0x2] =	stream.linear.gather [hbm4b:s25+s23], $0x6000, $0x38;
	[tilespmem:$0x12000] =	vst v63  }
0x14a: {  	s23 =	simm.s32 $0x0  }
0x14b: {  	v0 =	vld [tilespmem:s23+$0x70]  }
0x14c: {  	v1 =	vld [tilespmem:s23+$0x0]  }
0x14d: {  	v2 =	vld [tilespmem:s23+$0x10]  }
0x14e: {  	v3 =	vld [tilespmem:s23+$0x20]  }
0x14f: {  	v4 =	vld [tilespmem:s23+$0x30]  }
0x150: {  	v5 =	vld [tilespmem:s23+$0x40]  }
0x151: {  	v6 =	vld [tilespmem:s23+$0x50]  }
0x152: {  	[tilespmem:s23+$0x6070] =	vst.add.f32.msk $0xffff, v0  }
0x153: {  	v0 =	vld [tilespmem:s23+$0x60]  }
0x154: {  	[tilespmem:s23+$0x6000] =	vst.add.f32.msk $0xffff, v1  }
0x155: {  	[tilespmem:s23+$0x6010] =	vst.add.f32.msk $0xffff, v2  }
0x156: {  	[tilespmem:s23+$0x6020] =	vst.add.f32.msk $0xffff, v3  }
0x157: {  	[tilespmem:s23+$0x6030] =	vst.add.f32.msk $0xffff, v4  }
0x158: {  	[tilespmem:s23+$0x6040] =	vst.add.f32.msk $0xffff, v5  }
0x159: {  	s24 =	simm.s32 $0x0;
	s25 =	simm.s32 $0x200;
	[tilespmem:s23+$0x6050] =	vst.add.f32.msk $0xffff, v6  }
.LBB2_14:
0x15a: {  	s24 =	sadd.s32 $0x80, s24;
	[tilespmem:s23+$0x6060] =	vst.add.f32.msk $0xffff, v0;
	s23 =	sshra.s32 s25, $0x2  }
0x15b: {  	v0 =	vld [tilespmem:s23+$0x70];
	p0 =	slt.u32 s24, $0x5F80  }
0x15c: {  	v1 =	vld [tilespmem:s23+$0x0]  }
0x15d: {  	v2 =	vld [tilespmem:s23+$0x10]  }
0x15e: {  	v3 =	vld [tilespmem:s23+$0x20]  }
0x15f: {  	v4 =	vld [tilespmem:s23+$0x30]  }
0x160: {  	[tilespmem:s23+$0x6070] =	vst.add.f32.msk $0xffff, v0  }
0x161: {  	v5 =	vld [tilespmem:s23+$0x40]  }
0x162: {  	v6 =	vld [tilespmem:s23+$0x50]  }
0x163: {  	v0 =	vld [tilespmem:s23+$0x60]  }
0x164: {  	[tilespmem:s23+$0x6000] =	vst.add.f32.msk $0xffff, v1  }
.Ltmp6:
0x165: {  	[tilespmem:s23+$0x6010] =	vst.add.f32.msk $0xffff, v2;
	(pc) =	sbr.rel @p0 .LBB2_14-.Ltmp6, $4  }
0x166: {  	[tilespmem:s23+$0x6020] =	vst.add.f32.msk $0xffff, v3  }
0x167: {  	[tilespmem:s23+$0x6030] =	vst.add.f32.msk $0xffff, v4  }
0x168: {  	[tilespmem:s23+$0x6040] =	vst.add.f32.msk $0xffff, v5  }
0x169: {  	s25 =	sadd.s32 $0x200, s25;
	[tilespmem:s23+$0x6050] =	vst.add.f32.msk $0xffff, v6  }
0x16a: {  	[tilespmem:s23+$0x6060] =	vst.add.f32.msk $0xffff, v0  }
0x16b: {  	s23 =	simm.s32 $0x0;
	s24 =	rddreg [dreg:$0x13]  }
0x16c: {  	[hbm4b:s24+s23] =	stream.linear.scatter [tilespmem:s15], [sflag:$0x3], $0x6000, $0x38;
	[tilespmem:$0x12000] =	vst v63  }
0x16d: {  	_ =	swait.ge [sflag:s19], $0x6000  }
0x16e: {  	[sflag:s19] =	ssyncset.done $0x0  }
0x16f: {  	[sflag:s19] =	ssyncadd.s32 $0xFFFFA000  }
0x170: {  	_ =	swait.ge [sflag:s21], $0x6000  }
0x171: {  	[sflag:s21] =	ssyncset.done $0x0  }
0x172: {  	s25 =	rddreg [dreg:$0x15];
	[sflag:s21] =	ssyncadd.s32 $0xFFFFA000  }
0x173: {  	[tilespmem:s15], [sflag:$0x1] =	stream.linear.gather [hbm4b:s25+s23], $0x6000, $0x38;
	[tilespmem:$0x12000] =	vst v63  }
0x174: {  	s23 =	simm.s32 $0x0  }
0x175: {  	v0 =	vld [tilespmem:s23+$0x70]  }
0x176: {  	v1 =	vld [tilespmem:s23+$0x0]  }
0x177: {  	v2 =	vld [tilespmem:s23+$0x10]  }
0x178: {  	v3 =	vld [tilespmem:s23+$0x20]  }
0x179: {  	v4 =	vld [tilespmem:s23+$0x30]  }
0x17a: {  	v5 =	vld [tilespmem:s23+$0x40]  }
0x17b: {  	v6 =	vld [tilespmem:s23+$0x50]  }
0x17c: {  	[tilespmem:s23+$0xC070] =	vst.add.f32.msk $0xffff, v0  }
0x17d: {  	v0 =	vld [tilespmem:s23+$0x60]  }
0x17e: {  	[tilespmem:s23+$0xC000] =	vst.add.f32.msk $0xffff, v1  }
0x17f: {  	[tilespmem:s23+$0xC010] =	vst.add.f32.msk $0xffff, v2  }
0x180: {  	[tilespmem:s23+$0xC020] =	vst.add.f32.msk $0xffff, v3  }
0x181: {  	[tilespmem:s23+$0xC030] =	vst.add.f32.msk $0xffff, v4  }
0x182: {  	[tilespmem:s23+$0xC040] =	vst.add.f32.msk $0xffff, v5  }
0x183: {  	s24 =	simm.s32 $0x0;
	s25 =	simm.s32 $0x200;
	[tilespmem:s23+$0xC050] =	vst.add.f32.msk $0xffff, v6  }
.LBB2_16:
0x184: {  	s24 =	sadd.s32 $0x80, s24;
	[tilespmem:s23+$0xC060] =	vst.add.f32.msk $0xffff, v0;
	s23 =	sshra.s32 s25, $0x2  }
0x185: {  	v0 =	vld [tilespmem:s23+$0x70];
	p0 =	slt.u32 s24, $0x5F80  }
0x186: {  	v1 =	vld [tilespmem:s23+$0x0]  }
0x187: {  	v2 =	vld [tilespmem:s23+$0x10]  }
0x188: {  	v3 =	vld [tilespmem:s23+$0x20]  }
0x189: {  	v4 =	vld [tilespmem:s23+$0x30]  }
0x18a: {  	[tilespmem:s23+$0xC070] =	vst.add.f32.msk $0xffff, v0  }
0x18b: {  	v5 =	vld [tilespmem:s23+$0x40]  }
0x18c: {  	v6 =	vld [tilespmem:s23+$0x50]  }
0x18d: {  	v0 =	vld [tilespmem:s23+$0x60]  }
0x18e: {  	[tilespmem:s23+$0xC000] =	vst.add.f32.msk $0xffff, v1  }
.Ltmp7:
0x18f: {  	[tilespmem:s23+$0xC010] =	vst.add.f32.msk $0xffff, v2;
	(pc) =	sbr.rel @p0 .LBB2_16-.Ltmp7, $4  }
0x190: {  	[tilespmem:s23+$0xC020] =	vst.add.f32.msk $0xffff, v3  }
0x191: {  	[tilespmem:s23+$0xC030] =	vst.add.f32.msk $0xffff, v4  }
0x192: {  	[tilespmem:s23+$0xC040] =	vst.add.f32.msk $0xffff, v5  }
0x193: {  	s25 =	sadd.s32 $0x200, s25;
	[tilespmem:s23+$0xC050] =	vst.add.f32.msk $0xffff, v6  }
0x194: {  	[tilespmem:s23+$0xC060] =	vst.add.f32.msk $0xffff, v0  }
0x195: {  	s23 =	simm.s32 $0x0;
	s24 =	rddreg [dreg:$0x14]  }
0x196: {  	[hbm4b:s24+s23] =	stream.linear.scatter [tilespmem:s18], [sflag:$0x4], $0x6000, $0x38;
	[tilespmem:$0x12000] =	vst v63  }
0x197: {  	s25 =	rddreg [dreg:$0x16]  }
0x198: {  	[tilespmem:s23], [sflag:$0x5] =	stream.linear.gather [hbm4b:s25+s23], $0x6000, $0x38;
	[tilespmem:$0x12000] =	vst v63  }
0x199: {  	_ =	swait.ge [sflag:s16], $0x6000  }
0x19a: {  	[sflag:s16] =	ssyncset.done $0x0  }
0x19b: {  	[sflag:s16] =	ssyncadd.s32 $0xFFFFA000  }
0x19c: {  	_ =	swait.ge [sflag:s17], $0x6000  }
0x19d: {  	[sflag:s17] =	ssyncset.done $0x0  }
0x19e: {  	[sflag:s17] =	ssyncadd.s32 $0xFFFFA000  }
0x19f: {  	_ =	swait.ge [sflag:s20], $0x6000  }
0x1a0: {  	[sflag:s20] =	ssyncset.done $0x0  }
0x1a1: {  	s25 =	rddreg [dreg:$0x18];
	[sflag:s20] =	ssyncadd.s32 $0xFFFFA000  }
0x1a2: {  	[tilespmem:s18], [sflag:$0x2] =	stream.linear.gather [hbm4b:s25+s23], $0x6000, $0x38;
	[tilespmem:$0x12000] =	vst v63  }
0x1a3: {  	s23 =	simm.s32 $0x0  }
0x1a4: {  	v0 =	vld [tilespmem:s23+$0x70]  }
0x1a5: {  	v1 =	vld [tilespmem:s23+$0x0]  }
0x1a6: {  	v2 =	vld [tilespmem:s23+$0x10]  }
0x1a7: {  	v3 =	vld [tilespmem:s23+$0x20]  }
0x1a8: {  	v4 =	vld [tilespmem:s23+$0x30]  }
0x1a9: {  	v5 =	vld [tilespmem:s23+$0x40]  }
0x1aa: {  	v6 =	vld [tilespmem:s23+$0x50]  }
0x1ab: {  	[tilespmem:s23+$0x6070] =	vst.add.f32.msk $0xffff, v0  }
0x1ac: {  	v0 =	vld [tilespmem:s23+$0x60]  }
0x1ad: {  	[tilespmem:s23+$0x6000] =	vst.add.f32.msk $0xffff, v1  }
0x1ae: {  	[tilespmem:s23+$0x6010] =	vst.add.f32.msk $0xffff, v2  }
0x1af: {  	[tilespmem:s23+$0x6020] =	vst.add.f32.msk $0xffff, v3  }
0x1b0: {  	[tilespmem:s23+$0x6030] =	vst.add.f32.msk $0xffff, v4  }
0x1b1: {  	[tilespmem:s23+$0x6040] =	vst.add.f32.msk $0xffff, v5  }
0x1b2: {  	s24 =	simm.s32 $0x0;
	s25 =	simm.s32 $0x200;
	[tilespmem:s23+$0x6050] =	vst.add.f32.msk $0xffff, v6  }
.LBB2_18:
0x1b3: {  	s24 =	sadd.s32 $0x80, s24;
	[tilespmem:s23+$0x6060] =	vst.add.f32.msk $0xffff, v0;
	s23 =	sshra.s32 s25, $0x2  }
0x1b4: {  	v0 =	vld [tilespmem:s23+$0x70];
	p0 =	slt.u32 s24, $0x5F80  }
0x1b5: {  	v1 =	vld [tilespmem:s23+$0x0]  }
0x1b6: {  	v2 =	vld [tilespmem:s23+$0x10]  }
0x1b7: {  	v3 =	vld [tilespmem:s23+$0x20]  }
0x1b8: {  	v4 =	vld [tilespmem:s23+$0x30]  }
0x1b9: {  	[tilespmem:s23+$0x6070] =	vst.add.f32.msk $0xffff, v0  }
0x1ba: {  	v5 =	vld [tilespmem:s23+$0x40]  }
0x1bb: {  	v6 =	vld [tilespmem:s23+$0x50]  }
0x1bc: {  	v0 =	vld [tilespmem:s23+$0x60]  }
0x1bd: {  	[tilespmem:s23+$0x6000] =	vst.add.f32.msk $0xffff, v1  }
.Ltmp8:
0x1be: {  	[tilespmem:s23+$0x6010] =	vst.add.f32.msk $0xffff, v2;
	(pc) =	sbr.rel @p0 .LBB2_18-.Ltmp8, $4  }
0x1bf: {  	[tilespmem:s23+$0x6020] =	vst.add.f32.msk $0xffff, v3  }
0x1c0: {  	[tilespmem:s23+$0x6030] =	vst.add.f32.msk $0xffff, v4  }
0x1c1: {  	[tilespmem:s23+$0x6040] =	vst.add.f32.msk $0xffff, v5  }
0x1c2: {  	s25 =	sadd.s32 $0x200, s25;
	[tilespmem:s23+$0x6050] =	vst.add.f32.msk $0xffff, v6  }
0x1c3: {  	[tilespmem:s23+$0x6060] =	vst.add.f32.msk $0xffff, v0  }
0x1c4: {  	s23 =	simm.s32 $0x0;
	s24 =	rddreg [dreg:$0x17]  }
0x1c5: {  	[hbm4b:s24+s23] =	stream.linear.scatter [tilespmem:s15], [sflag:$0x3], $0x6000, $0x38;
	[tilespmem:$0x12000] =	vst v63  }
0x1c6: {  	_ =	swait.ge [sflag:s19], $0x6000  }
0x1c7: {  	[sflag:s19] =	ssyncset.done $0x0  }
0x1c8: {  	[sflag:s19] =	ssyncadd.s32 $0xFFFFA000  }
0x1c9: {  	_ =	swait.ge [sflag:s21], $0x6000  }
0x1ca: {  	[sflag:s21] =	ssyncset.done $0x0  }
0x1cb: {  	s25 =	rddreg [dreg:$0x1a];
	[sflag:s21] =	ssyncadd.s32 $0xFFFFA000  }
0x1cc: {  	[tilespmem:s15], [sflag:$0x1] =	stream.linear.gather [hbm4b:s25+s23], $0x6000, $0x38;
	[tilespmem:$0x12000] =	vst v63  }
0x1cd: {  	s23 =	simm.s32 $0x0  }
0x1ce: {  	v0 =	vld [tilespmem:s23+$0x70]  }
0x1cf: {  	v1 =	vld [tilespmem:s23+$0x0]  }
0x1d0: {  	v2 =	vld [tilespmem:s23+$0x10]  }
0x1d1: {  	v3 =	vld [tilespmem:s23+$0x20]  }
0x1d2: {  	v4 =	vld [tilespmem:s23+$0x30]  }
0x1d3: {  	v5 =	vld [tilespmem:s23+$0x40]  }
0x1d4: {  	v6 =	vld [tilespmem:s23+$0x50]  }
0x1d5: {  	[tilespmem:s23+$0xC070] =	vst.add.f32.msk $0xffff, v0  }
0x1d6: {  	v0 =	vld [tilespmem:s23+$0x60]  }
0x1d7: {  	[tilespmem:s23+$0xC000] =	vst.add.f32.msk $0xffff, v1  }
0x1d8: {  	[tilespmem:s23+$0xC010] =	vst.add.f32.msk $0xffff, v2  }
0x1d9: {  	[tilespmem:s23+$0xC020] =	vst.add.f32.msk $0xffff, v3  }
0x1da: {  	[tilespmem:s23+$0xC030] =	vst.add.f32.msk $0xffff, v4  }
0x1db: {  	[tilespmem:s23+$0xC040] =	vst.add.f32.msk $0xffff, v5  }
0x1dc: {  	s24 =	simm.s32 $0x0;
	s25 =	simm.s32 $0x200;
	[tilespmem:s23+$0xC050] =	vst.add.f32.msk $0xffff, v6  }
.LBB2_20:
0x1dd: {  	s24 =	sadd.s32 $0x80, s24;
	[tilespmem:s23+$0xC060] =	vst.add.f32.msk $0xffff, v0;
	s23 =	sshra.s32 s25, $0x2  }
0x1de: {  	v0 =	vld [tilespmem:s23+$0x70];
	p0 =	slt.u32 s24, $0x5F80  }
0x1df: {  	v1 =	vld [tilespmem:s23+$0x0]  }
0x1e0: {  	v2 =	vld [tilespmem:s23+$0x10]  }
0x1e1: {  	v3 =	vld [tilespmem:s23+$0x20]  }
0x1e2: {  	v4 =	vld [tilespmem:s23+$0x30]  }
0x1e3: {  	[tilespmem:s23+$0xC070] =	vst.add.f32.msk $0xffff, v0  }
0x1e4: {  	v5 =	vld [tilespmem:s23+$0x40]  }
0x1e5: {  	v6 =	vld [tilespmem:s23+$0x50]  }
0x1e6: {  	v0 =	vld [tilespmem:s23+$0x60]  }
0x1e7: {  	[tilespmem:s23+$0xC000] =	vst.add.f32.msk $0xffff, v1  }
.Ltmp9:
0x1e8: {  	[tilespmem:s23+$0xC010] =	vst.add.f32.msk $0xffff, v2;
	(pc) =	sbr.rel @p0 .LBB2_20-.Ltmp9, $4  }
0x1e9: {  	[tilespmem:s23+$0xC020] =	vst.add.f32.msk $0xffff, v3  }
0x1ea: {  	[tilespmem:s23+$0xC030] =	vst.add.f32.msk $0xffff, v4  }
0x1eb: {  	[tilespmem:s23+$0xC040] =	vst.add.f32.msk $0xffff, v5  }
0x1ec: {  	s25 =	sadd.s32 $0x200, s25;
	[tilespmem:s23+$0xC050] =	vst.add.f32.msk $0xffff, v6  }
0x1ed: {  	[tilespmem:s23+$0xC060] =	vst.add.f32.msk $0xffff, v0  }
0x1ee: {  	s23 =	simm.s32 $0x0;
	s24 =	rddreg [dreg:$0x19]  }
0x1ef: {  	[hbm4b:s24+s23] =	stream.linear.scatter [tilespmem:s18], [sflag:$0x4], $0x6000, $0x38;
	[tilespmem:$0x12000] =	vst v63  }
0x1f0: {  	_ =	swait.ge [sflag:s17], $0x6000  }
0x1f1: {  	[sflag:s17] =	ssyncset.done $0x0  }
0x1f2: {  	[sflag:s17] =	ssyncadd.s32 $0xFFFFA000  }
0x1f3: {  	_ =	swait.ge [sflag:s20], $0x6000  }
0x1f4: {  	[sflag:s20] =	ssyncset.done $0x0  }
0x1f5: {  	s25 =	rddreg [dreg:$0x1c];
	[sflag:s20] =	ssyncadd.s32 $0xFFFFA000  }
0x1f6: {  	[tilespmem:s18], [sflag:$0x2] =	stream.linear.gather [hbm4b:s25+s23], $0x6000, $0x38;
	[tilespmem:$0x12000] =	vst v63  }
0x1f7: {  	s23 =	simm.s32 $0x0  }
0x1f8: {  	v0 =	vld [tilespmem:s23+$0x70]  }
0x1f9: {  	v1 =	vld [tilespmem:s23+$0x0]  }
0x1fa: {  	v2 =	vld [tilespmem:s23+$0x10]  }
0x1fb: {  	v3 =	vld [tilespmem:s23+$0x20]  }
0x1fc: {  	v4 =	vld [tilespmem:s23+$0x30]  }
0x1fd: {  	v5 =	vld [tilespmem:s23+$0x40]  }
0x1fe: {  	v6 =	vld [tilespmem:s23+$0x50]  }
0x1ff: {  	[tilespmem:s23+$0x6070] =	vst.add.f32.msk $0xffff, v0  }
0x200: {  	v0 =	vld [tilespmem:s23+$0x60]  }
0x201: {  	[tilespmem:s23+$0x6000] =	vst.add.f32.msk $0xffff, v1  }
0x202: {  	[tilespmem:s23+$0x6010] =	vst.add.f32.msk $0xffff, v2  }
0x203: {  	[tilespmem:s23+$0x6020] =	vst.add.f32.msk $0xffff, v3  }
0x204: {  	[tilespmem:s23+$0x6030] =	vst.add.f32.msk $0xffff, v4  }
0x205: {  	[tilespmem:s23+$0x6040] =	vst.add.f32.msk $0xffff, v5  }
0x206: {  	s24 =	simm.s32 $0x0;
	s25 =	simm.s32 $0x200;
	[tilespmem:s23+$0x6050] =	vst.add.f32.msk $0xffff, v6  }
.LBB2_22:
0x207: {  	s24 =	sadd.s32 $0x80, s24;
	[tilespmem:s23+$0x6060] =	vst.add.f32.msk $0xffff, v0;
	s23 =	sshra.s32 s25, $0x2  }
0x208: {  	v0 =	vld [tilespmem:s23+$0x70];
	p0 =	slt.u32 s24, $0x5F80  }
0x209: {  	v1 =	vld [tilespmem:s23+$0x0]  }
0x20a: {  	v2 =	vld [tilespmem:s23+$0x10]  }
0x20b: {  	v3 =	vld [tilespmem:s23+$0x20]  }
0x20c: {  	v4 =	vld [tilespmem:s23+$0x30]  }
0x20d: {  	[tilespmem:s23+$0x6070] =	vst.add.f32.msk $0xffff, v0  }
0x20e: {  	v5 =	vld [tilespmem:s23+$0x40]  }
0x20f: {  	v6 =	vld [tilespmem:s23+$0x50]  }
0x210: {  	v0 =	vld [tilespmem:s23+$0x60]  }
0x211: {  	[tilespmem:s23+$0x6000] =	vst.add.f32.msk $0xffff, v1  }
.Ltmp10:
0x212: {  	[tilespmem:s23+$0x6010] =	vst.add.f32.msk $0xffff, v2;
	(pc) =	sbr.rel @p0 .LBB2_22-.Ltmp10, $4  }
0x213: {  	[tilespmem:s23+$0x6020] =	vst.add.f32.msk $0xffff, v3  }
0x214: {  	[tilespmem:s23+$0x6030] =	vst.add.f32.msk $0xffff, v4  }
0x215: {  	[tilespmem:s23+$0x6040] =	vst.add.f32.msk $0xffff, v5  }
0x216: {  	s25 =	sadd.s32 $0x200, s25;
	[tilespmem:s23+$0x6050] =	vst.add.f32.msk $0xffff, v6  }
0x217: {  	[tilespmem:s23+$0x6060] =	vst.add.f32.msk $0xffff, v0  }
0x218: {  	s23 =	simm.s32 $0x0;
	s24 =	rddreg [dreg:$0x1b]  }
0x219: {  	[hbm4b:s24+s23] =	stream.linear.scatter [tilespmem:s15], [sflag:$0x3], $0x6000, $0x38;
	[tilespmem:$0x12000] =	vst v63  }
0x21a: {  	_ =	swait.ge [sflag:s19], $0x6000  }
0x21b: {  	[sflag:s19] =	ssyncset.done $0x0  }
0x21c: {  	[sflag:s19] =	ssyncadd.s32 $0xFFFFA000  }
0x21d: {  	_ =	swait.ge [sflag:s21], $0x6000  }
0x21e: {  	[sflag:s21] =	ssyncset.done $0x0  }
0x21f: {  	s25 =	rddreg [dreg:$0x1e];
	[sflag:s21] =	ssyncadd.s32 $0xFFFFA000  }
0x220: {  	[tilespmem:s15], [sflag:$0x1] =	stream.linear.gather [hbm4b:s25+s23], $0x6000, $0x38;
	[tilespmem:$0x12000] =	vst v63  }
0x221: {  	s23 =	simm.s32 $0x0  }
0x222: {  	v0 =	vld [tilespmem:s23+$0x70]  }
0x223: {  	v1 =	vld [tilespmem:s23+$0x0]  }
0x224: {  	v2 =	vld [tilespmem:s23+$0x10]  }
0x225: {  	v3 =	vld [tilespmem:s23+$0x20]  }
0x226: {  	v4 =	vld [tilespmem:s23+$0x30]  }
0x227: {  	v5 =	vld [tilespmem:s23+$0x40]  }
0x228: {  	v6 =	vld [tilespmem:s23+$0x50]  }
0x229: {  	[tilespmem:s23+$0xC070] =	vst.add.f32.msk $0xffff, v0  }
0x22a: {  	v0 =	vld [tilespmem:s23+$0x60]  }
0x22b: {  	[tilespmem:s23+$0xC000] =	vst.add.f32.msk $0xffff, v1  }
0x22c: {  	[tilespmem:s23+$0xC010] =	vst.add.f32.msk $0xffff, v2  }
0x22d: {  	[tilespmem:s23+$0xC020] =	vst.add.f32.msk $0xffff, v3  }
0x22e: {  	[tilespmem:s23+$0xC030] =	vst.add.f32.msk $0xffff, v4  }
0x22f: {  	[tilespmem:s23+$0xC040] =	vst.add.f32.msk $0xffff, v5  }
0x230: {  	s24 =	simm.s32 $0x0;
	s25 =	simm.s32 $0x200;
	[tilespmem:s23+$0xC050] =	vst.add.f32.msk $0xffff, v6  }
.LBB2_24:
0x231: {  	s24 =	sadd.s32 $0x80, s24;
	[tilespmem:s23+$0xC060] =	vst.add.f32.msk $0xffff, v0;
	s23 =	sshra.s32 s25, $0x2  }
0x232: {  	v0 =	vld [tilespmem:s23+$0x70];
	p0 =	slt.u32 s24, $0x5F80  }
0x233: {  	v1 =	vld [tilespmem:s23+$0x0]  }
0x234: {  	v2 =	vld [tilespmem:s23+$0x10]  }
0x235: {  	v3 =	vld [tilespmem:s23+$0x20]  }
0x236: {  	v4 =	vld [tilespmem:s23+$0x30]  }
0x237: {  	[tilespmem:s23+$0xC070] =	vst.add.f32.msk $0xffff, v0  }
0x238: {  	v5 =	vld [tilespmem:s23+$0x40]  }
0x239: {  	v6 =	vld [tilespmem:s23+$0x50]  }
0x23a: {  	v0 =	vld [tilespmem:s23+$0x60]  }
0x23b: {  	[tilespmem:s23+$0xC000] =	vst.add.f32.msk $0xffff, v1  }
.Ltmp11:
0x23c: {  	[tilespmem:s23+$0xC010] =	vst.add.f32.msk $0xffff, v2;
	(pc) =	sbr.rel @p0 .LBB2_24-.Ltmp11, $4  }
0x23d: {  	[tilespmem:s23+$0xC020] =	vst.add.f32.msk $0xffff, v3  }
0x23e: {  	[tilespmem:s23+$0xC030] =	vst.add.f32.msk $0xffff, v4  }
0x23f: {  	[tilespmem:s23+$0xC040] =	vst.add.f32.msk $0xffff, v5  }
0x240: {  	s25 =	sadd.s32 $0x200, s25;
	[tilespmem:s23+$0xC050] =	vst.add.f32.msk $0xffff, v6  }
0x241: {  	[tilespmem:s23+$0xC060] =	vst.add.f32.msk $0xffff, v0  }
0x242: {  	s23 =	simm.s32 $0x0;
	s24 =	rddreg [dreg:$0x1d]  }
0x243: {  	[hbm4b:s24+s23] =	stream.linear.scatter [tilespmem:s18], [sflag:$0x4], $0x6000, $0x38;
	[tilespmem:$0x12000] =	vst v63  }
0x244: {  	s25 =	rddreg [dreg:$0x1f]  }
0x245: {  	[tilespmem:s23], [sflag:$0x5] =	stream.linear.gather [hbm4b:s25+s23], $0x6000, $0x38;
	[tilespmem:$0x12000] =	vst v63  }
0x246: {  	_ =	swait.ge [sflag:s16], $0x6000  }
0x247: {  	[sflag:s16] =	ssyncset.done $0x0  }
0x248: {  	[sflag:s16] =	ssyncadd.s32 $0xFFFFA000  }
0x249: {  	_ =	swait.ge [sflag:s17], $0x6000  }
0x24a: {  	[sflag:s17] =	ssyncset.done $0x0  }
0x24b: {  	[sflag:s17] =	ssyncadd.s32 $0xFFFFA000  }
0x24c: {  	_ =	swait.ge [sflag:s20], $0x6000  }
0x24d: {  	s25 =	sld [smem:$0x7E6]  }
0x24e: {  	[sflag:s20] =	ssyncset.done $0x0  }
0x24f: {  	[sflag:s20] =	ssyncadd.s32 $0xFFFFA000  }
0x250: {  	[tilespmem:s18], [sflag:$0x2] =	stream.linear.gather [hbm4b:s25+s23], $0x6000, $0x38;
	[tilespmem:$0x12000] =	vst v63  }
0x251: {  	s23 =	simm.s32 $0x0  }
0x252: {  	v0 =	vld [tilespmem:s23+$0x70]  }
0x253: {  	v1 =	vld [tilespmem:s23+$0x0]  }
0x254: {  	v2 =	vld [tilespmem:s23+$0x10]  }
0x255: {  	v3 =	vld [tilespmem:s23+$0x20]  }
0x256: {  	v4 =	vld [tilespmem:s23+$0x30]  }
0x257: {  	v5 =	vld [tilespmem:s23+$0x40]  }
0x258: {  	v6 =	vld [tilespmem:s23+$0x50]  }
0x259: {  	[tilespmem:s23+$0x6070] =	vst.add.f32.msk $0xffff, v0  }
0x25a: {  	v0 =	vld [tilespmem:s23+$0x60]  }
0x25b: {  	[tilespmem:s23+$0x6000] =	vst.add.f32.msk $0xffff, v1  }
0x25c: {  	[tilespmem:s23+$0x6010] =	vst.add.f32.msk $0xffff, v2  }
0x25d: {  	[tilespmem:s23+$0x6020] =	vst.add.f32.msk $0xffff, v3  }
0x25e: {  	[tilespmem:s23+$0x6030] =	vst.add.f32.msk $0xffff, v4  }
0x25f: {  	[tilespmem:s23+$0x6040] =	vst.add.f32.msk $0xffff, v5  }
0x260: {  	s24 =	simm.s32 $0x0;
	s25 =	simm.s32 $0x200;
	[tilespmem:s23+$0x6050] =	vst.add.f32.msk $0xffff, v6  }
.LBB2_26:
0x261: {  	s24 =	sadd.s32 $0x80, s24;
	[tilespmem:s23+$0x6060] =	vst.add.f32.msk $0xffff, v0;
	s23 =	sshra.s32 s25, $0x2  }
0x262: {  	v0 =	vld [tilespmem:s23+$0x70];
	p0 =	slt.u32 s24, $0x5F80  }
0x263: {  	v1 =	vld [tilespmem:s23+$0x0]  }
0x264: {  	v2 =	vld [tilespmem:s23+$0x10]  }
0x265: {  	v3 =	vld [tilespmem:s23+$0x20]  }
0x266: {  	v4 =	vld [tilespmem:s23+$0x30]  }
0x267: {  	[tilespmem:s23+$0x6070] =	vst.add.f32.msk $0xffff, v0  }
0x268: {  	v5 =	vld [tilespmem:s23+$0x40]  }
0x269: {  	v6 =	vld [tilespmem:s23+$0x50]  }
0x26a: {  	v0 =	vld [tilespmem:s23+$0x60]  }
0x26b: {  	[tilespmem:s23+$0x6000] =	vst.add.f32.msk $0xffff, v1  }
.Ltmp12:
0x26c: {  	[tilespmem:s23+$0x6010] =	vst.add.f32.msk $0xffff, v2;
	(pc) =	sbr.rel @p0 .LBB2_26-.Ltmp12, $4  }
0x26d: {  	[tilespmem:s23+$0x6020] =	vst.add.f32.msk $0xffff, v3  }
0x26e: {  	[tilespmem:s23+$0x6030] =	vst.add.f32.msk $0xffff, v4  }
0x26f: {  	[tilespmem:s23+$0x6040] =	vst.add.f32.msk $0xffff, v5  }
0x270: {  	s25 =	sadd.s32 $0x200, s25;
	[tilespmem:s23+$0x6050] =	vst.add.f32.msk $0xffff, v6  }
0x271: {  	[tilespmem:s23+$0x6060] =	vst.add.f32.msk $0xffff, v0  }
0x272: {  	s24 =	sld [smem:$0x7E5];
	_ =	sdelay $0x1  }
0x273: {  	s23 =	simm.s32 $0x0  }
0x274: {  	[hbm4b:s24+s23] =	stream.linear.scatter [tilespmem:s15], [sflag:$0x3], $0x6000, $0x38;
	[tilespmem:$0x12000] =	vst v63  }
0x275: {  	_ =	swait.ge [sflag:s19], $0x6000  }
0x276: {  	[sflag:s19] =	ssyncset.done $0x0  }
0x277: {  	[sflag:s19] =	ssyncadd.s32 $0xFFFFA000  }
0x278: {  	_ =	swait.ge [sflag:s21], $0x6000  }
0x279: {  	s25 =	sld [smem:$0x7E8]  }
0x27a: {  	[sflag:s21] =	ssyncset.done $0x0  }
0x27b: {  	[sflag:s21] =	ssyncadd.s32 $0xFFFFA000  }
0x27c: {  	[tilespmem:s15], [sflag:$0x1] =	stream.linear.gather [hbm4b:s25+s23], $0x6000, $0x38;
	[tilespmem:$0x12000] =	vst v63  }
0x27d: {  	s23 =	simm.s32 $0x0  }
0x27e: {  	v0 =	vld [tilespmem:s23+$0x70]  }
0x27f: {  	v1 =	vld [tilespmem:s23+$0x0]  }
0x280: {  	v2 =	vld [tilespmem:s23+$0x10]  }
0x281: {  	v3 =	vld [tilespmem:s23+$0x20]  }
0x282: {  	v4 =	vld [tilespmem:s23+$0x30]  }
0x283: {  	v5 =	vld [tilespmem:s23+$0x40]  }
0x284: {  	v6 =	vld [tilespmem:s23+$0x50]  }
0x285: {  	[tilespmem:s23+$0xC070] =	vst.add.f32.msk $0xffff, v0  }
0x286: {  	v0 =	vld [tilespmem:s23+$0x60]  }
0x287: {  	[tilespmem:s23+$0xC000] =	vst.add.f32.msk $0xffff, v1  }
0x288: {  	[tilespmem:s23+$0xC010] =	vst.add.f32.msk $0xffff, v2  }
0x289: {  	[tilespmem:s23+$0xC020] =	vst.add.f32.msk $0xffff, v3  }
0x28a: {  	[tilespmem:s23+$0xC030] =	vst.add.f32.msk $0xffff, v4  }
0x28b: {  	[tilespmem:s23+$0xC040] =	vst.add.f32.msk $0xffff, v5  }
0x28c: {  	s24 =	simm.s32 $0x0;
	s25 =	simm.s32 $0x200;
	[tilespmem:s23+$0xC050] =	vst.add.f32.msk $0xffff, v6  }
.LBB2_28:
0x28d: {  	s24 =	sadd.s32 $0x80, s24;
	[tilespmem:s23+$0xC060] =	vst.add.f32.msk $0xffff, v0;
	s23 =	sshra.s32 s25, $0x2  }
0x28e: {  	v0 =	vld [tilespmem:s23+$0x70];
	p0 =	slt.u32 s24, $0x5F80  }
0x28f: {  	v1 =	vld [tilespmem:s23+$0x0]  }
0x290: {  	v2 =	vld [tilespmem:s23+$0x10]  }
0x291: {  	v3 =	vld [tilespmem:s23+$0x20]  }
0x292: {  	v4 =	vld [tilespmem:s23+$0x30]  }
0x293: {  	[tilespmem:s23+$0xC070] =	vst.add.f32.msk $0xffff, v0  }
0x294: {  	v5 =	vld [tilespmem:s23+$0x40]  }
0x295: {  	v6 =	vld [tilespmem:s23+$0x50]  }
0x296: {  	v0 =	vld [tilespmem:s23+$0x60]  }
0x297: {  	[tilespmem:s23+$0xC000] =	vst.add.f32.msk $0xffff, v1  }
.Ltmp13:
0x298: {  	[tilespmem:s23+$0xC010] =	vst.add.f32.msk $0xffff, v2;
	(pc) =	sbr.rel @p0 .LBB2_28-.Ltmp13, $4  }
0x299: {  	[tilespmem:s23+$0xC020] =	vst.add.f32.msk $0xffff, v3  }
0x29a: {  	[tilespmem:s23+$0xC030] =	vst.add.f32.msk $0xffff, v4  }
0x29b: {  	[tilespmem:s23+$0xC040] =	vst.add.f32.msk $0xffff, v5  }
0x29c: {  	s25 =	sadd.s32 $0x200, s25;
	[tilespmem:s23+$0xC050] =	vst.add.f32.msk $0xffff, v6  }
0x29d: {  	[tilespmem:s23+$0xC060] =	vst.add.f32.msk $0xffff, v0  }
0x29e: {  	s24 =	sld [smem:$0x7E7];
	_ =	sdelay $0x1  }
0x29f: {  	s23 =	simm.s32 $0x0  }
0x2a0: {  	[hbm4b:s24+s23] =	stream.linear.scatter [tilespmem:s18], [sflag:$0x4], $0x6000, $0x38;
	[tilespmem:$0x12000] =	vst v63  }
0x2a1: {  	_ =	swait.ge [sflag:s17], $0x6000  }
0x2a2: {  	[sflag:s17] =	ssyncset.done $0x0  }
0x2a3: {  	[sflag:s17] =	ssyncadd.s32 $0xFFFFA000  }
0x2a4: {  	_ =	swait.ge [sflag:s20], $0x6000  }
0x2a5: {  	s25 =	sld [smem:$0x7EA]  }
0x2a6: {  	[sflag:s20] =	ssyncset.done $0x0  }
0x2a7: {  	[sflag:s20] =	ssyncadd.s32 $0xFFFFA000  }
0x2a8: {  	[tilespmem:s18], [sflag:$0x2] =	stream.linear.gather [hbm4b:s25+s23], $0x6000, $0x38;
	[tilespmem:$0x12000] =	vst v63  }
0x2a9: {  	s23 =	simm.s32 $0x0  }
0x2aa: {  	v0 =	vld [tilespmem:s23+$0x70]  }
0x2ab: {  	v1 =	vld [tilespmem:s23+$0x0]  }
0x2ac: {  	v2 =	vld [tilespmem:s23+$0x10]  }
0x2ad: {  	v3 =	vld [tilespmem:s23+$0x20]  }
0x2ae: {  	v4 =	vld [tilespmem:s23+$0x30]  }
0x2af: {  	v5 =	vld [tilespmem:s23+$0x40]  }
0x2b0: {  	v6 =	vld [tilespmem:s23+$0x50]  }
0x2b1: {  	[tilespmem:s23+$0x6070] =	vst.add.f32.msk $0xffff, v0  }
0x2b2: {  	v0 =	vld [tilespmem:s23+$0x60]  }
0x2b3: {  	[tilespmem:s23+$0x6000] =	vst.add.f32.msk $0xffff, v1  }
0x2b4: {  	[tilespmem:s23+$0x6010] =	vst.add.f32.msk $0xffff, v2  }
0x2b5: {  	[tilespmem:s23+$0x6020] =	vst.add.f32.msk $0xffff, v3  }
0x2b6: {  	[tilespmem:s23+$0x6030] =	vst.add.f32.msk $0xffff, v4  }
0x2b7: {  	[tilespmem:s23+$0x6040] =	vst.add.f32.msk $0xffff, v5  }
0x2b8: {  	s24 =	simm.s32 $0x0;
	s25 =	simm.s32 $0x200;
	[tilespmem:s23+$0x6050] =	vst.add.f32.msk $0xffff, v6  }
.LBB2_30:
0x2b9: {  	s24 =	sadd.s32 $0x80, s24;
	[tilespmem:s23+$0x6060] =	vst.add.f32.msk $0xffff, v0;
	s23 =	sshra.s32 s25, $0x2  }
0x2ba: {  	v0 =	vld [tilespmem:s23+$0x70];
	p0 =	slt.u32 s24, $0x5F80  }
0x2bb: {  	v1 =	vld [tilespmem:s23+$0x0]  }
0x2bc: {  	v2 =	vld [tilespmem:s23+$0x10]  }
0x2bd: {  	v3 =	vld [tilespmem:s23+$0x20]  }
0x2be: {  	v4 =	vld [tilespmem:s23+$0x30]  }
0x2bf: {  	[tilespmem:s23+$0x6070] =	vst.add.f32.msk $0xffff, v0  }
0x2c0: {  	v5 =	vld [tilespmem:s23+$0x40]  }
0x2c1: {  	v6 =	vld [tilespmem:s23+$0x50]  }
0x2c2: {  	v0 =	vld [tilespmem:s23+$0x60]  }
0x2c3: {  	[tilespmem:s23+$0x6000] =	vst.add.f32.msk $0xffff, v1  }
.Ltmp14:
0x2c4: {  	[tilespmem:s23+$0x6010] =	vst.add.f32.msk $0xffff, v2;
	(pc) =	sbr.rel @p0 .LBB2_30-.Ltmp14, $4  }
0x2c5: {  	[tilespmem:s23+$0x6020] =	vst.add.f32.msk $0xffff, v3  }
0x2c6: {  	[tilespmem:s23+$0x6030] =	vst.add.f32.msk $0xffff, v4  }
0x2c7: {  	[tilespmem:s23+$0x6040] =	vst.add.f32.msk $0xffff, v5  }
0x2c8: {  	s25 =	sadd.s32 $0x200, s25;
	[tilespmem:s23+$0x6050] =	vst.add.f32.msk $0xffff, v6  }
0x2c9: {  	[tilespmem:s23+$0x6060] =	vst.add.f32.msk $0xffff, v0  }
0x2ca: {  	s24 =	sld [smem:$0x7E9];
	_ =	sdelay $0x1  }
0x2cb: {  	s23 =	simm.s32 $0x0  }
0x2cc: {  	[hbm4b:s24+s23] =	stream.linear.scatter [tilespmem:s15], [sflag:$0x3], $0x6000, $0x38;
	[tilespmem:$0x12000] =	vst v63  }
0x2cd: {  	_ =	swait.ge [sflag:s19], $0x6000  }
0x2ce: {  	[sflag:s19] =	ssyncset.done $0x0  }
0x2cf: {  	[sflag:s19] =	ssyncadd.s32 $0xFFFFA000  }
0x2d0: {  	_ =	swait.ge [sflag:s21], $0x6000  }
0x2d1: {  	s25 =	sld [smem:$0x7EC]  }
0x2d2: {  	[sflag:s21] =	ssyncset.done $0x0  }
0x2d3: {  	[sflag:s21] =	ssyncadd.s32 $0xFFFFA000  }
0x2d4: {  	[tilespmem:s15], [sflag:$0x1] =	stream.linear.gather [hbm4b:s25+s23], $0x6000, $0x38;
	[tilespmem:$0x12000] =	vst v63  }
0x2d5: {  	s23 =	simm.s32 $0x0  }
0x2d6: {  	v0 =	vld [tilespmem:s23+$0x70]  }
0x2d7: {  	v1 =	vld [tilespmem:s23+$0x0]  }
0x2d8: {  	v2 =	vld [tilespmem:s23+$0x10]  }
0x2d9: {  	v3 =	vld [tilespmem:s23+$0x20]  }
0x2da: {  	v4 =	vld [tilespmem:s23+$0x30]  }
0x2db: {  	v5 =	vld [tilespmem:s23+$0x40]  }
0x2dc: {  	v6 =	vld [tilespmem:s23+$0x50]  }
0x2dd: {  	[tilespmem:s23+$0xC070] =	vst.add.f32.msk $0xffff, v0  }
0x2de: {  	v0 =	vld [tilespmem:s23+$0x60]  }
0x2df: {  	[tilespmem:s23+$0xC000] =	vst.add.f32.msk $0xffff, v1  }
0x2e0: {  	[tilespmem:s23+$0xC010] =	vst.add.f32.msk $0xffff, v2  }
0x2e1: {  	[tilespmem:s23+$0xC020] =	vst.add.f32.msk $0xffff, v3  }
0x2e2: {  	[tilespmem:s23+$0xC030] =	vst.add.f32.msk $0xffff, v4  }
0x2e3: {  	[tilespmem:s23+$0xC040] =	vst.add.f32.msk $0xffff, v5  }
0x2e4: {  	s24 =	simm.s32 $0x0;
	s25 =	simm.s32 $0x200;
	[tilespmem:s23+$0xC050] =	vst.add.f32.msk $0xffff, v6  }
.LBB2_32:
0x2e5: {  	s24 =	sadd.s32 $0x80, s24;
	[tilespmem:s23+$0xC060] =	vst.add.f32.msk $0xffff, v0;
	s23 =	sshra.s32 s25, $0x2  }
0x2e6: {  	v0 =	vld [tilespmem:s23+$0x70];
	p0 =	slt.u32 s24, $0x5F80  }
0x2e7: {  	v1 =	vld [tilespmem:s23+$0x0]  }
0x2e8: {  	v2 =	vld [tilespmem:s23+$0x10]  }
0x2e9: {  	v3 =	vld [tilespmem:s23+$0x20]  }
0x2ea: {  	v4 =	vld [tilespmem:s23+$0x30]  }
0x2eb: {  	[tilespmem:s23+$0xC070] =	vst.add.f32.msk $0xffff, v0  }
0x2ec: {  	v5 =	vld [tilespmem:s23+$0x40]  }
0x2ed: {  	v6 =	vld [tilespmem:s23+$0x50]  }
0x2ee: {  	v0 =	vld [tilespmem:s23+$0x60]  }
0x2ef: {  	[tilespmem:s23+$0xC000] =	vst.add.f32.msk $0xffff, v1  }
.Ltmp15:
0x2f0: {  	[tilespmem:s23+$0xC010] =	vst.add.f32.msk $0xffff, v2;
	(pc) =	sbr.rel @p0 .LBB2_32-.Ltmp15, $4  }
0x2f1: {  	[tilespmem:s23+$0xC020] =	vst.add.f32.msk $0xffff, v3  }
0x2f2: {  	[tilespmem:s23+$0xC030] =	vst.add.f32.msk $0xffff, v4  }
0x2f3: {  	[tilespmem:s23+$0xC040] =	vst.add.f32.msk $0xffff, v5  }
0x2f4: {  	s25 =	sadd.s32 $0x200, s25;
	[tilespmem:s23+$0xC050] =	vst.add.f32.msk $0xffff, v6  }
0x2f5: {  	[tilespmem:s23+$0xC060] =	vst.add.f32.msk $0xffff, v0  }
0x2f6: {  	s24 =	sld [smem:$0x7EB];
	_ =	sdelay $0x1  }
0x2f7: {  	s23 =	simm.s32 $0x0;
	s25 =	sld [smem:$0x7ED]  }
0x2f8: {  	[hbm4b:s24+s23] =	stream.linear.scatter [tilespmem:s18], [sflag:$0x4], $0x6000, $0x38;
	[tilespmem:$0x12000] =	vst v63  }
0x2f9: {  	_ = 	snop  }
0x2fa: {  	[tilespmem:s23], [sflag:$0x5] =	stream.linear.gather [hbm4b:s25+s23], $0x6000, $0x38;
	[tilespmem:$0x12000] =	vst v63  }
0x2fb: {  	_ =	swait.ge [sflag:s16], $0x6000  }
0x2fc: {  	[sflag:s16] =	ssyncset.done $0x0  }
0x2fd: {  	[sflag:s16] =	ssyncadd.s32 $0xFFFFA000  }
0x2fe: {  	_ =	swait.ge [sflag:s17], $0x6000  }
0x2ff: {  	[sflag:s17] =	ssyncset.done $0x0  }
0x300: {  	[sflag:s17] =	ssyncadd.s32 $0xFFFFA000  }
0x301: {  	_ =	swait.ge [sflag:s20], $0x6000  }
0x302: {  	s25 =	sld [smem:$0x7EF]  }
0x303: {  	[sflag:s20] =	ssyncset.done $0x0  }
0x304: {  	[sflag:s20] =	ssyncadd.s32 $0xFFFFA000  }
0x305: {  	[tilespmem:s18], [sflag:$0x2] =	stream.linear.gather [hbm4b:s25+s23], $0x6000, $0x38;
	[tilespmem:$0x12000] =	vst v63  }
0x306: {  	s23 =	simm.s32 $0x0  }
0x307: {  	v0 =	vld [tilespmem:s23+$0x70]  }
0x308: {  	v1 =	vld [tilespmem:s23+$0x0]  }
0x309: {  	v2 =	vld [tilespmem:s23+$0x10]  }
0x30a: {  	v3 =	vld [tilespmem:s23+$0x20]  }
0x30b: {  	v4 =	vld [tilespmem:s23+$0x30]  }
0x30c: {  	v5 =	vld [tilespmem:s23+$0x40]  }
0x30d: {  	v6 =	vld [tilespmem:s23+$0x50]  }
0x30e: {  	[tilespmem:s23+$0x6070] =	vst.add.f32.msk $0xffff, v0  }
0x30f: {  	v0 =	vld [tilespmem:s23+$0x60]  }
0x310: {  	[tilespmem:s23+$0x6000] =	vst.add.f32.msk $0xffff, v1  }
0x311: {  	[tilespmem:s23+$0x6010] =	vst.add.f32.msk $0xffff, v2  }
0x312: {  	[tilespmem:s23+$0x6020] =	vst.add.f32.msk $0xffff, v3  }
0x313: {  	[tilespmem:s23+$0x6030] =	vst.add.f32.msk $0xffff, v4  }
0x314: {  	[tilespmem:s23+$0x6040] =	vst.add.f32.msk $0xffff, v5  }
0x315: {  	s24 =	simm.s32 $0x0;
	s25 =	simm.s32 $0x200;
	[tilespmem:s23+$0x6050] =	vst.add.f32.msk $0xffff, v6  }
.LBB2_34:
0x316: {  	s24 =	sadd.s32 $0x80, s24;
	[tilespmem:s23+$0x6060] =	vst.add.f32.msk $0xffff, v0;
	s23 =	sshra.s32 s25, $0x2  }
0x317: {  	v0 =	vld [tilespmem:s23+$0x70];
	p0 =	slt.u32 s24, $0x5F80  }
0x318: {  	v1 =	vld [tilespmem:s23+$0x0]  }
0x319: {  	v2 =	vld [tilespmem:s23+$0x10]  }
0x31a: {  	v3 =	vld [tilespmem:s23+$0x20]  }
0x31b: {  	v4 =	vld [tilespmem:s23+$0x30]  }
0x31c: {  	[tilespmem:s23+$0x6070] =	vst.add.f32.msk $0xffff, v0  }
0x31d: {  	v5 =	vld [tilespmem:s23+$0x40]  }
0x31e: {  	v6 =	vld [tilespmem:s23+$0x50]  }
0x31f: {  	v0 =	vld [tilespmem:s23+$0x60]  }
0x320: {  	[tilespmem:s23+$0x6000] =	vst.add.f32.msk $0xffff, v1  }
.Ltmp16:
0x321: {  	[tilespmem:s23+$0x6010] =	vst.add.f32.msk $0xffff, v2;
	(pc) =	sbr.rel @p0 .LBB2_34-.Ltmp16, $4  }
0x322: {  	[tilespmem:s23+$0x6020] =	vst.add.f32.msk $0xffff, v3  }
0x323: {  	[tilespmem:s23+$0x6030] =	vst.add.f32.msk $0xffff, v4  }
0x324: {  	[tilespmem:s23+$0x6040] =	vst.add.f32.msk $0xffff, v5  }
0x325: {  	s25 =	sadd.s32 $0x200, s25;
	[tilespmem:s23+$0x6050] =	vst.add.f32.msk $0xffff, v6  }
0x326: {  	[tilespmem:s23+$0x6060] =	vst.add.f32.msk $0xffff, v0  }
0x327: {  	s24 =	sld [smem:$0x7EE];
	_ =	sdelay $0x1  }
0x328: {  	s23 =	simm.s32 $0x0  }
0x329: {  	[hbm4b:s24+s23] =	stream.linear.scatter [tilespmem:s15], [sflag:$0x3], $0x6000, $0x38;
	[tilespmem:$0x12000] =	vst v63  }
0x32a: {  	_ =	swait.ge [sflag:s19], $0x6000  }
0x32b: {  	[sflag:s19] =	ssyncset.done $0x0  }
0x32c: {  	[sflag:s19] =	ssyncadd.s32 $0xFFFFA000  }
0x32d: {  	_ =	swait.ge [sflag:s21], $0x6000  }
0x32e: {  	s25 =	sld [smem:$0x7F1]  }
0x32f: {  	[sflag:s21] =	ssyncset.done $0x0  }
0x330: {  	[sflag:s21] =	ssyncadd.s32 $0xFFFFA000  }
0x331: {  	[tilespmem:s15], [sflag:$0x1] =	stream.linear.gather [hbm4b:s25+s23], $0x6000, $0x38;
	[tilespmem:$0x12000] =	vst v63  }
0x332: {  	s23 =	simm.s32 $0x0  }
0x333: {  	v0 =	vld [tilespmem:s23+$0x70]  }
0x334: {  	v1 =	vld [tilespmem:s23+$0x0]  }
0x335: {  	v2 =	vld [tilespmem:s23+$0x10]  }
0x336: {  	v3 =	vld [tilespmem:s23+$0x20]  }
0x337: {  	v4 =	vld [tilespmem:s23+$0x30]  }
0x338: {  	v5 =	vld [tilespmem:s23+$0x40]  }
0x339: {  	v6 =	vld [tilespmem:s23+$0x50]  }
0x33a: {  	[tilespmem:s23+$0xC070] =	vst.add.f32.msk $0xffff, v0  }
0x33b: {  	v0 =	vld [tilespmem:s23+$0x60]  }
0x33c: {  	[tilespmem:s23+$0xC000] =	vst.add.f32.msk $0xffff, v1  }
0x33d: {  	[tilespmem:s23+$0xC010] =	vst.add.f32.msk $0xffff, v2  }
0x33e: {  	[tilespmem:s23+$0xC020] =	vst.add.f32.msk $0xffff, v3  }
0x33f: {  	[tilespmem:s23+$0xC030] =	vst.add.f32.msk $0xffff, v4  }
0x340: {  	[tilespmem:s23+$0xC040] =	vst.add.f32.msk $0xffff, v5  }
0x341: {  	s24 =	simm.s32 $0x0;
	s25 =	simm.s32 $0x200;
	[tilespmem:s23+$0xC050] =	vst.add.f32.msk $0xffff, v6  }
.LBB2_36:
0x342: {  	s24 =	sadd.s32 $0x80, s24;
	[tilespmem:s23+$0xC060] =	vst.add.f32.msk $0xffff, v0;
	s23 =	sshra.s32 s25, $0x2  }
0x343: {  	v0 =	vld [tilespmem:s23+$0x70];
	p0 =	slt.u32 s24, $0x5F80  }
0x344: {  	v1 =	vld [tilespmem:s23+$0x0]  }
0x345: {  	v2 =	vld [tilespmem:s23+$0x10]  }
0x346: {  	v3 =	vld [tilespmem:s23+$0x20]  }
0x347: {  	v4 =	vld [tilespmem:s23+$0x30]  }
0x348: {  	[tilespmem:s23+$0xC070] =	vst.add.f32.msk $0xffff, v0  }
0x349: {  	v5 =	vld [tilespmem:s23+$0x40]  }
0x34a: {  	v6 =	vld [tilespmem:s23+$0x50]  }
0x34b: {  	v0 =	vld [tilespmem:s23+$0x60]  }
0x34c: {  	[tilespmem:s23+$0xC000] =	vst.add.f32.msk $0xffff, v1  }
.Ltmp17:
0x34d: {  	[tilespmem:s23+$0xC010] =	vst.add.f32.msk $0xffff, v2;
	(pc) =	sbr.rel @p0 .LBB2_36-.Ltmp17, $4  }
0x34e: {  	[tilespmem:s23+$0xC020] =	vst.add.f32.msk $0xffff, v3  }
0x34f: {  	[tilespmem:s23+$0xC030] =	vst.add.f32.msk $0xffff, v4  }
0x350: {  	[tilespmem:s23+$0xC040] =	vst.add.f32.msk $0xffff, v5  }
0x351: {  	s25 =	sadd.s32 $0x200, s25;
	[tilespmem:s23+$0xC050] =	vst.add.f32.msk $0xffff, v6  }
0x352: {  	[tilespmem:s23+$0xC060] =	vst.add.f32.msk $0xffff, v0  }
0x353: {  	s24 =	sld [smem:$0x7F0];
	_ =	sdelay $0x1  }
0x354: {  	s23 =	simm.s32 $0x0  }
0x355: {  	[hbm4b:s24+s23] =	stream.linear.scatter [tilespmem:s18], [sflag:$0x4], $0x6000, $0x38;
	[tilespmem:$0x12000] =	vst v63  }
0x356: {  	_ =	swait.ge [sflag:s17], $0x6000  }
0x357: {  	[sflag:s17] =	ssyncset.done $0x0  }
0x358: {  	[sflag:s17] =	ssyncadd.s32 $0xFFFFA000  }
0x359: {  	_ =	swait.ge [sflag:s20], $0x6000  }
0x35a: {  	s25 =	sld [smem:$0x7F3]  }
0x35b: {  	[sflag:s20] =	ssyncset.done $0x0  }
0x35c: {  	[sflag:s20] =	ssyncadd.s32 $0xFFFFA000  }
0x35d: {  	[tilespmem:s18], [sflag:$0x2] =	stream.linear.gather [hbm4b:s25+s23], $0x6000, $0x38;
	[tilespmem:$0x12000] =	vst v63  }
0x35e: {  	s23 =	simm.s32 $0x0  }
0x35f: {  	v0 =	vld [tilespmem:s23+$0x70]  }
0x360: {  	v1 =	vld [tilespmem:s23+$0x0]  }
0x361: {  	v2 =	vld [tilespmem:s23+$0x10]  }
0x362: {  	v3 =	vld [tilespmem:s23+$0x20]  }
0x363: {  	v4 =	vld [tilespmem:s23+$0x30]  }
0x364: {  	v5 =	vld [tilespmem:s23+$0x40]  }
0x365: {  	v6 =	vld [tilespmem:s23+$0x50]  }
0x366: {  	[tilespmem:s23+$0x6070] =	vst.add.f32.msk $0xffff, v0  }
0x367: {  	v0 =	vld [tilespmem:s23+$0x60]  }
0x368: {  	[tilespmem:s23+$0x6000] =	vst.add.f32.msk $0xffff, v1  }
0x369: {  	[tilespmem:s23+$0x6010] =	vst.add.f32.msk $0xffff, v2  }
0x36a: {  	[tilespmem:s23+$0x6020] =	vst.add.f32.msk $0xffff, v3  }
0x36b: {  	[tilespmem:s23+$0x6030] =	vst.add.f32.msk $0xffff, v4  }
0x36c: {  	[tilespmem:s23+$0x6040] =	vst.add.f32.msk $0xffff, v5  }
0x36d: {  	s24 =	simm.s32 $0x0;
	s25 =	simm.s32 $0x200;
	[tilespmem:s23+$0x6050] =	vst.add.f32.msk $0xffff, v6  }
.LBB2_38:
0x36e: {  	s24 =	sadd.s32 $0x80, s24;
	[tilespmem:s23+$0x6060] =	vst.add.f32.msk $0xffff, v0;
	s23 =	sshra.s32 s25, $0x2  }
0x36f: {  	v0 =	vld [tilespmem:s23+$0x70];
	p0 =	slt.u32 s24, $0x5F80  }
0x370: {  	v1 =	vld [tilespmem:s23+$0x0]  }
0x371: {  	v2 =	vld [tilespmem:s23+$0x10]  }
0x372: {  	v3 =	vld [tilespmem:s23+$0x20]  }
0x373: {  	v4 =	vld [tilespmem:s23+$0x30]  }
0x374: {  	[tilespmem:s23+$0x6070] =	vst.add.f32.msk $0xffff, v0  }
0x375: {  	v5 =	vld [tilespmem:s23+$0x40]  }
0x376: {  	v6 =	vld [tilespmem:s23+$0x50]  }
0x377: {  	v0 =	vld [tilespmem:s23+$0x60]  }
0x378: {  	[tilespmem:s23+$0x6000] =	vst.add.f32.msk $0xffff, v1  }
.Ltmp18:
0x379: {  	[tilespmem:s23+$0x6010] =	vst.add.f32.msk $0xffff, v2;
	(pc) =	sbr.rel @p0 .LBB2_38-.Ltmp18, $4  }
0x37a: {  	[tilespmem:s23+$0x6020] =	vst.add.f32.msk $0xffff, v3  }
0x37b: {  	[tilespmem:s23+$0x6030] =	vst.add.f32.msk $0xffff, v4  }
0x37c: {  	[tilespmem:s23+$0x6040] =	vst.add.f32.msk $0xffff, v5  }
0x37d: {  	s25 =	sadd.s32 $0x200, s25;
	[tilespmem:s23+$0x6050] =	vst.add.f32.msk $0xffff, v6  }
0x37e: {  	[tilespmem:s23+$0x6060] =	vst.add.f32.msk $0xffff, v0  }
0x37f: {  	s24 =	sld [smem:$0x7F2];
	_ =	sdelay $0x1  }
0x380: {  	s23 =	simm.s32 $0x0  }
0x381: {  	[hbm4b:s24+s23] =	stream.linear.scatter [tilespmem:s15], [sflag:$0x3], $0x6000, $0x38;
	[tilespmem:$0x12000] =	vst v63  }
0x382: {  	_ =	swait.ge [sflag:s19], $0x6000  }
0x383: {  	[sflag:s19] =	ssyncset.done $0x0  }
0x384: {  	[sflag:s19] =	ssyncadd.s32 $0xFFFFA000  }
0x385: {  	_ =	swait.ge [sflag:s21], $0x6000  }
0x386: {  	s25 =	sld [smem:$0x7F5]  }
0x387: {  	[sflag:s21] =	ssyncset.done $0x0  }
0x388: {  	[sflag:s21] =	ssyncadd.s32 $0xFFFFA000  }
0x389: {  	[tilespmem:s15], [sflag:$0x1] =	stream.linear.gather [hbm4b:s25+s23], $0x6000, $0x38;
	[tilespmem:$0x12000] =	vst v63  }
0x38a: {  	s23 =	simm.s32 $0x0  }
0x38b: {  	v0 =	vld [tilespmem:s23+$0x70]  }
0x38c: {  	v1 =	vld [tilespmem:s23+$0x0]  }
0x38d: {  	v2 =	vld [tilespmem:s23+$0x10]  }
0x38e: {  	v3 =	vld [tilespmem:s23+$0x20]  }
0x38f: {  	v4 =	vld [tilespmem:s23+$0x30]  }
0x390: {  	v5 =	vld [tilespmem:s23+$0x40]  }
0x391: {  	v6 =	vld [tilespmem:s23+$0x50]  }
0x392: {  	[tilespmem:s23+$0xC070] =	vst.add.f32.msk $0xffff, v0  }
0x393: {  	v0 =	vld [tilespmem:s23+$0x60]  }
0x394: {  	[tilespmem:s23+$0xC000] =	vst.add.f32.msk $0xffff, v1  }
0x395: {  	[tilespmem:s23+$0xC010] =	vst.add.f32.msk $0xffff, v2  }
0x396: {  	[tilespmem:s23+$0xC020] =	vst.add.f32.msk $0xffff, v3  }
0x397: {  	[tilespmem:s23+$0xC030] =	vst.add.f32.msk $0xffff, v4  }
0x398: {  	[tilespmem:s23+$0xC040] =	vst.add.f32.msk $0xffff, v5  }
0x399: {  	s24 =	simm.s32 $0x0;
	s25 =	simm.s32 $0x200;
	[tilespmem:s23+$0xC050] =	vst.add.f32.msk $0xffff, v6  }
.LBB2_40:
0x39a: {  	s24 =	sadd.s32 $0x80, s24;
	[tilespmem:s23+$0xC060] =	vst.add.f32.msk $0xffff, v0;
	s23 =	sshra.s32 s25, $0x2  }
0x39b: {  	v0 =	vld [tilespmem:s23+$0x70];
	p0 =	slt.u32 s24, $0x5F80  }
0x39c: {  	v1 =	vld [tilespmem:s23+$0x0]  }
0x39d: {  	v2 =	vld [tilespmem:s23+$0x10]  }
0x39e: {  	v3 =	vld [tilespmem:s23+$0x20]  }
0x39f: {  	v4 =	vld [tilespmem:s23+$0x30]  }
0x3a0: {  	[tilespmem:s23+$0xC070] =	vst.add.f32.msk $0xffff, v0  }
0x3a1: {  	v5 =	vld [tilespmem:s23+$0x40]  }
0x3a2: {  	v6 =	vld [tilespmem:s23+$0x50]  }
0x3a3: {  	v0 =	vld [tilespmem:s23+$0x60]  }
0x3a4: {  	[tilespmem:s23+$0xC000] =	vst.add.f32.msk $0xffff, v1  }
.Ltmp19:
0x3a5: {  	[tilespmem:s23+$0xC010] =	vst.add.f32.msk $0xffff, v2;
	(pc) =	sbr.rel @p0 .LBB2_40-.Ltmp19, $4  }
0x3a6: {  	[tilespmem:s23+$0xC020] =	vst.add.f32.msk $0xffff, v3  }
0x3a7: {  	[tilespmem:s23+$0xC030] =	vst.add.f32.msk $0xffff, v4  }
0x3a8: {  	[tilespmem:s23+$0xC040] =	vst.add.f32.msk $0xffff, v5  }
0x3a9: {  	s25 =	sadd.s32 $0x200, s25;
	[tilespmem:s23+$0xC050] =	vst.add.f32.msk $0xffff, v6  }
0x3aa: {  	[tilespmem:s23+$0xC060] =	vst.add.f32.msk $0xffff, v0  }
0x3ab: {  	s24 =	sld [smem:$0x7F4];
	_ =	sdelay $0x1  }
0x3ac: {  	s23 =	simm.s32 $0x0;
	s25 =	sld [smem:$0x7F6]  }
0x3ad: {  	[hbm4b:s24+s23] =	stream.linear.scatter [tilespmem:s18], [sflag:$0x4], $0x6000, $0x38;
	[tilespmem:$0x12000] =	vst v63  }
0x3ae: {  	_ = 	snop  }
0x3af: {  	[tilespmem:s23], [sflag:$0x5] =	stream.linear.gather [hbm4b:s25+s23], $0x6000, $0x38;
	[tilespmem:$0x12000] =	vst v63  }
0x3b0: {  	_ =	swait.ge [sflag:s16], $0x6000  }
0x3b1: {  	[sflag:s16] =	ssyncset.done $0x0  }
0x3b2: {  	[sflag:s16] =	ssyncadd.s32 $0xFFFFA000  }
0x3b3: {  	_ =	swait.ge [sflag:s17], $0x6000  }
0x3b4: {  	[sflag:s17] =	ssyncset.done $0x0  }
0x3b5: {  	[sflag:s17] =	ssyncadd.s32 $0xFFFFA000  }
0x3b6: {  	_ =	swait.ge [sflag:s20], $0x6000  }
0x3b7: {  	s25 =	sld [smem:$0x7F8]  }
0x3b8: {  	[sflag:s20] =	ssyncset.done $0x0  }
0x3b9: {  	[sflag:s20] =	ssyncadd.s32 $0xFFFFA000  }
0x3ba: {  	[tilespmem:s18], [sflag:$0x2] =	stream.linear.gather [hbm4b:s25+s23], $0x6000, $0x38;
	[tilespmem:$0x12000] =	vst v63  }
0x3bb: {  	s23 =	simm.s32 $0x0  }
0x3bc: {  	v0 =	vld [tilespmem:s23+$0x70]  }
0x3bd: {  	v1 =	vld [tilespmem:s23+$0x0]  }
0x3be: {  	v2 =	vld [tilespmem:s23+$0x10]  }
0x3bf: {  	v3 =	vld [tilespmem:s23+$0x20]  }
0x3c0: {  	v4 =	vld [tilespmem:s23+$0x30]  }
0x3c1: {  	v5 =	vld [tilespmem:s23+$0x40]  }
0x3c2: {  	v6 =	vld [tilespmem:s23+$0x50]  }
0x3c3: {  	[tilespmem:s23+$0x6070] =	vst.add.f32.msk $0xffff, v0  }
0x3c4: {  	v0 =	vld [tilespmem:s23+$0x60]  }
0x3c5: {  	[tilespmem:s23+$0x6000] =	vst.add.f32.msk $0xffff, v1  }
0x3c6: {  	[tilespmem:s23+$0x6010] =	vst.add.f32.msk $0xffff, v2  }
0x3c7: {  	[tilespmem:s23+$0x6020] =	vst.add.f32.msk $0xffff, v3  }
0x3c8: {  	[tilespmem:s23+$0x6030] =	vst.add.f32.msk $0xffff, v4  }
0x3c9: {  	[tilespmem:s23+$0x6040] =	vst.add.f32.msk $0xffff, v5  }
0x3ca: {  	s24 =	simm.s32 $0x0;
	s25 =	simm.s32 $0x200;
	[tilespmem:s23+$0x6050] =	vst.add.f32.msk $0xffff, v6  }
.LBB2_42:
0x3cb: {  	s24 =	sadd.s32 $0x80, s24;
	[tilespmem:s23+$0x6060] =	vst.add.f32.msk $0xffff, v0;
	s23 =	sshra.s32 s25, $0x2  }
0x3cc: {  	v0 =	vld [tilespmem:s23+$0x70];
	p0 =	slt.u32 s24, $0x5F80  }
0x3cd: {  	v1 =	vld [tilespmem:s23+$0x0]  }
0x3ce: {  	v2 =	vld [tilespmem:s23+$0x10]  }
0x3cf: {  	v3 =	vld [tilespmem:s23+$0x20]  }
0x3d0: {  	v4 =	vld [tilespmem:s23+$0x30]  }
0x3d1: {  	[tilespmem:s23+$0x6070] =	vst.add.f32.msk $0xffff, v0  }
0x3d2: {  	v5 =	vld [tilespmem:s23+$0x40]  }
0x3d3: {  	v6 =	vld [tilespmem:s23+$0x50]  }
0x3d4: {  	v0 =	vld [tilespmem:s23+$0x60]  }
0x3d5: {  	[tilespmem:s23+$0x6000] =	vst.add.f32.msk $0xffff, v1  }
.Ltmp20:
0x3d6: {  	[tilespmem:s23+$0x6010] =	vst.add.f32.msk $0xffff, v2;
	(pc) =	sbr.rel @p0 .LBB2_42-.Ltmp20, $4  }
0x3d7: {  	[tilespmem:s23+$0x6020] =	vst.add.f32.msk $0xffff, v3  }
0x3d8: {  	[tilespmem:s23+$0x6030] =	vst.add.f32.msk $0xffff, v4  }
0x3d9: {  	[tilespmem:s23+$0x6040] =	vst.add.f32.msk $0xffff, v5  }
0x3da: {  	s25 =	sadd.s32 $0x200, s25;
	[tilespmem:s23+$0x6050] =	vst.add.f32.msk $0xffff, v6  }
0x3db: {  	[tilespmem:s23+$0x6060] =	vst.add.f32.msk $0xffff, v0  }
0x3dc: {  	s24 =	sld [smem:$0x7F7];
	_ =	sdelay $0x1  }
0x3dd: {  	s23 =	simm.s32 $0x0  }
0x3de: {  	[hbm4b:s24+s23] =	stream.linear.scatter [tilespmem:s15], [sflag:$0x3], $0x6000, $0x38;
	[tilespmem:$0x12000] =	vst v63  }
0x3df: {  	_ =	swait.ge [sflag:s19], $0x6000  }
0x3e0: {  	[sflag:s19] =	ssyncset.done $0x0  }
0x3e1: {  	[sflag:s19] =	ssyncadd.s32 $0xFFFFA000  }
0x3e2: {  	_ =	swait.ge [sflag:s21], $0x6000  }
0x3e3: {  	s25 =	sld [smem:$0x7FA]  }
0x3e4: {  	[sflag:s21] =	ssyncset.done $0x0  }
0x3e5: {  	[sflag:s21] =	ssyncadd.s32 $0xFFFFA000  }
0x3e6: {  	[tilespmem:s15], [sflag:$0x1] =	stream.linear.gather [hbm4b:s25+s23], $0x6000, $0x38;
	[tilespmem:$0x12000] =	vst v63  }
0x3e7: {  	s23 =	simm.s32 $0x0  }
0x3e8: {  	v0 =	vld [tilespmem:s23+$0x70]  }
0x3e9: {  	v1 =	vld [tilespmem:s23+$0x0]  }
0x3ea: {  	v2 =	vld [tilespmem:s23+$0x10]  }
0x3eb: {  	v3 =	vld [tilespmem:s23+$0x20]  }
0x3ec: {  	v4 =	vld [tilespmem:s23+$0x30]  }
0x3ed: {  	v5 =	vld [tilespmem:s23+$0x40]  }
0x3ee: {  	v6 =	vld [tilespmem:s23+$0x50]  }
0x3ef: {  	[tilespmem:s23+$0xC070] =	vst.add.f32.msk $0xffff, v0  }
0x3f0: {  	v0 =	vld [tilespmem:s23+$0x60]  }
0x3f1: {  	[tilespmem:s23+$0xC000] =	vst.add.f32.msk $0xffff, v1  }
0x3f2: {  	[tilespmem:s23+$0xC010] =	vst.add.f32.msk $0xffff, v2  }
0x3f3: {  	[tilespmem:s23+$0xC020] =	vst.add.f32.msk $0xffff, v3  }
0x3f4: {  	[tilespmem:s23+$0xC030] =	vst.add.f32.msk $0xffff, v4  }
0x3f5: {  	[tilespmem:s23+$0xC040] =	vst.add.f32.msk $0xffff, v5  }
0x3f6: {  	s24 =	simm.s32 $0x0;
	s25 =	simm.s32 $0x200;
	[tilespmem:s23+$0xC050] =	vst.add.f32.msk $0xffff, v6  }
.LBB2_44:
0x3f7: {  	s24 =	sadd.s32 $0x80, s24;
	[tilespmem:s23+$0xC060] =	vst.add.f32.msk $0xffff, v0;
	s23 =	sshra.s32 s25, $0x2  }
0x3f8: {  	v0 =	vld [tilespmem:s23+$0x70];
	p0 =	slt.u32 s24, $0x5F80  }
0x3f9: {  	v1 =	vld [tilespmem:s23+$0x0]  }
0x3fa: {  	v2 =	vld [tilespmem:s23+$0x10]  }
0x3fb: {  	v3 =	vld [tilespmem:s23+$0x20]  }
0x3fc: {  	v4 =	vld [tilespmem:s23+$0x30]  }
0x3fd: {  	[tilespmem:s23+$0xC070] =	vst.add.f32.msk $0xffff, v0  }
0x3fe: {  	v5 =	vld [tilespmem:s23+$0x40]  }
0x3ff: {  	v6 =	vld [tilespmem:s23+$0x50]  }
0x400: {  	v0 =	vld [tilespmem:s23+$0x60]  }
0x401: {  	[tilespmem:s23+$0xC000] =	vst.add.f32.msk $0xffff, v1  }
.Ltmp21:
0x402: {  	[tilespmem:s23+$0xC010] =	vst.add.f32.msk $0xffff, v2;
	(pc) =	sbr.rel @p0 .LBB2_44-.Ltmp21, $4  }
0x403: {  	[tilespmem:s23+$0xC020] =	vst.add.f32.msk $0xffff, v3  }
0x404: {  	[tilespmem:s23+$0xC030] =	vst.add.f32.msk $0xffff, v4  }
0x405: {  	[tilespmem:s23+$0xC040] =	vst.add.f32.msk $0xffff, v5  }
0x406: {  	s25 =	sadd.s32 $0x200, s25;
	[tilespmem:s23+$0xC050] =	vst.add.f32.msk $0xffff, v6  }
0x407: {  	[tilespmem:s23+$0xC060] =	vst.add.f32.msk $0xffff, v0  }
0x408: {  	s24 =	sld [smem:$0x7F9];
	_ =	sdelay $0x1  }
0x409: {  	s23 =	simm.s32 $0x0  }
0x40a: {  	[hbm4b:s24+s23] =	stream.linear.scatter [tilespmem:s18], [sflag:$0x4], $0x6000, $0x38;
	[tilespmem:$0x12000] =	vst v63  }
0x40b: {  	_ =	swait.ge [sflag:s17], $0x6000  }
0x40c: {  	[sflag:s17] =	ssyncset.done $0x0  }
0x40d: {  	[sflag:s17] =	ssyncadd.s32 $0xFFFFA000  }
0x40e: {  	_ =	swait.ge [sflag:s20], $0x6000  }
0x40f: {  	s25 =	sld [smem:$0x7FC]  }
0x410: {  	[sflag:s20] =	ssyncset.done $0x0  }
0x411: {  	[sflag:s20] =	ssyncadd.s32 $0xFFFFA000  }
0x412: {  	[tilespmem:s18], [sflag:$0x2] =	stream.linear.gather [hbm4b:s25+s23], $0x6000, $0x38;
	[tilespmem:$0x12000] =	vst v63  }
0x413: {  	s23 =	simm.s32 $0x0  }
0x414: {  	v0 =	vld [tilespmem:s23+$0x70]  }
0x415: {  	v1 =	vld [tilespmem:s23+$0x0]  }
0x416: {  	v2 =	vld [tilespmem:s23+$0x10]  }
0x417: {  	v3 =	vld [tilespmem:s23+$0x20]  }
0x418: {  	v4 =	vld [tilespmem:s23+$0x30]  }
0x419: {  	v5 =	vld [tilespmem:s23+$0x40]  }
0x41a: {  	v6 =	vld [tilespmem:s23+$0x50]  }
0x41b: {  	[tilespmem:s23+$0x6070] =	vst.add.f32.msk $0xffff, v0  }
0x41c: {  	v0 =	vld [tilespmem:s23+$0x60]  }
0x41d: {  	[tilespmem:s23+$0x6000] =	vst.add.f32.msk $0xffff, v1  }
0x41e: {  	[tilespmem:s23+$0x6010] =	vst.add.f32.msk $0xffff, v2  }
0x41f: {  	[tilespmem:s23+$0x6020] =	vst.add.f32.msk $0xffff, v3  }
0x420: {  	[tilespmem:s23+$0x6030] =	vst.add.f32.msk $0xffff, v4  }
0x421: {  	[tilespmem:s23+$0x6040] =	vst.add.f32.msk $0xffff, v5  }
0x422: {  	s24 =	simm.s32 $0x0;
	s25 =	simm.s32 $0x200;
	[tilespmem:s23+$0x6050] =	vst.add.f32.msk $0xffff, v6  }
.LBB2_46:
0x423: {  	s24 =	sadd.s32 $0x80, s24;
	[tilespmem:s23+$0x6060] =	vst.add.f32.msk $0xffff, v0;
	s23 =	sshra.s32 s25, $0x2  }
0x424: {  	v0 =	vld [tilespmem:s23+$0x70];
	p0 =	slt.u32 s24, $0x5F80  }
0x425: {  	v1 =	vld [tilespmem:s23+$0x0]  }
0x426: {  	v2 =	vld [tilespmem:s23+$0x10]  }
0x427: {  	v3 =	vld [tilespmem:s23+$0x20]  }
0x428: {  	v4 =	vld [tilespmem:s23+$0x30]  }
0x429: {  	[tilespmem:s23+$0x6070] =	vst.add.f32.msk $0xffff, v0  }
0x42a: {  	v5 =	vld [tilespmem:s23+$0x40]  }
0x42b: {  	v6 =	vld [tilespmem:s23+$0x50]  }
0x42c: {  	v0 =	vld [tilespmem:s23+$0x60]  }
0x42d: {  	[tilespmem:s23+$0x6000] =	vst.add.f32.msk $0xffff, v1  }
.Ltmp22:
0x42e: {  	[tilespmem:s23+$0x6010] =	vst.add.f32.msk $0xffff, v2;
	(pc) =	sbr.rel @p0 .LBB2_46-.Ltmp22, $4  }
0x42f: {  	[tilespmem:s23+$0x6020] =	vst.add.f32.msk $0xffff, v3  }
0x430: {  	[tilespmem:s23+$0x6030] =	vst.add.f32.msk $0xffff, v4  }
0x431: {  	[tilespmem:s23+$0x6040] =	vst.add.f32.msk $0xffff, v5  }
0x432: {  	s25 =	sadd.s32 $0x200, s25;
	[tilespmem:s23+$0x6050] =	vst.add.f32.msk $0xffff, v6  }
0x433: {  	[tilespmem:s23+$0x6060] =	vst.add.f32.msk $0xffff, v0  }
0x434: {  	s24 =	sld [smem:$0x7FB];
	_ =	sdelay $0x1  }
0x435: {  	s25 =	simm.s32 $0x0  }
0x436: {  	[hbm4b:s24+s25] =	stream.linear.scatter [tilespmem:s15], [sflag:$0x3], $0x6000, $0x38;
	[tilespmem:$0x12000] =	vst v63  }
0x437: {  	_ =	swait.ge [sflag:s19], $0x6000  }
0x438: {  	[sflag:s19] =	ssyncset.done $0x0  }
0x439: {  	[sflag:s19] =	ssyncadd.s32 $0xFFFFA000  }
0x43a: {  	_ =	swait.ge [sflag:s21], $0x6000  }
0x43b: {  	[sflag:s21] =	ssyncset.done $0x0  }
0x43c: {  	s23 =	simm.s32 $0x0;
	[sflag:s21] =	ssyncadd.s32 $0xFFFFA000  }
0x43d: {  	[tilespmem:s15], [sflag:$0x1] =	stream.linear.gather [hbm4b:s26+s25], $0x6000, $0x38;
	[tilespmem:$0x12000] =	vst v63  }
0x43e: {  	v0 =	vld [tilespmem:s23+$0x70]  }
0x43f: {  	v1 =	vld [tilespmem:s23+$0x0]  }
0x440: {  	v2 =	vld [tilespmem:s23+$0x10]  }
0x441: {  	v3 =	vld [tilespmem:s23+$0x20]  }
0x442: {  	v4 =	vld [tilespmem:s23+$0x30]  }
0x443: {  	v5 =	vld [tilespmem:s23+$0x40]  }
0x444: {  	v6 =	vld [tilespmem:s23+$0x50]  }
0x445: {  	[tilespmem:s23+$0xC070] =	vst.add.f32.msk $0xffff, v0  }
0x446: {  	v0 =	vld [tilespmem:s23+$0x60]  }
0x447: {  	[tilespmem:s23+$0xC000] =	vst.add.f32.msk $0xffff, v1  }
0x448: {  	[tilespmem:s23+$0xC010] =	vst.add.f32.msk $0xffff, v2  }
0x449: {  	[tilespmem:s23+$0xC020] =	vst.add.f32.msk $0xffff, v3  }
0x44a: {  	[tilespmem:s23+$0xC030] =	vst.add.f32.msk $0xffff, v4  }
0x44b: {  	[tilespmem:s23+$0xC040] =	vst.add.f32.msk $0xffff, v5  }
0x44c: {  	s24 =	simm.s32 $0x0;
	s25 =	simm.s32 $0x200;
	[tilespmem:s23+$0xC050] =	vst.add.f32.msk $0xffff, v6  }
.LBB2_48:
0x44d: {  	s24 =	sadd.s32 $0x80, s24;
	[tilespmem:s23+$0xC060] =	vst.add.f32.msk $0xffff, v0;
	s23 =	sshra.s32 s25, $0x2  }
0x44e: {  	v0 =	vld [tilespmem:s23+$0x70];
	p0 =	slt.u32 s24, $0x5F80  }
0x44f: {  	v1 =	vld [tilespmem:s23+$0x0]  }
0x450: {  	v2 =	vld [tilespmem:s23+$0x10]  }
0x451: {  	v3 =	vld [tilespmem:s23+$0x20]  }
0x452: {  	v4 =	vld [tilespmem:s23+$0x30]  }
0x453: {  	[tilespmem:s23+$0xC070] =	vst.add.f32.msk $0xffff, v0  }
0x454: {  	v5 =	vld [tilespmem:s23+$0x40]  }
0x455: {  	v6 =	vld [tilespmem:s23+$0x50]  }
0x456: {  	v0 =	vld [tilespmem:s23+$0x60]  }
0x457: {  	[tilespmem:s23+$0xC000] =	vst.add.f32.msk $0xffff, v1  }
.Ltmp23:
0x458: {  	[tilespmem:s23+$0xC010] =	vst.add.f32.msk $0xffff, v2;
	(pc) =	sbr.rel @p0 .LBB2_48-.Ltmp23, $4  }
0x459: {  	[tilespmem:s23+$0xC020] =	vst.add.f32.msk $0xffff, v3  }
0x45a: {  	[tilespmem:s23+$0xC030] =	vst.add.f32.msk $0xffff, v4  }
0x45b: {  	[tilespmem:s23+$0xC040] =	vst.add.f32.msk $0xffff, v5  }
0x45c: {  	s25 =	sadd.s32 $0x200, s25;
	[tilespmem:s23+$0xC050] =	vst.add.f32.msk $0xffff, v6  }
0x45d: {  	[tilespmem:s23+$0xC060] =	vst.add.f32.msk $0xffff, v0  }
0x45e: {  	s24 =	sld [smem:$0x7FD];
	_ =	sdelay $0x1  }
0x45f: {  	s25 =	simm.s32 $0x0  }
0x460: {  	[hbm4b:s24+s25] =	stream.linear.scatter [tilespmem:s18], [sflag:$0x4], $0x6000, $0x38;
	[tilespmem:$0x12000] =	vst v63  }
0x461: {  	_ = 	snop  }
0x462: {  	[tilespmem:s25], [sflag:$0x5] =	stream.linear.gather [hbm4b:s28+s25], $0x6000, $0x38;
	[tilespmem:$0x12000] =	vst v63  }
0x463: {  	_ =	swait.ge [sflag:s16], $0x6000  }
0x464: {  	[sflag:s16] =	ssyncset.done $0x0  }
0x465: {  	[sflag:s16] =	ssyncadd.s32 $0xFFFFA000  }
0x466: {  	_ =	swait.ge [sflag:s17], $0x6000  }
0x467: {  	[sflag:s17] =	ssyncset.done $0x0  }
0x468: {  	[sflag:s17] =	ssyncadd.s32 $0xFFFFA000  }
0x469: {  	_ =	swait.ge [sflag:s20], $0x6000  }
0x46a: {  	[sflag:s20] =	ssyncset.done $0x0  }
0x46b: {  	s23 =	simm.s32 $0x0;
	[sflag:s20] =	ssyncadd.s32 $0xFFFFA000  }
0x46c: {  	[tilespmem:s18], [sflag:$0x2] =	stream.linear.gather [hbm4b:s30+s25], $0x6000, $0x38;
	[tilespmem:$0x12000] =	vst v63  }
0x46d: {  	v0 =	vld [tilespmem:s23+$0x70]  }
0x46e: {  	v1 =	vld [tilespmem:s23+$0x0]  }
0x46f: {  	v2 =	vld [tilespmem:s23+$0x10]  }
0x470: {  	v3 =	vld [tilespmem:s23+$0x20]  }
0x471: {  	v4 =	vld [tilespmem:s23+$0x30]  }
0x472: {  	v5 =	vld [tilespmem:s23+$0x40]  }
0x473: {  	v6 =	vld [tilespmem:s23+$0x50]  }
0x474: {  	[tilespmem:s23+$0x6070] =	vst.add.f32.msk $0xffff, v0  }
0x475: {  	v0 =	vld [tilespmem:s23+$0x60]  }
0x476: {  	[tilespmem:s23+$0x6000] =	vst.add.f32.msk $0xffff, v1  }
0x477: {  	[tilespmem:s23+$0x6010] =	vst.add.f32.msk $0xffff, v2  }
0x478: {  	[tilespmem:s23+$0x6020] =	vst.add.f32.msk $0xffff, v3  }
0x479: {  	[tilespmem:s23+$0x6030] =	vst.add.f32.msk $0xffff, v4  }
0x47a: {  	[tilespmem:s23+$0x6040] =	vst.add.f32.msk $0xffff, v5  }
0x47b: {  	s24 =	simm.s32 $0x0;
	s25 =	simm.s32 $0x200;
	[tilespmem:s23+$0x6050] =	vst.add.f32.msk $0xffff, v6  }
.LBB2_50:
0x47c: {  	s24 =	sadd.s32 $0x80, s24;
	[tilespmem:s23+$0x6060] =	vst.add.f32.msk $0xffff, v0;
	s23 =	sshra.s32 s25, $0x2  }
0x47d: {  	v0 =	vld [tilespmem:s23+$0x70];
	p0 =	slt.u32 s24, $0x5F80  }
0x47e: {  	v1 =	vld [tilespmem:s23+$0x0]  }
0x47f: {  	v2 =	vld [tilespmem:s23+$0x10]  }
0x480: {  	v3 =	vld [tilespmem:s23+$0x20]  }
0x481: {  	v4 =	vld [tilespmem:s23+$0x30]  }
0x482: {  	[tilespmem:s23+$0x6070] =	vst.add.f32.msk $0xffff, v0  }
0x483: {  	v5 =	vld [tilespmem:s23+$0x40]  }
0x484: {  	v6 =	vld [tilespmem:s23+$0x50]  }
0x485: {  	v0 =	vld [tilespmem:s23+$0x60]  }
0x486: {  	[tilespmem:s23+$0x6000] =	vst.add.f32.msk $0xffff, v1  }
.Ltmp24:
0x487: {  	[tilespmem:s23+$0x6010] =	vst.add.f32.msk $0xffff, v2;
	(pc) =	sbr.rel @p0 .LBB2_50-.Ltmp24, $4  }
0x488: {  	[tilespmem:s23+$0x6020] =	vst.add.f32.msk $0xffff, v3  }
0x489: {  	[tilespmem:s23+$0x6030] =	vst.add.f32.msk $0xffff, v4  }
0x48a: {  	[tilespmem:s23+$0x6040] =	vst.add.f32.msk $0xffff, v5  }
0x48b: {  	s25 =	sadd.s32 $0x200, s25;
	[tilespmem:s23+$0x6050] =	vst.add.f32.msk $0xffff, v6  }
0x48c: {  	[tilespmem:s23+$0x6060] =	vst.add.f32.msk $0xffff, v0;
	s25 =	simm.s32 $0x0  }
0x48d: {  	[hbm4b:s29+s25] =	stream.linear.scatter [tilespmem:s15], [sflag:$0x3], $0x6000, $0x38;
	[tilespmem:$0x12000] =	vst v63  }
0x48e: {  	_ =	swait.ge [sflag:s19], $0x6000  }
0x48f: {  	[sflag:s19] =	ssyncset.done $0x0  }
0x490: {  	[sflag:s19] =	ssyncadd.s32 $0xFFFFA000  }
0x491: {  	_ =	swait.ge [sflag:s21], $0x6000  }
0x492: {  	[sflag:s21] =	ssyncset.done $0x0  }
0x493: {  	s23 =	simm.s32 $0x0;
	[sflag:s21] =	ssyncadd.s32 $0xFFFFA000  }
0x494: {  	[tilespmem:s15], [sflag:$0x1] =	stream.linear.gather [hbm4b:s0+s25], $0x6000, $0x38;
	[tilespmem:$0x12000] =	vst v63  }
0x495: {  	v0 =	vld [tilespmem:s23+$0x70]  }
0x496: {  	v1 =	vld [tilespmem:s23+$0x0]  }
0x497: {  	v2 =	vld [tilespmem:s23+$0x10]  }
0x498: {  	v3 =	vld [tilespmem:s23+$0x20]  }
0x499: {  	v4 =	vld [tilespmem:s23+$0x30]  }
0x49a: {  	v5 =	vld [tilespmem:s23+$0x40]  }
0x49b: {  	v6 =	vld [tilespmem:s23+$0x50]  }
0x49c: {  	[tilespmem:s23+$0xC070] =	vst.add.f32.msk $0xffff, v0  }
0x49d: {  	v0 =	vld [tilespmem:s23+$0x60]  }
0x49e: {  	[tilespmem:s23+$0xC000] =	vst.add.f32.msk $0xffff, v1  }
0x49f: {  	[tilespmem:s23+$0xC010] =	vst.add.f32.msk $0xffff, v2  }
0x4a0: {  	[tilespmem:s23+$0xC020] =	vst.add.f32.msk $0xffff, v3  }
0x4a1: {  	[tilespmem:s23+$0xC030] =	vst.add.f32.msk $0xffff, v4  }
0x4a2: {  	[tilespmem:s23+$0xC040] =	vst.add.f32.msk $0xffff, v5  }
0x4a3: {  	s24 =	simm.s32 $0x0;
	s25 =	simm.s32 $0x200;
	[tilespmem:s23+$0xC050] =	vst.add.f32.msk $0xffff, v6  }
.LBB2_52:
0x4a4: {  	s24 =	sadd.s32 $0x80, s24;
	[tilespmem:s23+$0xC060] =	vst.add.f32.msk $0xffff, v0;
	s23 =	sshra.s32 s25, $0x2  }
0x4a5: {  	v0 =	vld [tilespmem:s23+$0x70];
	p0 =	slt.u32 s24, $0x5F80  }
0x4a6: {  	v1 =	vld [tilespmem:s23+$0x0]  }
0x4a7: {  	v2 =	vld [tilespmem:s23+$0x10]  }
0x4a8: {  	v3 =	vld [tilespmem:s23+$0x20]  }
0x4a9: {  	v4 =	vld [tilespmem:s23+$0x30]  }
0x4aa: {  	[tilespmem:s23+$0xC070] =	vst.add.f32.msk $0xffff, v0  }
0x4ab: {  	v5 =	vld [tilespmem:s23+$0x40]  }
0x4ac: {  	v6 =	vld [tilespmem:s23+$0x50]  }
0x4ad: {  	v0 =	vld [tilespmem:s23+$0x60]  }
0x4ae: {  	[tilespmem:s23+$0xC000] =	vst.add.f32.msk $0xffff, v1  }
.Ltmp25:
0x4af: {  	[tilespmem:s23+$0xC010] =	vst.add.f32.msk $0xffff, v2;
	(pc) =	sbr.rel @p0 .LBB2_52-.Ltmp25, $4  }
0x4b0: {  	[tilespmem:s23+$0xC020] =	vst.add.f32.msk $0xffff, v3  }
0x4b1: {  	[tilespmem:s23+$0xC030] =	vst.add.f32.msk $0xffff, v4  }
0x4b2: {  	[tilespmem:s23+$0xC040] =	vst.add.f32.msk $0xffff, v5  }
0x4b3: {  	s25 =	sadd.s32 $0x200, s25;
	[tilespmem:s23+$0xC050] =	vst.add.f32.msk $0xffff, v6  }
0x4b4: {  	[tilespmem:s23+$0xC060] =	vst.add.f32.msk $0xffff, v0;
	s25 =	simm.s32 $0x0  }
0x4b5: {  	[hbm4b:s31+s25] =	stream.linear.scatter [tilespmem:s18], [sflag:$0x4], $0x6000, $0x38;
	[tilespmem:$0x12000] =	vst v63  }
0x4b6: {  	_ =	swait.ge [sflag:s17], $0x6000  }
0x4b7: {  	[sflag:s17] =	ssyncset.done $0x0  }
0x4b8: {  	[sflag:s17] =	ssyncadd.s32 $0xFFFFA000  }
0x4b9: {  	_ =	swait.ge [sflag:s20], $0x6000  }
0x4ba: {  	[sflag:s20] =	ssyncset.done $0x0  }
0x4bb: {  	s23 =	simm.s32 $0x0;
	[sflag:s20] =	ssyncadd.s32 $0xFFFFA000  }
0x4bc: {  	[tilespmem:s18], [sflag:$0x2] =	stream.linear.gather [hbm4b:s3+s25], $0x6000, $0x38;
	[tilespmem:$0x12000] =	vst v63  }
0x4bd: {  	v0 =	vld [tilespmem:s23+$0x70]  }
0x4be: {  	v1 =	vld [tilespmem:s23+$0x0]  }
0x4bf: {  	v2 =	vld [tilespmem:s23+$0x10]  }
0x4c0: {  	v3 =	vld [tilespmem:s23+$0x20]  }
0x4c1: {  	v4 =	vld [tilespmem:s23+$0x30]  }
0x4c2: {  	v5 =	vld [tilespmem:s23+$0x40]  }
0x4c3: {  	v6 =	vld [tilespmem:s23+$0x50]  }
0x4c4: {  	[tilespmem:s23+$0x6070] =	vst.add.f32.msk $0xffff, v0  }
0x4c5: {  	v0 =	vld [tilespmem:s23+$0x60]  }
0x4c6: {  	[tilespmem:s23+$0x6000] =	vst.add.f32.msk $0xffff, v1  }
0x4c7: {  	[tilespmem:s23+$0x6010] =	vst.add.f32.msk $0xffff, v2  }
0x4c8: {  	[tilespmem:s23+$0x6020] =	vst.add.f32.msk $0xffff, v3  }
0x4c9: {  	[tilespmem:s23+$0x6030] =	vst.add.f32.msk $0xffff, v4  }
0x4ca: {  	[tilespmem:s23+$0x6040] =	vst.add.f32.msk $0xffff, v5  }
0x4cb: {  	s24 =	simm.s32 $0x0;
	s25 =	simm.s32 $0x200;
	[tilespmem:s23+$0x6050] =	vst.add.f32.msk $0xffff, v6  }
.LBB2_54:
0x4cc: {  	s24 =	sadd.s32 $0x80, s24;
	[tilespmem:s23+$0x6060] =	vst.add.f32.msk $0xffff, v0;
	s23 =	sshra.s32 s25, $0x2  }
0x4cd: {  	v0 =	vld [tilespmem:s23+$0x70];
	p0 =	slt.u32 s24, $0x5F80  }
0x4ce: {  	v1 =	vld [tilespmem:s23+$0x0]  }
0x4cf: {  	v2 =	vld [tilespmem:s23+$0x10]  }
0x4d0: {  	v3 =	vld [tilespmem:s23+$0x20]  }
0x4d1: {  	v4 =	vld [tilespmem:s23+$0x30]  }
0x4d2: {  	[tilespmem:s23+$0x6070] =	vst.add.f32.msk $0xffff, v0  }
0x4d3: {  	v5 =	vld [tilespmem:s23+$0x40]  }
0x4d4: {  	v6 =	vld [tilespmem:s23+$0x50]  }
0x4d5: {  	v0 =	vld [tilespmem:s23+$0x60]  }
0x4d6: {  	[tilespmem:s23+$0x6000] =	vst.add.f32.msk $0xffff, v1  }
.Ltmp26:
0x4d7: {  	[tilespmem:s23+$0x6010] =	vst.add.f32.msk $0xffff, v2;
	(pc) =	sbr.rel @p0 .LBB2_54-.Ltmp26, $4  }
0x4d8: {  	[tilespmem:s23+$0x6020] =	vst.add.f32.msk $0xffff, v3  }
0x4d9: {  	[tilespmem:s23+$0x6030] =	vst.add.f32.msk $0xffff, v4  }
0x4da: {  	[tilespmem:s23+$0x6040] =	vst.add.f32.msk $0xffff, v5  }
0x4db: {  	s25 =	sadd.s32 $0x200, s25;
	[tilespmem:s23+$0x6050] =	vst.add.f32.msk $0xffff, v6  }
0x4dc: {  	[tilespmem:s23+$0x6060] =	vst.add.f32.msk $0xffff, v0;
	s25 =	simm.s32 $0x0  }
0x4dd: {  	[hbm4b:s2+s25] =	stream.linear.scatter [tilespmem:s15], [sflag:$0x3], $0x6000, $0x38;
	[tilespmem:$0x12000] =	vst v63  }
0x4de: {  	_ =	swait.ge [sflag:s19], $0x6000  }
0x4df: {  	[sflag:s19] =	ssyncset.done $0x0  }
0x4e0: {  	[sflag:s19] =	ssyncadd.s32 $0xFFFFA000  }
0x4e1: {  	_ =	swait.ge [sflag:s21], $0x6000  }
0x4e2: {  	[sflag:s21] =	ssyncset.done $0x0  }
0x4e3: {  	s23 =	simm.s32 $0x0;
	[sflag:s21] =	ssyncadd.s32 $0xFFFFA000  }
0x4e4: {  	[tilespmem:s15], [sflag:$0x1] =	stream.linear.gather [hbm4b:s6+s25], $0x6000, $0x38;
	[tilespmem:$0x12000] =	vst v63  }
0x4e5: {  	v0 =	vld [tilespmem:s23+$0x70]  }
0x4e6: {  	v1 =	vld [tilespmem:s23+$0x0]  }
0x4e7: {  	v2 =	vld [tilespmem:s23+$0x10]  }
0x4e8: {  	v3 =	vld [tilespmem:s23+$0x20]  }
0x4e9: {  	v4 =	vld [tilespmem:s23+$0x30]  }
0x4ea: {  	v5 =	vld [tilespmem:s23+$0x40]  }
0x4eb: {  	v6 =	vld [tilespmem:s23+$0x50]  }
0x4ec: {  	[tilespmem:s23+$0xC070] =	vst.add.f32.msk $0xffff, v0  }
0x4ed: {  	v0 =	vld [tilespmem:s23+$0x60]  }
0x4ee: {  	[tilespmem:s23+$0xC000] =	vst.add.f32.msk $0xffff, v1  }
0x4ef: {  	[tilespmem:s23+$0xC010] =	vst.add.f32.msk $0xffff, v2  }
0x4f0: {  	[tilespmem:s23+$0xC020] =	vst.add.f32.msk $0xffff, v3  }
0x4f1: {  	[tilespmem:s23+$0xC030] =	vst.add.f32.msk $0xffff, v4  }
0x4f2: {  	[tilespmem:s23+$0xC040] =	vst.add.f32.msk $0xffff, v5  }
0x4f3: {  	s24 =	simm.s32 $0x0;
	s25 =	simm.s32 $0x200;
	[tilespmem:s23+$0xC050] =	vst.add.f32.msk $0xffff, v6  }
.LBB2_56:
0x4f4: {  	s24 =	sadd.s32 $0x80, s24;
	[tilespmem:s23+$0xC060] =	vst.add.f32.msk $0xffff, v0;
	s23 =	sshra.s32 s25, $0x2  }
0x4f5: {  	v0 =	vld [tilespmem:s23+$0x70];
	p0 =	slt.u32 s24, $0x5F80  }
0x4f6: {  	v1 =	vld [tilespmem:s23+$0x0]  }
0x4f7: {  	v2 =	vld [tilespmem:s23+$0x10]  }
0x4f8: {  	v3 =	vld [tilespmem:s23+$0x20]  }
0x4f9: {  	v4 =	vld [tilespmem:s23+$0x30]  }
0x4fa: {  	[tilespmem:s23+$0xC070] =	vst.add.f32.msk $0xffff, v0  }
0x4fb: {  	v5 =	vld [tilespmem:s23+$0x40]  }
0x4fc: {  	v6 =	vld [tilespmem:s23+$0x50]  }
0x4fd: {  	v0 =	vld [tilespmem:s23+$0x60]  }
0x4fe: {  	[tilespmem:s23+$0xC000] =	vst.add.f32.msk $0xffff, v1  }
.Ltmp27:
0x4ff: {  	[tilespmem:s23+$0xC010] =	vst.add.f32.msk $0xffff, v2;
	(pc) =	sbr.rel @p0 .LBB2_56-.Ltmp27, $4  }
0x500: {  	[tilespmem:s23+$0xC020] =	vst.add.f32.msk $0xffff, v3  }
0x501: {  	[tilespmem:s23+$0xC030] =	vst.add.f32.msk $0xffff, v4  }
0x502: {  	[tilespmem:s23+$0xC040] =	vst.add.f32.msk $0xffff, v5  }
0x503: {  	s25 =	sadd.s32 $0x200, s25;
	[tilespmem:s23+$0xC050] =	vst.add.f32.msk $0xffff, v6  }
0x504: {  	[tilespmem:s23+$0xC060] =	vst.add.f32.msk $0xffff, v0;
	s25 =	simm.s32 $0x0  }
0x505: {  	[hbm4b:s4+s25] =	stream.linear.scatter [tilespmem:s18], [sflag:$0x4], $0x6000, $0x38;
	[tilespmem:$0x12000] =	vst v63  }
0x506: {  	_ = 	snop  }
0x507: {  	[tilespmem:s25], [sflag:$0x5] =	stream.linear.gather [hbm4b:s5+s25], $0x6000, $0x38;
	[tilespmem:$0x12000] =	vst v63  }
0x508: {  	_ =	swait.ge [sflag:s16], $0x6000  }
0x509: {  	[sflag:s16] =	ssyncset.done $0x0  }
0x50a: {  	[sflag:s16] =	ssyncadd.s32 $0xFFFFA000  }
0x50b: {  	_ =	swait.ge [sflag:s17], $0x6000  }
0x50c: {  	[sflag:s17] =	ssyncset.done $0x0  }
0x50d: {  	[sflag:s17] =	ssyncadd.s32 $0xFFFFA000  }
0x50e: {  	_ =	swait.ge [sflag:s20], $0x6000  }
0x50f: {  	[sflag:s20] =	ssyncset.done $0x0  }
0x510: {  	s23 =	simm.s32 $0x0;
	[sflag:s20] =	ssyncadd.s32 $0xFFFFA000  }
0x511: {  	[tilespmem:s18], [sflag:$0x2] =	stream.linear.gather [hbm4b:s8+s25], $0x6000, $0x38;
	[tilespmem:$0x12000] =	vst v63  }
0x512: {  	v0 =	vld [tilespmem:s23+$0x70]  }
0x513: {  	v1 =	vld [tilespmem:s23+$0x0]  }
0x514: {  	v2 =	vld [tilespmem:s23+$0x10]  }
0x515: {  	v3 =	vld [tilespmem:s23+$0x20]  }
0x516: {  	v4 =	vld [tilespmem:s23+$0x30]  }
0x517: {  	v5 =	vld [tilespmem:s23+$0x40]  }
0x518: {  	v6 =	vld [tilespmem:s23+$0x50]  }
0x519: {  	[tilespmem:s23+$0x6070] =	vst.add.f32.msk $0xffff, v0  }
0x51a: {  	v0 =	vld [tilespmem:s23+$0x60]  }
0x51b: {  	[tilespmem:s23+$0x6000] =	vst.add.f32.msk $0xffff, v1  }
0x51c: {  	[tilespmem:s23+$0x6010] =	vst.add.f32.msk $0xffff, v2  }
0x51d: {  	[tilespmem:s23+$0x6020] =	vst.add.f32.msk $0xffff, v3  }
0x51e: {  	[tilespmem:s23+$0x6030] =	vst.add.f32.msk $0xffff, v4  }
0x51f: {  	[tilespmem:s23+$0x6040] =	vst.add.f32.msk $0xffff, v5  }
0x520: {  	s24 =	simm.s32 $0x0;
	s25 =	simm.s32 $0x200;
	[tilespmem:s23+$0x6050] =	vst.add.f32.msk $0xffff, v6  }
.LBB2_58:
0x521: {  	s24 =	sadd.s32 $0x80, s24;
	[tilespmem:s23+$0x6060] =	vst.add.f32.msk $0xffff, v0;
	s23 =	sshra.s32 s25, $0x2  }
0x522: {  	v0 =	vld [tilespmem:s23+$0x70];
	p0 =	slt.u32 s24, $0x5F80  }
0x523: {  	v1 =	vld [tilespmem:s23+$0x0]  }
0x524: {  	v2 =	vld [tilespmem:s23+$0x10]  }
0x525: {  	v3 =	vld [tilespmem:s23+$0x20]  }
0x526: {  	v4 =	vld [tilespmem:s23+$0x30]  }
0x527: {  	[tilespmem:s23+$0x6070] =	vst.add.f32.msk $0xffff, v0  }
0x528: {  	v5 =	vld [tilespmem:s23+$0x40]  }
0x529: {  	v6 =	vld [tilespmem:s23+$0x50]  }
0x52a: {  	v0 =	vld [tilespmem:s23+$0x60]  }
0x52b: {  	[tilespmem:s23+$0x6000] =	vst.add.f32.msk $0xffff, v1  }
.Ltmp28:
0x52c: {  	[tilespmem:s23+$0x6010] =	vst.add.f32.msk $0xffff, v2;
	(pc) =	sbr.rel @p0 .LBB2_58-.Ltmp28, $4  }
0x52d: {  	[tilespmem:s23+$0x6020] =	vst.add.f32.msk $0xffff, v3  }
0x52e: {  	[tilespmem:s23+$0x6030] =	vst.add.f32.msk $0xffff, v4  }
0x52f: {  	[tilespmem:s23+$0x6040] =	vst.add.f32.msk $0xffff, v5  }
0x530: {  	s25 =	sadd.s32 $0x200, s25;
	[tilespmem:s23+$0x6050] =	vst.add.f32.msk $0xffff, v6  }
0x531: {  	[tilespmem:s23+$0x6060] =	vst.add.f32.msk $0xffff, v0;
	s25 =	simm.s32 $0x0  }
0x532: {  	[hbm4b:s7+s25] =	stream.linear.scatter [tilespmem:s15], [sflag:$0x3], $0x6000, $0x38;
	[tilespmem:$0x12000] =	vst v63  }
0x533: {  	_ =	swait.ge [sflag:s19], $0x6000  }
0x534: {  	[sflag:s19] =	ssyncset.done $0x0  }
0x535: {  	[sflag:s19] =	ssyncadd.s32 $0xFFFFA000  }
0x536: {  	_ =	swait.ge [sflag:s21], $0x6000  }
0x537: {  	[sflag:s21] =	ssyncset.done $0x0  }
0x538: {  	s23 =	simm.s32 $0x0;
	[sflag:s21] =	ssyncadd.s32 $0xFFFFA000  }
0x539: {  	[tilespmem:s15], [sflag:$0x1] =	stream.linear.gather [hbm4b:s10+s25], $0x6000, $0x38;
	[tilespmem:$0x12000] =	vst v63  }
0x53a: {  	v0 =	vld [tilespmem:s23+$0x70]  }
0x53b: {  	v1 =	vld [tilespmem:s23+$0x0]  }
0x53c: {  	v2 =	vld [tilespmem:s23+$0x10]  }
0x53d: {  	v3 =	vld [tilespmem:s23+$0x20]  }
0x53e: {  	v4 =	vld [tilespmem:s23+$0x30]  }
0x53f: {  	v5 =	vld [tilespmem:s23+$0x40]  }
0x540: {  	v6 =	vld [tilespmem:s23+$0x50]  }
0x541: {  	[tilespmem:s23+$0xC070] =	vst.add.f32.msk $0xffff, v0  }
0x542: {  	v0 =	vld [tilespmem:s23+$0x60]  }
0x543: {  	[tilespmem:s23+$0xC000] =	vst.add.f32.msk $0xffff, v1  }
0x544: {  	[tilespmem:s23+$0xC010] =	vst.add.f32.msk $0xffff, v2  }
0x545: {  	[tilespmem:s23+$0xC020] =	vst.add.f32.msk $0xffff, v3  }
0x546: {  	[tilespmem:s23+$0xC030] =	vst.add.f32.msk $0xffff, v4  }
0x547: {  	[tilespmem:s23+$0xC040] =	vst.add.f32.msk $0xffff, v5  }
0x548: {  	s24 =	simm.s32 $0x0;
	s25 =	simm.s32 $0x200;
	[tilespmem:s23+$0xC050] =	vst.add.f32.msk $0xffff, v6  }
.LBB2_60:
0x549: {  	s24 =	sadd.s32 $0x80, s24;
	[tilespmem:s23+$0xC060] =	vst.add.f32.msk $0xffff, v0;
	s23 =	sshra.s32 s25, $0x2  }
0x54a: {  	v0 =	vld [tilespmem:s23+$0x70];
	p0 =	slt.u32 s24, $0x5F80  }
0x54b: {  	v1 =	vld [tilespmem:s23+$0x0]  }
0x54c: {  	v2 =	vld [tilespmem:s23+$0x10]  }
0x54d: {  	v3 =	vld [tilespmem:s23+$0x20]  }
0x54e: {  	v4 =	vld [tilespmem:s23+$0x30]  }
0x54f: {  	[tilespmem:s23+$0xC070] =	vst.add.f32.msk $0xffff, v0  }
0x550: {  	v5 =	vld [tilespmem:s23+$0x40]  }
0x551: {  	v6 =	vld [tilespmem:s23+$0x50]  }
0x552: {  	v0 =	vld [tilespmem:s23+$0x60]  }
0x553: {  	[tilespmem:s23+$0xC000] =	vst.add.f32.msk $0xffff, v1  }
.Ltmp29:
0x554: {  	[tilespmem:s23+$0xC010] =	vst.add.f32.msk $0xffff, v2;
	(pc) =	sbr.rel @p0 .LBB2_60-.Ltmp29, $4  }
0x555: {  	[tilespmem:s23+$0xC020] =	vst.add.f32.msk $0xffff, v3  }
0x556: {  	[tilespmem:s23+$0xC030] =	vst.add.f32.msk $0xffff, v4  }
0x557: {  	[tilespmem:s23+$0xC040] =	vst.add.f32.msk $0xffff, v5  }
0x558: {  	s25 =	sadd.s32 $0x200, s25;
	[tilespmem:s23+$0xC050] =	vst.add.f32.msk $0xffff, v6  }
0x559: {  	[tilespmem:s23+$0xC060] =	vst.add.f32.msk $0xffff, v0;
	s25 =	simm.s32 $0x0  }
0x55a: {  	[hbm4b:s9+s25] =	stream.linear.scatter [tilespmem:s18], [sflag:$0x4], $0x6000, $0x38;
	[tilespmem:$0x12000] =	vst v63  }
0x55b: {  	_ =	swait.ge [sflag:s17], $0x6000  }
0x55c: {  	[sflag:s17] =	ssyncset.done $0x0  }
0x55d: {  	[sflag:s17] =	ssyncadd.s32 $0xFFFFA000  }
0x55e: {  	_ =	swait.ge [sflag:s20], $0x6000  }
0x55f: {  	[sflag:s20] =	ssyncset.done $0x0  }
0x560: {  	s23 =	simm.s32 $0x0;
	[sflag:s20] =	ssyncadd.s32 $0xFFFFA000  }
0x561: {  	[tilespmem:s18], [sflag:$0x2] =	stream.linear.gather [hbm4b:s11+s25], $0x6000, $0x38;
	[tilespmem:$0x12000] =	vst v63  }
0x562: {  	v0 =	vld [tilespmem:s23+$0x70]  }
0x563: {  	v1 =	vld [tilespmem:s23+$0x0]  }
0x564: {  	v2 =	vld [tilespmem:s23+$0x10]  }
0x565: {  	v3 =	vld [tilespmem:s23+$0x20]  }
0x566: {  	v4 =	vld [tilespmem:s23+$0x30]  }
0x567: {  	v5 =	vld [tilespmem:s23+$0x40]  }
0x568: {  	v6 =	vld [tilespmem:s23+$0x50]  }
0x569: {  	[tilespmem:s23+$0x6070] =	vst.add.f32.msk $0xffff, v0  }
0x56a: {  	v0 =	vld [tilespmem:s23+$0x60]  }
0x56b: {  	[tilespmem:s23+$0x6000] =	vst.add.f32.msk $0xffff, v1  }
0x56c: {  	[tilespmem:s23+$0x6010] =	vst.add.f32.msk $0xffff, v2  }
0x56d: {  	[tilespmem:s23+$0x6020] =	vst.add.f32.msk $0xffff, v3  }
0x56e: {  	[tilespmem:s23+$0x6030] =	vst.add.f32.msk $0xffff, v4  }
0x56f: {  	[tilespmem:s23+$0x6040] =	vst.add.f32.msk $0xffff, v5  }
0x570: {  	s24 =	simm.s32 $0x0;
	s25 =	simm.s32 $0x200;
	[tilespmem:s23+$0x6050] =	vst.add.f32.msk $0xffff, v6  }
.LBB2_62:
0x571: {  	s24 =	sadd.s32 $0x80, s24;
	[tilespmem:s23+$0x6060] =	vst.add.f32.msk $0xffff, v0;
	s23 =	sshra.s32 s25, $0x2  }
0x572: {  	v0 =	vld [tilespmem:s23+$0x70];
	p0 =	slt.u32 s24, $0x5F80  }
0x573: {  	v1 =	vld [tilespmem:s23+$0x0]  }
0x574: {  	v2 =	vld [tilespmem:s23+$0x10]  }
0x575: {  	v3 =	vld [tilespmem:s23+$0x20]  }
0x576: {  	v4 =	vld [tilespmem:s23+$0x30]  }
0x577: {  	[tilespmem:s23+$0x6070] =	vst.add.f32.msk $0xffff, v0  }
0x578: {  	v5 =	vld [tilespmem:s23+$0x40]  }
0x579: {  	v6 =	vld [tilespmem:s23+$0x50]  }
0x57a: {  	v0 =	vld [tilespmem:s23+$0x60]  }
0x57b: {  	[tilespmem:s23+$0x6000] =	vst.add.f32.msk $0xffff, v1  }
.Ltmp30:
0x57c: {  	[tilespmem:s23+$0x6010] =	vst.add.f32.msk $0xffff, v2;
	(pc) =	sbr.rel @p0 .LBB2_62-.Ltmp30, $4  }
0x57d: {  	[tilespmem:s23+$0x6020] =	vst.add.f32.msk $0xffff, v3  }
0x57e: {  	[tilespmem:s23+$0x6030] =	vst.add.f32.msk $0xffff, v4  }
0x57f: {  	[tilespmem:s23+$0x6040] =	vst.add.f32.msk $0xffff, v5  }
0x580: {  	s25 =	sadd.s32 $0x200, s25;
	[tilespmem:s23+$0x6050] =	vst.add.f32.msk $0xffff, v6  }
0x581: {  	[tilespmem:s23+$0x6060] =	vst.add.f32.msk $0xffff, v0;
	s25 =	simm.s32 $0x0  }
0x582: {  	[hbm4b:s12+s25] =	stream.linear.scatter [tilespmem:s15], [sflag:$0x3], $0x6000, $0x38;
	[tilespmem:$0x12000] =	vst v63  }
0x583: {  	_ =	swait.ge [sflag:s19], $0x6000  }
0x584: {  	[sflag:s19] =	ssyncset.done $0x0  }
0x585: {  	[sflag:s19] =	ssyncadd.s32 $0xFFFFA000  }
0x586: {  	_ =	swait.ge [sflag:s21], $0x6000  }
0x587: {  	[sflag:s21] =	ssyncset.done $0x0  }
0x588: {  	s23 =	simm.s32 $0x0;
	[sflag:s21] =	ssyncadd.s32 $0xFFFFA000  }
0x589: {  	v0 =	vld [tilespmem:s23+$0x70]  }
0x58a: {  	v1 =	vld [tilespmem:s23+$0x0]  }
0x58b: {  	v2 =	vld [tilespmem:s23+$0x10]  }
0x58c: {  	v3 =	vld [tilespmem:s23+$0x20]  }
0x58d: {  	v4 =	vld [tilespmem:s23+$0x30]  }
0x58e: {  	v5 =	vld [tilespmem:s23+$0x40]  }
0x58f: {  	v6 =	vld [tilespmem:s23+$0x50]  }
0x590: {  	[tilespmem:s23+$0xC070] =	vst.add.f32.msk $0xffff, v0  }
0x591: {  	v0 =	vld [tilespmem:s23+$0x60]  }
0x592: {  	[tilespmem:s23+$0xC000] =	vst.add.f32.msk $0xffff, v1  }
0x593: {  	[tilespmem:s23+$0xC010] =	vst.add.f32.msk $0xffff, v2  }
0x594: {  	[tilespmem:s23+$0xC020] =	vst.add.f32.msk $0xffff, v3  }
0x595: {  	[tilespmem:s23+$0xC030] =	vst.add.f32.msk $0xffff, v4  }
0x596: {  	[tilespmem:s23+$0xC040] =	vst.add.f32.msk $0xffff, v5  }
0x597: {  	s24 =	simm.s32 $0x0;
	s25 =	simm.s32 $0x200;
	[tilespmem:s23+$0xC050] =	vst.add.f32.msk $0xffff, v6  }
.LBB2_64:
0x598: {  	s24 =	sadd.s32 $0x80, s24;
	[tilespmem:s23+$0xC060] =	vst.add.f32.msk $0xffff, v0;
	s23 =	sshra.s32 s25, $0x2  }
0x599: {  	v0 =	vld [tilespmem:s23+$0x70];
	p0 =	slt.u32 s24, $0x5F80  }
0x59a: {  	v1 =	vld [tilespmem:s23+$0x0]  }
0x59b: {  	v2 =	vld [tilespmem:s23+$0x10]  }
0x59c: {  	v3 =	vld [tilespmem:s23+$0x20]  }
0x59d: {  	v4 =	vld [tilespmem:s23+$0x30]  }
0x59e: {  	[tilespmem:s23+$0xC070] =	vst.add.f32.msk $0xffff, v0  }
0x59f: {  	v5 =	vld [tilespmem:s23+$0x40]  }
0x5a0: {  	v6 =	vld [tilespmem:s23+$0x50]  }
0x5a1: {  	v0 =	vld [tilespmem:s23+$0x60]  }
0x5a2: {  	[tilespmem:s23+$0xC000] =	vst.add.f32.msk $0xffff, v1  }
.Ltmp31:
0x5a3: {  	[tilespmem:s23+$0xC010] =	vst.add.f32.msk $0xffff, v2;
	(pc) =	sbr.rel @p0 .LBB2_64-.Ltmp31, $4  }
0x5a4: {  	[tilespmem:s23+$0xC020] =	vst.add.f32.msk $0xffff, v3  }
0x5a5: {  	[tilespmem:s23+$0xC030] =	vst.add.f32.msk $0xffff, v4  }
0x5a6: {  	[tilespmem:s23+$0xC040] =	vst.add.f32.msk $0xffff, v5  }
0x5a7: {  	s25 =	sadd.s32 $0x200, s25;
	[tilespmem:s23+$0xC050] =	vst.add.f32.msk $0xffff, v6  }
0x5a8: {  	[tilespmem:s23+$0xC060] =	vst.add.f32.msk $0xffff, v0;
	s22 =	sadd.s32 $0x1, s22  }
0x5a9: {  	[hbm4b:s13+s1] =	stream.linear.scatter [tilespmem:s18], [sflag:$0x4], $0x6000, $0x38;
	[tilespmem:$0x12000] =	vst v63  }
0x5aa: {  	p0 =	sne.s32 s22, s14;
	_ =	swait.ge [sflag:s20], $0x6000  }
.Ltmp32:
0x5ab: {  	[sflag:s20] =	ssyncset.done $0x0;
	(pc) =	sbr.rel @p0 .LBB2_1-.Ltmp32, $4  }
0x5ac: {  	[sflag:s20] =	ssyncadd.s32 $0xFFFFA000  }
0x5ad: {  	_ =	swait.ge [sflag:s21], $0x6000  }
0x5ae: {  	[sflag:s21] =	ssyncset.done $0x0  }
0x5af: {  	[sflag:s21] =	ssyncadd.s32 $0xFFFFA000  }
0x5b0: {  	_ =	sfence.sel $0x180000  }
0x5b1: {  	[bflag:$0x0] =	sbarrier.arrive $0xFFFF  }
0x5b2: {  	_ =	strace $0x90000047  }
0x5b3: {  	s0 =	stileid.u32;
	[bflag:$0x2] =	sbarrier.arrive $0xFFFF  }
0x5b4: {  	p0 =	sne.s32 s0, $0x0;
	s0 =	rddreg [dreg:$0x2]  }
0x5b5: {  	s0 =	sadd.s32 @!p0 $0x100000, s0  }
0x5b6: {  	[sflag:s0] =	ssyncadd.tile.s32 @!p0 $0x1;
	_ =	shalt  }
.Lfunc_end2:
_tile_overlayer_lowered:
.L_overlay_start_2:
0x5b7: {  	(tag) =	ssettag $0x2  }
0x5b8: {  	s0 =	rddreg [dreg:$0x0];
	s2 =	stileid.u32  }
0x5b9: {  	s1 =	rddreg [dreg:$0x1];
	p0 =	sne.s32 s2, $0x0  }
0x5ba: {  	s3 =	rddreg [dreg:$0x2];
	[bflag:$0x3] =	sbarrier.arrive $0xFFFF;
	s2 =	simm.s32 @!p0 $0x1C05  }
0x5bb: {  	[timem:s3], [sflag:s2] =	dma.local @!p0 [hbm:s0], s1  }
0x5bc: {  	s0 =	simm.s32 @!p0 $0x5  }
0x5bd: {  	_ =	swait.ge @!p0 [sflag:s0], s1  }
0x5be: {  	s1 =	ssub.s32 @!p0 $0x0, s1;
	[sflag:s0] =	ssyncset.done @!p0 $0x0  }
0x5bf: {  	[sflag:s0] =	ssyncadd.s32 @!p0 s1  }
0x5c0: {  	[bflag:$0x3] =	sbarrier.arrive $0xFFFF  }
0x5c1: {  	_ =	shalt  }

</sc_bundles>
